<compile_context>
chip_gen: v7x
topology: tpu7x:2x2x1
jax: 0.10.2.dev20260603
libtpu: 0.0.44.dev20260713+nightly
codegen_flags: <defaults>
</compile_context>

<pallas_src>
import functools

import jax
import jax.numpy as jnp
from jax import lax
from jax.experimental import pallas as pl
from jax.experimental.pallas import tpu as pltpu
from jax.experimental.pallas import tpu_sc as plsc

F32 = jnp.float32
I32 = jnp.int32
_H = 256
_NW = 32
_CHUNK = 128


def _silu(v):
    return v * jax.nn.sigmoid(v)


def _sc_mesh():
    return plsc.VectorSubcoreMesh(core_axis_name="c", subcore_axis_name="s")


_SC_PARAMS = pltpu.CompilerParams(needs_layout_passes=False)


def _premul_body(x_ref, w1a_ref, w1b_ref, b1_ref, wp_ref, bp_ref,
                 xa_ref, xb_ref, pp_ref):
    x = x_ref[...]
    xa_ref[...] = jnp.dot(x, w1a_ref[...], preferred_element_type=F32)
    xb_ref[...] = jnp.dot(x, w1b_ref[...], preferred_element_type=F32) + b1_ref[...]
    pp_ref[...] = jnp.dot(x, wp_ref[...], preferred_element_type=F32) + bp_ref[...]


def _premul(x, w1a, w1b, b1, wp, bp, nb=1000):
    n = x.shape[0]
    grid = (n // nb,)
    full = lambda r, c: pl.BlockSpec((r, c), lambda i: (0, 0))
    blk = lambda c: pl.BlockSpec((nb, c), lambda i: (i, 0))
    return pl.pallas_call(
        _premul_body,
        grid=grid,
        in_specs=[blk(_H), full(_H, _H), full(_H, _H), full(1, _H),
                  full(_H, 8), full(1, 8)],
        out_specs=[blk(_H), blk(_H), blk(8)],
        out_shape=[jax.ShapeDtypeStruct((n, _H), F32),
                   jax.ShapeDtypeStruct((n, _H), F32),
                   jax.ShapeDtypeStruct((n, 8), F32)],
    )(x, w1a, w1b, b1, wp, bp)


def _h1pre_body(nchunks, xa_hbm, xb_hbm, st_hbm, en_hbm, out_hbm,
                ia, ib, ba, bb, sem):
    c = lax.axis_index("c")
    s = lax.axis_index("s")
    wid = s * 2 + c
    per = nchunks // _NW
    extra = nchunks - per * _NW
    nch = jnp.where(wid < extra, per + 1, per)
    cbase = jnp.where(wid < extra, (per + 1) * wid,
                      extra * (per + 1) + per * (wid - extra))

    def chunk(ci, _):
        off = (cbase + ci) * _CHUNK
        pltpu.sync_copy(st_hbm.at[pl.ds(off, _CHUNK)], ia)
        pltpu.sync_copy(en_hbm.at[pl.ds(off, _CHUNK)], ib)
        da = pltpu.async_copy(xa_hbm.at[ia], ba, sem)
        db = pltpu.async_copy(xb_hbm.at[ib], bb, sem)
        da.wait()
        db.wait()

        def row(r, _):
            for k in range(_H // 16):
                sl = pl.ds(k * 16, 16)
                plsc.addupdate(ba.at[r, sl], bb[r, sl])
            return 0

        lax.fori_loop(0, _CHUNK, row, 0)
        pltpu.sync_copy(ba, out_hbm.at[pl.ds(off, _CHUNK)])
        return 0

    lax.fori_loop(0, nch, chunk, 0)


def _sc_gather_h1pre(xa, xb, st, en):
    e = st.shape[0]
    nchunks = e // _CHUNK
    body = functools.partial(_h1pre_body, nchunks)
    f = pl.kernel(
        body,
        out_type=jax.ShapeDtypeStruct((e, _H), F32),
        mesh=_sc_mesh(),
        compiler_params=_SC_PARAMS,
        scratch_types=[
            pltpu.VMEM((_CHUNK,), I32),
            pltpu.VMEM((_CHUNK,), I32),
            pltpu.VMEM((_CHUNK, _H), F32),
            pltpu.VMEM((_CHUNK, _H), F32),
            pltpu.SemaphoreType.DMA,
        ],
    )
    return f(xa, xb, st, en)


_GC = 1000


def _geom_body(n3, xtra_hbm, st_hbm, en_hbm, gout_hbm,
               tp, ta, tb, ivs, ive, gbuf):
    c = lax.axis_index("c")
    s = lax.axis_index("s")
    wid = s * 2 + c
    pltpu.sync_copy(xtra_hbm.at[pl.ds(0, n3)], tp)
    pltpu.sync_copy(xtra_hbm.at[pl.ds(n3, n3)], ta)
    pltpu.sync_copy(xtra_hbm.at[pl.ds(2 * n3, n3)], tb)
    iota = lax.iota(I32, 16)

    def chunk(ci, _):
        off = (wid * 5 + ci) * _GC
        pltpu.sync_copy(st_hbm.at[pl.ds(off, _GC)], ivs)
        pltpu.sync_copy(en_hbm.at[pl.ds(off, _GC)], ive)

        def group(g, _):
            o = jnp.minimum(g * 16, _GC - 16)
            isv = ivs[pl.ds(o, 16)] * 3
            iev = ive[pl.ds(o, 16)] * 3
            dx = plsc.load_gather(tp, [isv]) - plsc.load_gather(tp, [iev])
            dy = plsc.load_gather(tp, [isv + 1]) - plsc.load_gather(tp, [iev + 1])
            dz = plsc.load_gather(tp, [isv + 2]) - plsc.load_gather(tp, [iev + 2])
            d2 = dx * dx + dy * dy + dz * dz
            ax = plsc.load_gather(ta, [isv]) + plsc.load_gather(tb, [iev])
            ay = plsc.load_gather(ta, [isv + 1]) + plsc.load_gather(tb, [iev + 1])
            az = plsc.load_gather(ta, [isv + 2]) + plsc.load_gather(tb, [iev + 2])
            gb = (o + iota) * 8
            plsc.store_scatter(gbuf, [gb], d2)
            plsc.store_scatter(gbuf, [gb + 1], ax)
            plsc.store_scatter(gbuf, [gb + 2], ay)
            plsc.store_scatter(gbuf, [gb + 3], az)
            return 0

        lax.fori_loop(0, (_GC + 15) // 16, group, 0)
        pltpu.sync_copy(gbuf, gout_hbm.at[pl.ds(off * 8, _GC * 8)])
        return 0

    lax.fori_loop(0, 5, chunk, 0)


def _sc_geom(xtra, st, en, n):
    e = st.shape[0]
    n3 = 3 * n
    body = functools.partial(_geom_body, n3)
    f = pl.kernel(
        body,
        out_type=jax.ShapeDtypeStruct((e * 8,), F32),
        mesh=_sc_mesh(),
        compiler_params=_SC_PARAMS,
        scratch_types=[
            pltpu.VMEM((n3,), F32),
            pltpu.VMEM((n3,), F32),
            pltpu.VMEM((n3,), F32),
            pltpu.VMEM((_GC,), I32),
            pltpu.VMEM((_GC,), I32),
            pltpu.VMEM((_GC * 8,), F32),
        ],
    )
    return f(xtra, st, en)


def _edge_body(h1pre_ref, geom_ref, w1c_ref, w2_ref, b2_ref, finf_ref,
               finfb_ref, wpc_ref, wp2_ref, bp2_ref, inv_n_ref,
               msgl_ref, msgr_ref, pmsg_ref):
    d2 = geom_ref[:, 0:1]
    dist = jnp.sqrt(d2)
    h1 = _silu(h1pre_ref[...] + dist * w1c_ref[...])
    m = _silu(jnp.dot(h1, w2_ref[...], preferred_element_type=F32) + b2_ref[...])
    logit = jnp.sum(m * finf_ref[...], axis=1, keepdims=True) + finfb_ref[...]
    msg = jax.nn.sigmoid(logit) * m
    msgl_ref[...] = msg[:, 0:_H // 2]
    msgr_ref[...] = msg[:, _H // 2:]
    ps = geom_ref[:, 1:4]
    p1 = _silu(ps + dist * wpc_ref[0:1, 0:3])
    mpos = (p1[:, 0:1] * wp2_ref[0:1, 0:3]
            + p1[:, 1:2] * wp2_ref[1:2, 0:3]
            + p1[:, 2:3] * wp2_ref[2:3, 0:3]) + bp2_ref[0:1, 0:3]
    mpos = _silu(mpos)
    sc = dist * inv_n_ref[0, 0]
    pmsg_ref[...] = jnp.concatenate(
        [sc * mpos, jnp.zeros((mpos.shape[0], 5), F32)], axis=1)


def _edge_mlp(h1pre, geom, w1c, w2, b2, finf_row, finf_b, wpc, wp2, bp2,
              inv_n, eb=1000):
    e = h1pre.shape[0]
    grid = (e // eb,)
    full = lambda r, c: pl.BlockSpec((r, c), lambda i: (0, 0))
    blk = lambda c: pl.BlockSpec((eb, c), lambda i: (i, 0))
    return pl.pallas_call(
        _edge_body,
        grid=grid,
        in_specs=[blk(_H), blk(8), full(1, _H), full(_H, _H), full(1, _H),
                  full(1, _H), full(1, 1), full(1, 8), full(8, 8),
                  full(1, 8), full(1, 1)],
        out_specs=[blk(_H // 2), blk(_H // 2), blk(8)],
        out_shape=[jax.ShapeDtypeStruct((e, _H // 2), F32),
                   jax.ShapeDtypeStruct((e, _H // 2), F32),
                   jax.ShapeDtypeStruct((e, 8), F32)],
    )(h1pre, geom, w1c, w2, b2, finf_row, finf_b, wpc, wp2, bp2, inv_n)


def _scatter_body(e, n, msgl_hbm, msgr_hbm, pmsg_hbm, st_hbm, z_hbm, zp_hbm,
                  mil_hbm, mir_hbm, mip_hbm, ebig,
                  libuf0, libuf1, mbuf0, mbuf1, pbuf0, pbuf1,
                  lsem0, lsem1, acc, accp):
    del ebig, mbuf1, pbuf1, lsem0, lsem1
    ebuf, libuf, mbuf, pbuf = libuf0, libuf1, mbuf0, pbuf0
    c = lax.axis_index("c")
    s = lax.axis_index("s")
    half = n // 2
    rows = acc.shape[0]
    zper = rows // 16
    hw = _H // 2

    nchunks = e // _CHUNK
    per = nchunks // 16
    extra = nchunks - per * 16
    nch = jnp.where(s < extra, per + 1, per)
    cbase = jnp.where(s < extra, (per + 1) * s,
                      extra * (per + 1) + per * (s - extra))
    cper = (half // 16) // 8 * 8
    rem = half - 16 * cper

    def one_pass(p, _):
        lo = p * half
        pm = c == 0
        pltpu.sync_copy(z_hbm.at[pl.ds(s * zper, zper)],
                        acc.at[pl.ds(s * zper, zper)])
        pltpu.sync_copy(zp_hbm.at[pl.ds(s * zper, zper)],
                        accp.at[pl.ds(s * zper, zper)])
        plsc.subcore_barrier()

        dump = half + lax.iota(I32, 16)

        def chunk(ci, _):
            off = (cbase + ci) * _CHUNK
            pltpu.sync_copy(st_hbm.at[pl.ds(off, _CHUNK)], ebuf)

            @pl.when(c == 0)
            def _():
                pltpu.sync_copy(msgl_hbm.at[pl.ds(off, _CHUNK)], mbuf)

            @pl.when(c == 1)
            def _():
                pltpu.sync_copy(msgr_hbm.at[pl.ds(off, _CHUNK)], mbuf)

            @pl.when(pm)
            def _():
                pltpu.sync_copy(pmsg_hbm.at[pl.ds(off, _CHUNK)], pbuf)

            for g in range(_CHUNK // 16):
                sl = pl.ds(g * 16, 16)
                li = ebuf[sl] - lo
                ok = (li >= 0) & (li < half)
                libuf[sl] = jnp.where(ok, li, dump)
            pltpu.sync_copy(mbuf, acc.at[libuf], add=True)

            @pl.when(pm)
            def _():
                pltpu.sync_copy(pbuf, accp.at[libuf], add=True)

            return 0

        lax.fori_loop(0, nch, chunk, 0)
        plsc.subcore_barrier()

        @pl.when(c == 0)
        def _():
            pltpu.sync_copy(acc.at[pl.ds(s * cper, cper)],
                            mil_hbm.at[pl.ds(lo + s * cper, cper)])

            @pl.when((s == 0) & (rem > 0))
            def _():
                pltpu.sync_copy(acc.at[pl.ds(16 * cper, rem)],
                                mil_hbm.at[pl.ds(lo + 16 * cper, rem)])

        @pl.when(c == 1)
        def _():
            pltpu.sync_copy(acc.at[pl.ds(s * cper, cper)],
                            mir_hbm.at[pl.ds(lo + s * cper, cper)])

            @pl.when((s == 0) & (rem > 0))
            def _():
                pltpu.sync_copy(acc.at[pl.ds(16 * cper, rem)],
                                mir_hbm.at[pl.ds(lo + 16 * cper, rem)])

        @pl.when(pm)
        def _():
            pltpu.sync_copy(accp.at[pl.ds(s * cper, cper)],
                            mip_hbm.at[pl.ds(lo + s * cper, cper)])

            @pl.when((s == 0) & (rem > 0))
            def _():
                pltpu.sync_copy(accp.at[pl.ds(16 * cper, rem)],
                                mip_hbm.at[pl.ds(lo + 16 * cper, rem)])

        plsc.subcore_barrier()
        return 0

    lax.fori_loop(0, 2, one_pass, 0)


def _sc_scatter(msgl, msgr, pmsg, st, n):
    e = st.shape[0]
    half = n // 2
    rows = ((half + 1 + 255) // 256) * 256
    hw = _H // 2
    z = jnp.zeros((rows, hw), F32)
    zp = jnp.zeros((rows, 8), F32)
    body = functools.partial(_scatter_body, e, n)
    f = pl.kernel(
        body,
        out_type=[jax.ShapeDtypeStruct((n, hw), F32),
                  jax.ShapeDtypeStruct((n, hw), F32),
                  jax.ShapeDtypeStruct((n, 8), F32)],
        mesh=_sc_mesh(),
        compiler_params=_SC_PARAMS,
        scratch_types=[
            pltpu.VMEM((80 * _CHUNK,), I32),
            pltpu.VMEM((_CHUNK,), I32),
            pltpu.VMEM((_CHUNK,), I32),
            pltpu.VMEM((_CHUNK, hw), F32),
            pltpu.VMEM((_CHUNK, hw), F32),
            pltpu.VMEM((_CHUNK, 8), F32),
            pltpu.VMEM((_CHUNK, 8), F32),
            pltpu.SemaphoreType.DMA,
            pltpu.SemaphoreType.DMA,
            pltpu.VMEM_SHARED((rows, hw), F32),
            pltpu.VMEM_SHARED((rows, 8), F32),
        ],
    )
    return f(msgl, msgr, pmsg, st, z, zp)


def _node_body(x_ref, mil_ref, mir_ref, pos_ref, mip_ref, w1a_ref,
               w1bl_ref, w1br_ref, b1_ref,
               w2_ref, b2_ref, pw1_ref, pb1_ref, pw2_ref, pb2_ref,
               xn_ref, pn_ref):
    x = x_ref[...]
    h = (jnp.dot(x, w1a_ref[...], preferred_element_type=F32)
         + jnp.dot(mil_ref[...], w1bl_ref[...], preferred_element_type=F32)
         + jnp.dot(mir_ref[...], w1br_ref[...], preferred_element_type=F32)
         + b1_ref[...])
    h = _silu(h)
    xn_ref[...] = x + jnp.dot(h, w2_ref[...], preferred_element_type=F32) + b2_ref[...]
    pos3 = pos_ref[:, 0:3]
    mip3 = mip_ref[:, 0:3]
    hp = pb1_ref[0:1, 0:3]
    for k in range(3):
        hp = hp + pos3[:, k:k + 1] * pw1_ref[k:k + 1, 0:3]
        hp = hp + mip3[:, k:k + 1] * pw1_ref[k + 3:k + 4, 0:3]
    p1 = _silu(hp)
    pd = (p1[:, 0:1] * pw2_ref[0:1, 0:3]
          + p1[:, 1:2] * pw2_ref[1:2, 0:3]
          + p1[:, 2:3] * pw2_ref[2:3, 0:3]) + pb2_ref[0:1, 0:3]
    pn_ref[...] = jnp.concatenate(
        [pos3 + pd, jnp.zeros((pd.shape[0], 5), F32)], axis=1)


def _node_mlp(x, mil, mir, pos8, mip8, w1a, w1bl, w1br, b1, w2, b2,
              pw1, pb1, pw2, pb2, nb=1000):
    n = x.shape[0]
    grid = (n // nb,)
    full = lambda r, c: pl.BlockSpec((r, c), lambda i: (0, 0))
    blk = lambda c: pl.BlockSpec((nb, c), lambda i: (i, 0))
    return pl.pallas_call(
        _node_body,
        grid=grid,
        in_specs=[blk(_H), blk(_H // 2), blk(_H // 2), blk(8), blk(8),
                  full(_H, _H), full(_H // 2, _H), full(_H // 2, _H),
                  full(1, _H), full(_H, _H), full(1, _H),
                  full(8, 8), full(1, 8), full(8, 8), full(1, 8)],
        out_specs=[blk(_H), blk(8)],
        out_shape=[jax.ShapeDtypeStruct((n, _H), F32),
                   jax.ShapeDtypeStruct((n, 8), F32)],
    )(x, mil, mir, pos8, mip8, w1a, w1bl, w1br, b1, w2, b2, pw1, pb1,
      pw2, pb2)


def kernel(x, edge_index, pos,
           fe_w1, fe_b1, fe_w2, fe_b2,
           finf_w, finf_b,
           fh_w1, fh_b1, fh_w2, fh_b2,
           fpos_w1, fpos_b1, fpos_w2, fpos_b2,
           fhpos_w1, fhpos_b1, fhpos_w2, fhpos_b2):
    n = x.shape[0]
    e = edge_index.shape[0]
    e_st = edge_index[:, 0].astype(I32)
    e_end = edge_index[:, 1].astype(I32)

    w1a = fe_w1[:_H]
    w1b = fe_w1[_H:2 * _H]
    w1c = fe_w1[2 * _H:2 * _H + 1]
    b1 = fe_b1.reshape(1, _H)
    wpa = fpos_w1[:_H]
    wpb = fpos_w1[_H:2 * _H]
    wpc = jnp.pad(fpos_w1[2 * _H:2 * _H + 1], ((0, 0), (0, 5)))
    wp = jnp.pad(jnp.concatenate([wpa, wpb], axis=1), ((0, 0), (0, 2)))
    bp = jnp.pad(jnp.concatenate(
        [jnp.zeros((3,), F32), fpos_b1]).reshape(1, 6), ((0, 0), (0, 2)))
    wp2 = jnp.pad(fpos_w2, ((0, 5), (0, 5)))
    bp2 = jnp.pad(fpos_b2.reshape(1, 3), ((0, 0), (0, 5)))
    finf_row = finf_w.reshape(1, _H)
    finfb = finf_b.reshape(1, 1)
    inv_n = jnp.full((1, 1), 1.0 / n, F32)

    xa, xb, pp = _premul(x, w1a, w1b, b1, wp, bp)

    h1pre = _sc_gather_h1pre(xa, xb, e_st, e_end)
    xtra = jnp.concatenate(
        [pos.reshape(-1), pp[:, 0:3].reshape(-1), pp[:, 3:6].reshape(-1)])
    geom = _sc_geom(xtra, e_st, e_end, n).reshape(e, 8)

    msgl, msgr, pmsg = _edge_mlp(h1pre, geom, w1c, fe_w2,
                                 fe_b2.reshape(1, _H),
                                 finf_row, finfb, wpc, wp2, bp2, inv_n)

    mil, mir, mip8 = _sc_scatter(msgl, msgr, pmsg, e_st, n)

    pos8 = jnp.pad(pos, ((0, 0), (0, 5)))
    pw1 = jnp.pad(fhpos_w1, ((0, 2), (0, 5)))
    pb1 = jnp.pad(fhpos_b1.reshape(1, 3), ((0, 0), (0, 5)))
    pw2 = jnp.pad(fhpos_w2, ((0, 5), (0, 5)))
    pb2n = jnp.pad(fhpos_b2.reshape(1, 3), ((0, 0), (0, 5)))
    x_new, pos_new8 = _node_mlp(x, mil, mir, pos8, mip8, fh_w1[:_H],
                                fh_w1[_H:_H + _H // 2],
                                fh_w1[_H + _H // 2:],
                                fh_b1.reshape(1, _H), fh_w2,
                                fh_b2.reshape(1, _H), pw1, pb1, pw2, pb2n)
    return (x_new, edge_index, pos_new8[:, 0:3])

# --- scband reference (transcript-rebuilt; emitter-appended) ---
"""Pipeline reference for scband-conv-egnn-65798898974953 (READ-ONLY COPY).

The authoritative reference and input builder live on the scoring server;
editing this copy changes nothing except your own understanding.
"""

import jax, jax.numpy as jnp
import numpy as np

HID = 256
N = 10000
E = 160000


def _lin(key, fan_in, fan_out):
    k1, k2 = jax.random.split(key)
    bound = 1.0 / np.sqrt(fan_in)
    w = jax.random.uniform(k1, (fan_in, fan_out), minval=-bound, maxval=bound, dtype=jnp.float32)
    b = jax.random.uniform(k2, (fan_out,), minval=-bound, maxval=bound, dtype=jnp.float32)
    return w, b


def setup_inputs(seed: int = 0) -> dict:
    key = jax.random.key(seed)
    ks = jax.random.split(key, 16)
    x = jax.random.normal(ks[0], (N, HID), dtype=jnp.float32)
    pos = jax.random.normal(ks[1], (N, 3), dtype=jnp.float32)
    e_st = jax.random.randint(ks[2], (E,), 0, N)
    off = jax.random.randint(ks[3], (E,), 1, N)  # avoid self-loops (norm grad safety, same fwd math)
    e_end = (e_st + off) % N
    edge_index = jnp.stack([e_st, e_end], axis=1)
    fe_w1, fe_b1 = _lin(ks[4], 2 * HID + 1, HID)
    fe_w2, fe_b2 = _lin(ks[5], HID, HID)
    finf_w, finf_b = _lin(ks[6], HID, 1)
    fh_w1, fh_b1 = _lin(ks[7], 2 * HID, HID)
    fh_w2, fh_b2 = _lin(ks[8], HID, HID)
    fpos_w1, fpos_b1 = _lin(ks[9], 2 * HID + 1, 3)
    fpos_w2, fpos_b2 = _lin(ks[10], 3, 3)
    fhpos_w1, fhpos_b1 = _lin(ks[11], 6, 3)
    fhpos_w2, fhpos_b2 = _lin(ks[12], 3, 3)
    return {
        "x": x, "edge_index": edge_index, "pos": pos,
        "fe_w1": fe_w1, "fe_b1": fe_b1, "fe_w2": fe_w2, "fe_b2": fe_b2,
        "finf_w": finf_w, "finf_b": finf_b,
        "fh_w1": fh_w1, "fh_b1": fh_b1, "fh_w2": fh_w2, "fh_b2": fh_b2,
        "fpos_w1": fpos_w1, "fpos_b1": fpos_b1, "fpos_w2": fpos_w2, "fpos_b2": fpos_b2,
        "fhpos_w1": fhpos_w1, "fhpos_b1": fhpos_b1, "fhpos_w2": fhpos_w2, "fhpos_b2": fhpos_b2,
    }


def reference(x, edge_index, pos,
              fe_w1, fe_b1, fe_w2, fe_b2,
              finf_w, finf_b,
              fh_w1, fh_b1, fh_w2, fh_b2,
              fpos_w1, fpos_b1, fpos_w2, fpos_b2,
              fhpos_w1, fhpos_b1, fhpos_w2, fhpos_b2):
    silu = jax.nn.silu
    e_st = edge_index[:, 0]
    e_end = edge_index[:, 1]
    diff = pos[e_st] - pos[e_end]
    dists = jnp.linalg.norm(diff, axis=1).reshape(-1, 1)
    tmp = jnp.concatenate([x[e_st], x[e_end], dists], axis=1)
    m_ij = silu(silu(tmp @ fe_w1 + fe_b1) @ fe_w2 + fe_b2)
    m_ij_pos = silu(silu(tmp @ fpos_w1 + fpos_b1) @ fpos_w2 + fpos_b2)
    e_ij = jax.nn.sigmoid(m_ij @ finf_w + finf_b)
    m_i = jax.ops.segment_sum(e_ij * m_ij, e_st, num_segments=x.shape[0])
    m_i_pos = (1.0 / pos.shape[0]) * jax.ops.segment_sum(dists * m_ij_pos, e_st, num_segments=pos.shape[0])
    h = jnp.concatenate([x, m_i], axis=1)
    x_new = x + (silu(h @ fh_w1 + fh_b1) @ fh_w2 + fh_b2)
    p = jnp.concatenate([pos, m_i_pos], axis=1)
    pos_new = pos + (silu(p @ fhpos_w1 + fhpos_b1) @ fhpos_w2 + fhpos_b2)
    return (x_new, edge_index, pos_new)

if __name__ == "__main__":
    import jax
    _d = setup_inputs()
    print(jax.jit(kernel)(*tuple(_d.values())))

</pallas_src>

<mosaic_0001>
#map = affine_map<(d0, d1) -> (0)>
module attributes {stable_mosaic.version = 14 : i64} {
  func.func @_geom_body(%arg0: i32, %arg1: i32, %arg2: memref<90000xf32, #tpu.memory_space<hbm>>, %arg3: memref<160000xi32, #tpu.memory_space<hbm>>, %arg4: memref<160000xi32, #tpu.memory_space<hbm>>, %arg5: memref<1280000xf32, #tpu.memory_space<hbm>>, %arg6: memref<30000xf32, #tpu.memory_space<vmem>>, %arg7: memref<30000xf32, #tpu.memory_space<vmem>>, %arg8: memref<30000xf32, #tpu.memory_space<vmem>>, %arg9: memref<1000xi32, #tpu.memory_space<vmem>>, %arg10: memref<1000xi32, #tpu.memory_space<vmem>>, %arg11: memref<8000xf32, #tpu.memory_space<vmem>>) attributes {dimension_semantics = [#tpu.dimension_semantics<core_parallel>, #tpu.dimension_semantics<subcore_parallel>], iteration_bounds = array<i64: 2, 16>, scalar_prefetch = 0 : i64, scratch_operands = 6 : i64, tpu.core_type = #tpu.core_type<sc_vector_subcore>, window_params = [{transform_indices = #map}, {transform_indices = #map}, {transform_indices = #map}, {transform_indices = #map}]} {
    %mul3A = arith.constant 2 : i32
    %mul3A_0 = arith.muli %arg1, %mul3A : i32
    %add3A = arith.addi %mul3A_0, %arg0 : i32
    "tpu.region"() ({
      %run_scoped3A = tpu.sem_alloc : memref<!tpu.dma_semaphore, #tpu.memory_space<semaphore_mem>>
      %dma_start3A = arith.constant 0 : i32
      %dma_start3A_7 = tpu.memref_slice %arg2[%dma_start3A] : memref<90000xf32, #tpu.memory_space<hbm>> -> memref<30000xf32, #tpu.memory_space<hbm>>
      %dma_start3A_8 = arith.constant 0 : i32
      %dma_start3A_9 = tpu.memref_slice %arg2[%dma_start3A_8] : memref<90000xf32, #tpu.memory_space<hbm>> -> memref<30000xf32, #tpu.memory_space<hbm>>
      tpu.enqueue_dma source(%dma_start3A_9 : memref<30000xf32, #tpu.memory_space<hbm>>) target(%arg6 : memref<30000xf32, #tpu.memory_space<vmem>>) target_semaphore(%run_scoped3A : memref<!tpu.dma_semaphore, #tpu.memory_space<semaphore_mem>>)
      %dma_wait3A = arith.constant 0 : i32
      %dma_wait3A_10 = tpu.memref_slice %arg2[%dma_wait3A] : memref<90000xf32, #tpu.memory_space<hbm>> -> memref<30000xf32, #tpu.memory_space<hbm>>
      %dma_wait3A_11 = arith.constant 0 : i32
      %dma_wait3A_12 = tpu.memref_slice %arg2[%dma_wait3A_11] : memref<90000xf32, #tpu.memory_space<hbm>> -> memref<30000xf32, #tpu.memory_space<hbm>>
      tpu.wait_dma2 semaphore(%run_scoped3A : memref<!tpu.dma_semaphore, #tpu.memory_space<semaphore_mem>>) src(%dma_wait3A_12 : memref<30000xf32, #tpu.memory_space<hbm>>) dst(%arg6 : memref<30000xf32, #tpu.memory_space<vmem>>)
      tpu.yield
    }) : () -> ()
    "tpu.region"() ({
      %run_scoped3A = tpu.sem_alloc : memref<!tpu.dma_semaphore, #tpu.memory_space<semaphore_mem>>
      %dma_start3A = arith.constant 30000 : i32
      %dma_start3A_7 = tpu.memref_slice %arg2[%dma_start3A] : memref<90000xf32, #tpu.memory_space<hbm>> -> memref<30000xf32, #tpu.memory_space<hbm>>
      %dma_start3A_8 = arith.constant 30000 : i32
      %dma_start3A_9 = tpu.memref_slice %arg2[%dma_start3A_8] : memref<90000xf32, #tpu.memory_space<hbm>> -> memref<30000xf32, #tpu.memory_space<hbm>>
      tpu.enqueue_dma source(%dma_start3A_9 : memref<30000xf32, #tpu.memory_space<hbm>>) target(%arg7 : memref<30000xf32, #tpu.memory_space<vmem>>) target_semaphore(%run_scoped3A : memref<!tpu.dma_semaphore, #tpu.memory_space<semaphore_mem>>)
      %dma_wait3A = arith.constant 30000 : i32
      %dma_wait3A_10 = tpu.memref_slice %arg2[%dma_wait3A] : memref<90000xf32, #tpu.memory_space<hbm>> -> memref<30000xf32, #tpu.memory_space<hbm>>
      %dma_wait3A_11 = arith.constant 30000 : i32
      %dma_wait3A_12 = tpu.memref_slice %arg2[%dma_wait3A_11] : memref<90000xf32, #tpu.memory_space<hbm>> -> memref<30000xf32, #tpu.memory_space<hbm>>
      tpu.wait_dma2 semaphore(%run_scoped3A : memref<!tpu.dma_semaphore, #tpu.memory_space<semaphore_mem>>) src(%dma_wait3A_12 : memref<30000xf32, #tpu.memory_space<hbm>>) dst(%arg7 : memref<30000xf32, #tpu.memory_space<vmem>>)
      tpu.yield
    }) : () -> ()
    "tpu.region"() ({
      %run_scoped3A = tpu.sem_alloc : memref<!tpu.dma_semaphore, #tpu.memory_space<semaphore_mem>>
      %dma_start3A = arith.constant 60000 : i32
      %dma_start3A_7 = tpu.memref_slice %arg2[%dma_start3A] : memref<90000xf32, #tpu.memory_space<hbm>> -> memref<30000xf32, #tpu.memory_space<hbm>>
      %dma_start3A_8 = arith.constant 60000 : i32
      %dma_start3A_9 = tpu.memref_slice %arg2[%dma_start3A_8] : memref<90000xf32, #tpu.memory_space<hbm>> -> memref<30000xf32, #tpu.memory_space<hbm>>
      tpu.enqueue_dma source(%dma_start3A_9 : memref<30000xf32, #tpu.memory_space<hbm>>) target(%arg8 : memref<30000xf32, #tpu.memory_space<vmem>>) target_semaphore(%run_scoped3A : memref<!tpu.dma_semaphore, #tpu.memory_space<semaphore_mem>>)
      %dma_wait3A = arith.constant 60000 : i32
      %dma_wait3A_10 = tpu.memref_slice %arg2[%dma_wait3A] : memref<90000xf32, #tpu.memory_space<hbm>> -> memref<30000xf32, #tpu.memory_space<hbm>>
      %dma_wait3A_11 = arith.constant 60000 : i32
      %dma_wait3A_12 = tpu.memref_slice %arg2[%dma_wait3A_11] : memref<90000xf32, #tpu.memory_space<hbm>> -> memref<30000xf32, #tpu.memory_space<hbm>>
      tpu.wait_dma2 semaphore(%run_scoped3A : memref<!tpu.dma_semaphore, #tpu.memory_space<semaphore_mem>>) src(%dma_wait3A_12 : memref<30000xf32, #tpu.memory_space<hbm>>) dst(%arg8 : memref<30000xf32, #tpu.memory_space<vmem>>)
      tpu.yield
    }) : () -> ()
    %iota3A = tpu.iota {dimensions = array<i32: 0>} : vector<16xi32>
    %scan3A = arith.constant 0 : i32
    %scan3A_1 = arith.constant 0 : i32
    %scan3A_2 = arith.constant 5 : i32
    %scan3A_3 = arith.addi %scan3A_1, %scan3A_2 : i32
    %scan3A_4 = arith.constant 1 : i32
    %scan3A_5 = scf.for %scan3A_7 = %scan3A_1 to %scan3A_3 step %scan3A_4 iter_args(%scan3A_8 = %scan3A) -> (i32)  : i32 {
      %mul3A_9 = arith.constant 5 : i32
      %mul3A_10 = arith.muli %add3A, %mul3A_9 : i32
      %add3A_11 = arith.addi %mul3A_10, %scan3A_7 : i32
      %mul3A_12 = arith.constant 1000 : i32
      %mul3A_13 = arith.muli %add3A_11, %mul3A_12 : i32
      "tpu.region"() ({
        %run_scoped3A = tpu.sem_alloc : memref<!tpu.dma_semaphore, #tpu.memory_space<semaphore_mem>>
        %dma_start3A = tpu.memref_slice %arg3[%mul3A_13] : memref<160000xi32, #tpu.memory_space<hbm>> -> memref<1000xi32, #tpu.memory_space<hbm>>
        %dma_start3A_24 = tpu.memref_slice %arg3[%mul3A_13] : memref<160000xi32, #tpu.memory_space<hbm>> -> memref<1000xi32, #tpu.memory_space<hbm>>
        tpu.enqueue_dma source(%dma_start3A_24 : memref<1000xi32, #tpu.memory_space<hbm>>) target(%arg9 : memref<1000xi32, #tpu.memory_space<vmem>>) target_semaphore(%run_scoped3A : memref<!tpu.dma_semaphore, #tpu.memory_space<semaphore_mem>>)
        %dma_wait3A = tpu.memref_slice %arg3[%mul3A_13] : memref<160000xi32, #tpu.memory_space<hbm>> -> memref<1000xi32, #tpu.memory_space<hbm>>
        %dma_wait3A_25 = tpu.memref_slice %arg3[%mul3A_13] : memref<160000xi32, #tpu.memory_space<hbm>> -> memref<1000xi32, #tpu.memory_space<hbm>>
        tpu.wait_dma2 semaphore(%run_scoped3A : memref<!tpu.dma_semaphore, #tpu.memory_space<semaphore_mem>>) src(%dma_wait3A_25 : memref<1000xi32, #tpu.memory_space<hbm>>) dst(%arg9 : memref<1000xi32, #tpu.memory_space<vmem>>)
        tpu.yield
      }) : () -> ()
      "tpu.region"() ({
        %run_scoped3A = tpu.sem_alloc : memref<!tpu.dma_semaphore, #tpu.memory_space<semaphore_mem>>
        %dma_start3A = tpu.memref_slice %arg4[%mul3A_13] : memref<160000xi32, #tpu.memory_space<hbm>> -> memref<1000xi32, #tpu.memory_space<hbm>>
        %dma_start3A_24 = tpu.memref_slice %arg4[%mul3A_13] : memref<160000xi32, #tpu.memory_space<hbm>> -> memref<1000xi32, #tpu.memory_space<hbm>>
        tpu.enqueue_dma source(%dma_start3A_24 : memref<1000xi32, #tpu.memory_space<hbm>>) target(%arg10 : memref<1000xi32, #tpu.memory_space<vmem>>) target_semaphore(%run_scoped3A : memref<!tpu.dma_semaphore, #tpu.memory_space<semaphore_mem>>)
        %dma_wait3A = tpu.memref_slice %arg4[%mul3A_13] : memref<160000xi32, #tpu.memory_space<hbm>> -> memref<1000xi32, #tpu.memory_space<hbm>>
        %dma_wait3A_25 = tpu.memref_slice %arg4[%mul3A_13] : memref<160000xi32, #tpu.memory_space<hbm>> -> memref<1000xi32, #tpu.memory_space<hbm>>
        tpu.wait_dma2 semaphore(%run_scoped3A : memref<!tpu.dma_semaphore, #tpu.memory_space<semaphore_mem>>) src(%dma_wait3A_25 : memref<1000xi32, #tpu.memory_space<hbm>>) dst(%arg10 : memref<1000xi32, #tpu.memory_space<vmem>>)
        tpu.yield
      }) : () -> ()
      %scan3A_14 = arith.constant 0 : i32
      %scan3A_15 = arith.constant 0 : i32
      %scan3A_16 = arith.constant 63 : i32
      %scan3A_17 = arith.addi %scan3A_15, %scan3A_16 : i32
      %scan3A_18 = arith.constant 1 : i32
      %scan3A_19 = scf.for %scan3A_24 = %scan3A_15 to %scan3A_17 step %scan3A_18 iter_args(%scan3A_25 = %scan3A_14) -> (i32)  : i32 {
        %mul3A_26 = arith.constant 16 : i32
        %mul3A_27 = arith.muli %scan3A_24, %mul3A_26 : i32
        %min3A = arith.constant 984 : i32
        %min3A_28 = arith.minsi %mul3A_27, %min3A : i32
        %get3A = arith.index_cast %min3A_28 : i32 to index
        %get3A_29 = tpu.vector_load %arg9[%get3A] {strides = array<i32>} : memref<1000xi32, #tpu.memory_space<vmem>>, vector<16xi32>,
        %mul3A_30 = arith.constant 3 : i32
        %mul3A_31 = vector.broadcast %mul3A_30 : i32 to vector<16xi32>
        %mul3A_32 = arith.muli %get3A_29, %mul3A_31 : vector<16xi32>
        %get3A_33 = arith.index_cast %min3A_28 : i32 to index
        %get3A_34 = tpu.vector_load %arg10[%get3A_33] {strides = array<i32>} : memref<1000xi32, #tpu.memory_space<vmem>>, vector<16xi32>,
        %mul3A_35 = arith.constant 3 : i32
        %mul3A_36 = vector.broadcast %mul3A_35 : i32 to vector<16xi32>
        %mul3A_37 = arith.muli %get3A_34, %mul3A_36 : vector<16xi32>
        %gather3A = tpu.vector_load_idx %arg6[%mul3A_32] : memref<30000xf32, #tpu.memory_space<vmem>>[vector<16xi32>], vector<16xf32>,
        %gather3A_38 = tpu.vector_load_idx %arg6[%mul3A_37] : memref<30000xf32, #tpu.memory_space<vmem>>[vector<16xi32>], vector<16xf32>,
        %sub3A = arith.subf %gather3A, %gather3A_38 : vector<16xf32>
        %add3A_39 = arith.constant 1 : i32
        %add3A_40 = vector.broadcast %add3A_39 : i32 to vector<16xi32>
        %add3A_41 = arith.addi %mul3A_32, %add3A_40 : vector<16xi32>
        %gather3A_42 = tpu.vector_load_idx %arg6[%add3A_41] : memref<30000xf32, #tpu.memory_space<vmem>>[vector<16xi32>], vector<16xf32>,
        %add3A_43 = arith.constant 1 : i32
        %add3A_44 = vector.broadcast %add3A_43 : i32 to vector<16xi32>
        %add3A_45 = arith.addi %mul3A_37, %add3A_44 : vector<16xi32>
        %gather3A_46 = tpu.vector_load_idx %arg6[%add3A_45] : memref<30000xf32, #tpu.memory_space<vmem>>[vector<16xi32>], vector<16xf32>,
        %sub3A_47 = arith.subf %gather3A_42, %gather3A_46 : vector<16xf32>
        %add3A_48 = arith.constant 2 : i32
        %add3A_49 = vector.broadcast %add3A_48 : i32 to vector<16xi32>
        %add3A_50 = arith.addi %mul3A_32, %add3A_49 : vector<16xi32>
        %gather3A_51 = tpu.vector_load_idx %arg6[%add3A_50] : memref<30000xf32, #tpu.memory_space<vmem>>[vector<16xi32>], vector<16xf32>,
        %add3A_52 = arith.constant 2 : i32
        %add3A_53 = vector.broadcast %add3A_52 : i32 to vector<16xi32>
        %add3A_54 = arith.addi %mul3A_37, %add3A_53 : vector<16xi32>
        %gather3A_55 = tpu.vector_load_idx %arg6[%add3A_54] : memref<30000xf32, #tpu.memory_space<vmem>>[vector<16xi32>], vector<16xf32>,
        %sub3A_56 = arith.subf %gather3A_51, %gather3A_55 : vector<16xf32>
        %mul3A_57 = arith.mulf %sub3A, %sub3A : vector<16xf32>
        %mul3A_58 = arith.mulf %sub3A_47, %sub3A_47 : vector<16xf32>
        %add3A_59 = arith.addf %mul3A_57, %mul3A_58 : vector<16xf32>
        %mul3A_60 = arith.mulf %sub3A_56, %sub3A_56 : vector<16xf32>
        %add3A_61 = arith.addf %add3A_59, %mul3A_60 : vector<16xf32>
        %gather3A_62 = tpu.vector_load_idx %arg7[%mul3A_32] : memref<30000xf32, #tpu.memory_space<vmem>>[vector<16xi32>], vector<16xf32>,
        %gather3A_63 = tpu.vector_load_idx %arg8[%mul3A_37] : memref<30000xf32, #tpu.memory_space<vmem>>[vector<16xi32>], vector<16xf32>,
        %add3A_64 = arith.addf %gather3A_62, %gather3A_63 : vector<16xf32>
        %add3A_65 = arith.constant 1 : i32
        %add3A_66 = vector.broadcast %add3A_65 : i32 to vector<16xi32>
        %add3A_67 = arith.addi %mul3A_32, %add3A_66 : vector<16xi32>
        %gather3A_68 = tpu.vector_load_idx %arg7[%add3A_67] : memref<30000xf32, #tpu.memory_space<vmem>>[vector<16xi32>], vector<16xf32>,
        %add3A_69 = arith.constant 1 : i32
        %add3A_70 = vector.broadcast %add3A_69 : i32 to vector<16xi32>
        %add3A_71 = arith.addi %mul3A_37, %add3A_70 : vector<16xi32>
        %gather3A_72 = tpu.vector_load_idx %arg8[%add3A_71] : memref<30000xf32, #tpu.memory_space<vmem>>[vector<16xi32>], vector<16xf32>,
        %add3A_73 = arith.addf %gather3A_68, %gather3A_72 : vector<16xf32>
        %add3A_74 = arith.constant 2 : i32
        %add3A_75 = vector.broadcast %add3A_74 : i32 to vector<16xi32>
        %add3A_76 = arith.addi %mul3A_32, %add3A_75 : vector<16xi32>
        %gather3A_77 = tpu.vector_load_idx %arg7[%add3A_76] : memref<30000xf32, #tpu.memory_space<vmem>>[vector<16xi32>], vector<16xf32>,
        %add3A_78 = arith.constant 2 : i32
        %add3A_79 = vector.broadcast %add3A_78 : i32 to vector<16xi32>
        %add3A_80 = arith.addi %mul3A_37, %add3A_79 : vector<16xi32>
        %gather3A_81 = tpu.vector_load_idx %arg8[%add3A_80] : memref<30000xf32, #tpu.memory_space<vmem>>[vector<16xi32>], vector<16xf32>,
        %add3A_82 = arith.addf %gather3A_77, %gather3A_81 : vector<16xf32>
        %add3A_83 = vector.broadcast %min3A_28 : i32 to vector<16xi32>
        %add3A_84 = arith.addi %add3A_83, %iota3A : vector<16xi32>
        %mul3A_85 = arith.constant 8 : i32
        %mul3A_86 = vector.broadcast %mul3A_85 : i32 to vector<16xi32>
        %mul3A_87 = arith.muli %add3A_84, %mul3A_86 : vector<16xi32>
        tpu.vector_store_idx %arg11[%mul3A_87], %add3A_61 : memref<8000xf32, #tpu.memory_space<vmem>>[vector<16xi32>], vector<16xf32>,
        %add3A_88 = arith.constant 1 : i32
        %add3A_89 = vector.broadcast %add3A_88 : i32 to vector<16xi32>
        %add3A_90 = arith.addi %mul3A_87, %add3A_89 : vector<16xi32>
        tpu.vector_store_idx %arg11[%add3A_90], %add3A_64 : memref<8000xf32, #tpu.memory_space<vmem>>[vector<16xi32>], vector<16xf32>,
        %add3A_91 = arith.constant 2 : i32
        %add3A_92 = vector.broadcast %add3A_91 : i32 to vector<16xi32>
        %add3A_93 = arith.addi %mul3A_87, %add3A_92 : vector<16xi32>
        tpu.vector_store_idx %arg11[%add3A_93], %add3A_73 : memref<8000xf32, #tpu.memory_space<vmem>>[vector<16xi32>], vector<16xf32>,
        %add3A_94 = arith.constant 3 : i32
        %add3A_95 = vector.broadcast %add3A_94 : i32 to vector<16xi32>
        %add3A_96 = arith.addi %mul3A_87, %add3A_95 : vector<16xi32>
        tpu.vector_store_idx %arg11[%add3A_96], %add3A_82 : memref<8000xf32, #tpu.memory_space<vmem>>[vector<16xi32>], vector<16xf32>,
        %scan3A_97 = arith.constant 0 : i32
        scf.yield %scan3A_97 : i32
      }
      %scan3A_20 = arith.constant 63 : i32
      %mul3A_21 = arith.constant 8 : i32
      %mul3A_22 = arith.muli %mul3A_13, %mul3A_21 : i32
      "tpu.region"() ({
        %run_scoped3A = tpu.sem_alloc : memref<!tpu.dma_semaphore, #tpu.memory_space<semaphore_mem>>
        %dma_start3A = tpu.memref_slice %arg5[%mul3A_22] : memref<1280000xf32, #tpu.memory_space<hbm>> -> memref<8000xf32, #tpu.memory_space<hbm>>
        %dma_start3A_24 = tpu.memref_slice %arg5[%mul3A_22] : memref<1280000xf32, #tpu.memory_space<hbm>> -> memref<8000xf32, #tpu.memory_space<hbm>>
        tpu.enqueue_dma source(%arg11 : memref<8000xf32, #tpu.memory_space<vmem>>) target(%dma_start3A_24 : memref<8000xf32, #tpu.memory_space<hbm>>) target_semaphore(%run_scoped3A : memref<!tpu.dma_semaphore, #tpu.memory_space<semaphore_mem>>)
        %dma_wait3A = tpu.memref_slice %arg5[%mul3A_22] : memref<1280000xf32, #tpu.memory_space<hbm>> -> memref<8000xf32, #tpu.memory_space<hbm>>
        %dma_wait3A_25 = tpu.memref_slice %arg5[%mul3A_22] : memref<1280000xf32, #tpu.memory_space<hbm>> -> memref<8000xf32, #tpu.memory_space<hbm>>
        tpu.wait_dma2 semaphore(%run_scoped3A : memref<!tpu.dma_semaphore, #tpu.memory_space<semaphore_mem>>) src(%arg11 : memref<8000xf32, #tpu.memory_space<vmem>>) dst(%dma_wait3A_25 : memref<8000xf32, #tpu.memory_space<hbm>>)
        tpu.yield
      }) : () -> ()
      %scan3A_23 = arith.constant 0 : i32
      scf.yield %scan3A_23 : i32
    }
    %scan3A_6 = arith.constant 5 : i32
    return
  }
}

#map = affine_map<(d0, d1) -> (0, 0)>
#map1 = affine_map<(d0, d1) -> (0)>
module attributes {stable_mosaic.version = 14 : i64} {
  func.func @_h1pre_body(%arg0: i32, %arg1: i32, %arg2: memref<10000x256xf32, #tpu.memory_space<hbm>>, %arg3: memref<10000x256xf32, #tpu.memory_space<hbm>>, %arg4: memref<160000xi32, #tpu.memory_space<hbm>>, %arg5: memref<160000xi32, #tpu.memory_space<hbm>>, %arg6: memref<160000x256xf32, #tpu.memory_space<hbm>>, %arg7: memref<128xi32, #tpu.memory_space<vmem>>, %arg8: memref<128xi32, #tpu.memory_space<vmem>>, %arg9: memref<128x256xf32, #tpu.memory_space<vmem>>, %arg10: memref<128x256xf32, #tpu.memory_space<vmem>>, %arg11: memref<!tpu.dma_semaphore, #tpu.memory_space<semaphore_mem>>) attributes {dimension_semantics = [#tpu.dimension_semantics<core_parallel>, #tpu.dimension_semantics<subcore_parallel>], iteration_bounds = array<i64: 2, 16>, scalar_prefetch = 0 : i64, scratch_operands = 5 : i64, tpu.core_type = #tpu.core_type<sc_vector_subcore>, window_params = [{transform_indices = #map}, {transform_indices = #map}, {transform_indices = #map1}, {transform_indices = #map1}, {transform_indices = #map}]} {
    %mul3A = arith.constant 2 : i32
    %mul3A_0 = arith.muli %arg1, %mul3A : i32
    %add3A = arith.addi %mul3A_0, %arg0 : i32
    %lt3A = arith.constant 2 : i32
    %lt3A_1 = arith.cmpi slt, %add3A, %lt3A : i32
    %jit3A = arith.constant 40 : i32
    %jit3A_2 = arith.constant 39 : i32
    %select_n3A = arith.select %lt3A_1, %jit3A, %jit3A_2 : i32
    %lt3A_3 = arith.constant 2 : i32
    %lt3A_4 = arith.cmpi slt, %add3A, %lt3A_3 : i32
    %mul3A_5 = arith.constant 40 : i32
    %mul3A_6 = arith.muli %mul3A_5, %add3A : i32
    %sub3A = arith.constant 2 : i32
    %sub3A_7 = arith.subi %add3A, %sub3A : i32
    %mul3A_8 = arith.constant 39 : i32
    %mul3A_9 = arith.muli %mul3A_8, %sub3A_7 : i32
    %add3A_10 = arith.constant 80 : i32
    %add3A_11 = arith.addi %add3A_10, %mul3A_9 : i32
    %select_n3A_12 = arith.select %lt3A_4, %mul3A_6, %add3A_11 : i32
    %while3A = arith.constant 0 : i32
    %while3A_13 = arith.constant 0 : i32
    %while3A_14 = arith.subi %select_n3A, %while3A : i32
    %while3A_15 = arith.addi %while3A, %while3A_14 : i32
    %while3A_16 = arith.constant 1 : i32
    %while3A_17 = arith.divsi %while3A_14, %while3A_16 : i32
    %while3A_18 = arith.muli %while3A_17, %while3A_16 : i32
    %while3A_19 = arith.addi %while3A, %while3A_18 : i32
    %while3A_20 = arith.constant 1 : i32
    %while3A_21 = scf.for %while3A_24 = %while3A to %while3A_19 step %while3A_20 iter_args(%while3A_25 = %while3A_13) -> (i32)  : i32 {
      %add3A_26 = arith.addi %select_n3A_12, %while3A_24 : i32
      %mul3A_27 = arith.constant 128 : i32
      %mul3A_28 = arith.muli %add3A_26, %mul3A_27 : i32
      "tpu.region"() ({
        %run_scoped3A = tpu.sem_alloc : memref<!tpu.dma_semaphore, #tpu.memory_space<semaphore_mem>>
        %dma_start3A_46 = tpu.memref_slice %arg4[%mul3A_28] : memref<160000xi32, #tpu.memory_space<hbm>> -> memref<128xi32, #tpu.memory_space<hbm>>
        %dma_start3A_47 = tpu.memref_slice %arg4[%mul3A_28] : memref<160000xi32, #tpu.memory_space<hbm>> -> memref<128xi32, #tpu.memory_space<hbm>>
        tpu.enqueue_dma source(%dma_start3A_47 : memref<128xi32, #tpu.memory_space<hbm>>) target(%arg7 : memref<128xi32, #tpu.memory_space<vmem>>) target_semaphore(%run_scoped3A : memref<!tpu.dma_semaphore, #tpu.memory_space<semaphore_mem>>)
        %dma_wait3A_48 = tpu.memref_slice %arg4[%mul3A_28] : memref<160000xi32, #tpu.memory_space<hbm>> -> memref<128xi32, #tpu.memory_space<hbm>>
        %dma_wait3A_49 = tpu.memref_slice %arg4[%mul3A_28] : memref<160000xi32, #tpu.memory_space<hbm>> -> memref<128xi32, #tpu.memory_space<hbm>>
        tpu.wait_dma2 semaphore(%run_scoped3A : memref<!tpu.dma_semaphore, #tpu.memory_space<semaphore_mem>>) src(%dma_wait3A_49 : memref<128xi32, #tpu.memory_space<hbm>>) dst(%arg7 : memref<128xi32, #tpu.memory_space<vmem>>)
        tpu.yield
      }) : () -> ()
      "tpu.region"() ({
        %run_scoped3A = tpu.sem_alloc : memref<!tpu.dma_semaphore, #tpu.memory_space<semaphore_mem>>
        %dma_start3A_46 = tpu.memref_slice %arg5[%mul3A_28] : memref<160000xi32, #tpu.memory_space<hbm>> -> memref<128xi32, #tpu.memory_space<hbm>>
        %dma_start3A_47 = tpu.memref_slice %arg5[%mul3A_28] : memref<160000xi32, #tpu.memory_space<hbm>> -> memref<128xi32, #tpu.memory_space<hbm>>
        tpu.enqueue_dma source(%dma_start3A_47 : memref<128xi32, #tpu.memory_space<hbm>>) target(%arg8 : memref<128xi32, #tpu.memory_space<vmem>>) target_semaphore(%run_scoped3A : memref<!tpu.dma_semaphore, #tpu.memory_space<semaphore_mem>>)
        %dma_wait3A_48 = tpu.memref_slice %arg5[%mul3A_28] : memref<160000xi32, #tpu.memory_space<hbm>> -> memref<128xi32, #tpu.memory_space<hbm>>
        %dma_wait3A_49 = tpu.memref_slice %arg5[%mul3A_28] : memref<160000xi32, #tpu.memory_space<hbm>> -> memref<128xi32, #tpu.memory_space<hbm>>
        tpu.wait_dma2 semaphore(%run_scoped3A : memref<!tpu.dma_semaphore, #tpu.memory_space<semaphore_mem>>) src(%dma_wait3A_49 : memref<128xi32, #tpu.memory_space<hbm>>) dst(%arg8 : memref<128xi32, #tpu.memory_space<vmem>>)
        tpu.yield
      }) : () -> ()
      %dma_start3A = arith.constant 0 : i32
      %dma_start3A_29 = arith.constant 0 : i32
      %dma_start3A_30 = tpu.memref_slice %arg2[%dma_start3A, %dma_start3A_29] : memref<10000x256xf32, #tpu.memory_space<hbm>> -> memref<10000x256xf32, #tpu.memory_space<hbm>>
      tpu.enqueue_indirect_dma source(%dma_start3A_30 : memref<10000x256xf32, #tpu.memory_space<hbm>>) target(%arg9 : memref<128x256xf32, #tpu.memory_space<vmem>>) offsets(%arg7 : memref<128xi32, #tpu.memory_space<vmem>>) semaphore(%arg11 : memref<!tpu.dma_semaphore, #tpu.memory_space<semaphore_mem>>)
      %dma_start3A_31 = arith.constant 0 : i32
      %dma_start3A_32 = arith.constant 0 : i32
      %dma_start3A_33 = tpu.memref_slice %arg3[%dma_start3A_31, %dma_start3A_32] : memref<10000x256xf32, #tpu.memory_space<hbm>> -> memref<10000x256xf32, #tpu.memory_space<hbm>>
      tpu.enqueue_indirect_dma source(%dma_start3A_33 : memref<10000x256xf32, #tpu.memory_space<hbm>>) target(%arg10 : memref<128x256xf32, #tpu.memory_space<vmem>>) offsets(%arg8 : memref<128xi32, #tpu.memory_space<vmem>>) semaphore(%arg11 : memref<!tpu.dma_semaphore, #tpu.memory_space<semaphore_mem>>)
      %dma_wait3A = arith.constant 0 : i32
      %dma_wait3A_34 = arith.constant 0 : i32
      %dma_wait3A_35 = tpu.memref_slice %arg2[%dma_wait3A, %dma_wait3A_34] : memref<10000x256xf32, #tpu.memory_space<hbm>> -> memref<10000x256xf32, #tpu.memory_space<hbm>>
      tpu.wait_indirect_dma semaphore(%arg11 : memref<!tpu.dma_semaphore, #tpu.memory_space<semaphore_mem>>) src(%dma_wait3A_35 : memref<10000x256xf32, #tpu.memory_space<hbm>>) dst(%arg9 : memref<128x256xf32, #tpu.memory_space<vmem>>)
      %dma_wait3A_36 = arith.constant 0 : i32
      %dma_wait3A_37 = arith.constant 0 : i32
      %dma_wait3A_38 = tpu.memref_slice %arg3[%dma_wait3A_36, %dma_wait3A_37] : memref<10000x256xf32, #tpu.memory_space<hbm>> -> memref<10000x256xf32, #tpu.memory_space<hbm>>
      tpu.wait_indirect_dma semaphore(%arg11 : memref<!tpu.dma_semaphore, #tpu.memory_space<semaphore_mem>>) src(%dma_wait3A_38 : memref<10000x256xf32, #tpu.memory_space<hbm>>) dst(%arg10 : memref<128x256xf32, #tpu.memory_space<vmem>>)
      %scan3A = arith.constant 0 : i32
      %scan3A_39 = arith.constant 0 : i32
      %scan3A_40 = arith.constant 128 : i32
      %scan3A_41 = arith.addi %scan3A_39, %scan3A_40 : i32
      %scan3A_42 = arith.constant 1 : i32
      %scan3A_43 = scf.for %scan3A_46 = %scan3A_39 to %scan3A_41 step %scan3A_42 iter_args(%scan3A_47 = %scan3A) -> (i32)  : i32 {
        %get3A = arith.index_cast %scan3A_46 : i32 to index
        %get3A_48 = arith.constant 0 : index
        %get3A_49 = tpu.vector_load %arg10[%get3A, %get3A_48] {strides = array<i32>} : memref<128x256xf32, #tpu.memory_space<vmem>>, vector<16xf32>,
        %swap3A = arith.index_cast %scan3A_46 : i32 to index
        %swap3A_50 = arith.constant 0 : index
        %swap3A_51 = tpu.vector_load %arg9[%swap3A, %swap3A_50] {strides = array<i32>} : memref<128x256xf32, #tpu.memory_space<vmem>>, vector<16xf32>,
        tpu.vector_store %arg9[%swap3A, %swap3A_50], %get3A_49 {add = true, strides = array<i32>} : memref<128x256xf32, #tpu.memory_space<vmem>>, vector<16xf32>,
        %get3A_52 = arith.index_cast %scan3A_46 : i32 to index
        %get3A_53 = arith.constant 16 : index
        %get3A_54 = tpu.vector_load %arg10[%get3A_52, %get3A_53] {strides = array<i32>} : memref<128x256xf32, #tpu.memory_space<vmem>>, vector<16xf32>,
        %swap3A_55 = arith.index_cast %scan3A_46 : i32 to index
        %swap3A_56 = arith.constant 16 : index
        %swap3A_57 = tpu.vector_load %arg9[%swap3A_55, %swap3A_56] {strides = array<i32>} : memref<128x256xf32, #tpu.memory_space<vmem>>, vector<16xf32>,
        tpu.vector_store %arg9[%swap3A_55, %swap3A_56], %get3A_54 {add = true, strides = array<i32>} : memref<128x256xf32, #tpu.memory_space<vmem>>, vector<16xf32>,
        %get3A_58 = arith.index_cast %scan3A_46 : i32 to index
        %get3A_59 = arith.constant 32 : index
        %get3A_60 = tpu.vector_load %arg10[%get3A_58, %get3A_59] {strides = array<i32>} : memref<128x256xf32, #tpu.memory_space<vmem>>, vector<16xf32>,
        %swap3A_61 = arith.index_cast %scan3A_46 : i32 to index
        %swap3A_62 = arith.constant 32 : index
        %swap3A_63 = tpu.vector_load %arg9[%swap3A_61, %swap3A_62] {strides = array<i32>} : memref<128x256xf32, #tpu.memory_space<vmem>>, vector<16xf32>,
        tpu.vector_store %arg9[%swap3A_61, %swap3A_62], %get3A_60 {add = true, strides = array<i32>} : memref<128x256xf32, #tpu.memory_space<vmem>>, vector<16xf32>,
        %get3A_64 = arith.index_cast %scan3A_46 : i32 to index
        %get3A_65 = arith.constant 48 : index
        %get3A_66 = tpu.vector_load %arg10[%get3A_64, %get3A_65] {strides = array<i32>} : memref<128x256xf32, #tpu.memory_space<vmem>>, vector<16xf32>,
        %swap3A_67 = arith.index_cast %scan3A_46 : i32 to index
        %swap3A_68 = arith.constant 48 : index
        %swap3A_69 = tpu.vector_load %arg9[%swap3A_67, %swap3A_68] {strides = array<i32>} : memref<128x256xf32, #tpu.memory_space<vmem>>, vector<16xf32>,
        tpu.vector_store %arg9[%swap3A_67, %swap3A_68], %get3A_66 {add = true, strides = array<i32>} : memref<128x256xf32, #tpu.memory_space<vmem>>, vector<16xf32>,
        %get3A_70 = arith.index_cast %scan3A_46 : i32 to index
        %get3A_71 = arith.constant 64 : index
        %get3A_72 = tpu.vector_load %arg10[%get3A_70, %get3A_71] {strides = array<i32>} : memref<128x256xf32, #tpu.memory_space<vmem>>, vector<16xf32>,
        %swap3A_73 = arith.index_cast %scan3A_46 : i32 to index
        %swap3A_74 = arith.constant 64 : index
        %swap3A_75 = tpu.vector_load %arg9[%swap3A_73, %swap3A_74] {strides = array<i32>} : memref<128x256xf32, #tpu.memory_space<vmem>>, vector<16xf32>,
        tpu.vector_store %arg9[%swap3A_73, %swap3A_74], %get3A_72 {add = true, strides = array<i32>} : memref<128x256xf32, #tpu.memory_space<vmem>>, vector<16xf32>,
        %get3A_76 = arith.index_cast %scan3A_46 : i32 to index
        %get3A_77 = arith.constant 80 : index
        %get3A_78 = tpu.vector_load %arg10[%get3A_76, %get3A_77] {strides = array<i32>} : memref<128x256xf32, #tpu.memory_space<vmem>>, vector<16xf32>,
        %swap3A_79 = arith.index_cast %scan3A_46 : i32 to index
        %swap3A_80 = arith.constant 80 : index
        %swap3A_81 = tpu.vector_load %arg9[%swap3A_79, %swap3A_80] {strides = array<i32>} : memref<128x256xf32, #tpu.memory_space<vmem>>, vector<16xf32>,
        tpu.vector_store %arg9[%swap3A_79, %swap3A_80], %get3A_78 {add = true, strides = array<i32>} : memref<128x256xf32, #tpu.memory_space<vmem>>, vector<16xf32>,
        %get3A_82 = arith.index_cast %scan3A_46 : i32 to index
        %get3A_83 = arith.constant 96 : index
        %get3A_84 = tpu.vector_load %arg10[%get3A_82, %get3A_83] {strides = array<i32>} : memref<128x256xf32, #tpu.memory_space<vmem>>, vector<16xf32>,
        %swap3A_85 = arith.index_cast %scan3A_46 : i32 to index
        %swap3A_86 = arith.constant 96 : index
        %swap3A_87 = tpu.vector_load %arg9[%swap3A_85, %swap3A_86] {strides = array<i32>} : memref<128x256xf32, #tpu.memory_space<vmem>>, vector<16xf32>,
        tpu.vector_store %arg9[%swap3A_85, %swap3A_86], %get3A_84 {add = true, strides = array<i32>} : memref<128x256xf32, #tpu.memory_space<vmem>>, vector<16xf32>,
        %get3A_88 = arith.index_cast %scan3A_46 : i32 to index
        %get3A_89 = arith.constant 112 : index
        %get3A_90 = tpu.vector_load %arg10[%get3A_88, %get3A_89] {strides = array<i32>} : memref<128x256xf32, #tpu.memory_space<vmem>>, vector<16xf32>,
        %swap3A_91 = arith.index_cast %scan3A_46 : i32 to index
        %swap3A_92 = arith.constant 112 : index
        %swap3A_93 = tpu.vector_load %arg9[%swap3A_91, %swap3A_92] {strides = array<i32>} : memref<128x256xf32, #tpu.memory_space<vmem>>, vector<16xf32>,
        tpu.vector_store %arg9[%swap3A_91, %swap3A_92], %get3A_90 {add = true, strides = array<i32>} : memref<128x256xf32, #tpu.memory_space<vmem>>, vector<16xf32>,
        %get3A_94 = arith.index_cast %scan3A_46 : i32 to index
        %get3A_95 = arith.constant 128 : index
        %get3A_96 = tpu.vector_load %arg10[%get3A_94, %get3A_95] {strides = array<i32>} : memref<128x256xf32, #tpu.memory_space<vmem>>, vector<16xf32>,
        %swap3A_97 = arith.index_cast %scan3A_46 : i32 to index
        %swap3A_98 = arith.constant 128 : index
        %swap3A_99 = tpu.vector_load %arg9[%swap3A_97, %swap3A_98] {strides = array<i32>} : memref<128x256xf32, #tpu.memory_space<vmem>>, vector<16xf32>,
        tpu.vector_store %arg9[%swap3A_97, %swap3A_98], %get3A_96 {add = true, strides = array<i32>} : memref<128x256xf32, #tpu.memory_space<vmem>>, vector<16xf32>,
        %get3A_100 = arith.index_cast %scan3A_46 : i32 to index
        %get3A_101 = arith.constant 144 : index
        %get3A_102 = tpu.vector_load %arg10[%get3A_100, %get3A_101] {strides = array<i32>} : memref<128x256xf32, #tpu.memory_space<vmem>>, vector<16xf32>,
        %swap3A_103 = arith.index_cast %scan3A_46 : i32 to index
        %swap3A_104 = arith.constant 144 : index
        %swap3A_105 = tpu.vector_load %arg9[%swap3A_103, %swap3A_104] {strides = array<i32>} : memref<128x256xf32, #tpu.memory_space<vmem>>, vector<16xf32>,
        tpu.vector_store %arg9[%swap3A_103, %swap3A_104], %get3A_102 {add = true, strides = array<i32>} : memref<128x256xf32, #tpu.memory_space<vmem>>, vector<16xf32>,
        %get3A_106 = arith.index_cast %scan3A_46 : i32 to index
        %get3A_107 = arith.constant 160 : index
        %get3A_108 = tpu.vector_load %arg10[%get3A_106, %get3A_107] {strides = array<i32>} : memref<128x256xf32, #tpu.memory_space<vmem>>, vector<16xf32>,
        %swap3A_109 = arith.index_cast %scan3A_46 : i32 to index
        %swap3A_110 = arith.constant 160 : index
        %swap3A_111 = tpu.vector_load %arg9[%swap3A_109, %swap3A_110] {strides = array<i32>} : memref<128x256xf32, #tpu.memory_space<vmem>>, vector<16xf32>,
        tpu.vector_store %arg9[%swap3A_109, %swap3A_110], %get3A_108 {add = true, strides = array<i32>} : memref<128x256xf32, #tpu.memory_space<vmem>>, vector<16xf32>,
        %get3A_112 = arith.index_cast %scan3A_46 : i32 to index
        %get3A_113 = arith.constant 176 : index
        %get3A_114 = tpu.vector_load %arg10[%get3A_112, %get3A_113] {strides = array<i32>} : memref<128x256xf32, #tpu.memory_space<vmem>>, vector<16xf32>,
        %swap3A_115 = arith.index_cast %scan3A_46 : i32 to index
        %swap3A_116 = arith.constant 176 : index
        %swap3A_117 = tpu.vector_load %arg9[%swap3A_115, %swap3A_116] {strides = array<i32>} : memref<128x256xf32, #tpu.memory_space<vmem>>, vector<16xf32>,
        tpu.vector_store %arg9[%swap3A_115, %swap3A_116], %get3A_114 {add = true, strides = array<i32>} : memref<128x256xf32, #tpu.memory_space<vmem>>, vector<16xf32>,
        %get3A_118 = arith.index_cast %scan3A_46 : i32 to index
        %get3A_119 = arith.constant 192 : index
        %get3A_120 = tpu.vector_load %arg10[%get3A_118, %get3A_119] {strides = array<i32>} : memref<128x256xf32, #tpu.memory_space<vmem>>, vector<16xf32>,
        %swap3A_121 = arith.index_cast %scan3A_46 : i32 to index
        %swap3A_122 = arith.constant 192 : index
        %swap3A_123 = tpu.vector_load %arg9[%swap3A_121, %swap3A_122] {strides = array<i32>} : memref<128x256xf32, #tpu.memory_space<vmem>>, vector<16xf32>,
        tpu.vector_store %arg9[%swap3A_121, %swap3A_122], %get3A_120 {add = true, strides = array<i32>} : memref<128x256xf32, #tpu.memory_space<vmem>>, vector<16xf32>,
        %get3A_124 = arith.index_cast %scan3A_46 : i32 to index
        %get3A_125 = arith.constant 208 : index
        %get3A_126 = tpu.vector_load %arg10[%get3A_124, %get3A_125] {strides = array<i32>} : memref<128x256xf32, #tpu.memory_space<vmem>>, vector<16xf32>,
        %swap3A_127 = arith.index_cast %scan3A_46 : i32 to index
        %swap3A_128 = arith.constant 208 : index
        %swap3A_129 = tpu.vector_load %arg9[%swap3A_127, %swap3A_128] {strides = array<i32>} : memref<128x256xf32, #tpu.memory_space<vmem>>, vector<16xf32>,
        tpu.vector_store %arg9[%swap3A_127, %swap3A_128], %get3A_126 {add = true, strides = array<i32>} : memref<128x256xf32, #tpu.memory_space<vmem>>, vector<16xf32>,
        %get3A_130 = arith.index_cast %scan3A_46 : i32 to index
        %get3A_131 = arith.constant 224 : index
        %get3A_132 = tpu.vector_load %arg10[%get3A_130, %get3A_131] {strides = array<i32>} : memref<128x256xf32, #tpu.memory_space<vmem>>, vector<16xf32>,
        %swap3A_133 = arith.index_cast %scan3A_46 : i32 to index
        %swap3A_134 = arith.constant 224 : index
        %swap3A_135 = tpu.vector_load %arg9[%swap3A_133, %swap3A_134] {strides = array<i32>} : memref<128x256xf32, #tpu.memory_space<vmem>>, vector<16xf32>,
        tpu.vector_store %arg9[%swap3A_133, %swap3A_134], %get3A_132 {add = true, strides = array<i32>} : memref<128x256xf32, #tpu.memory_space<vmem>>, vector<16xf32>,
        %get3A_136 = arith.index_cast %scan3A_46 : i32 to index
        %get3A_137 = arith.constant 240 : index
        %get3A_138 = tpu.vector_load %arg10[%get3A_136, %get3A_137] {strides = array<i32>} : memref<128x256xf32, #tpu.memory_space<vmem>>, vector<16xf32>,
        %swap3A_139 = arith.index_cast %scan3A_46 : i32 to index
        %swap3A_140 = arith.constant 240 : index
        %swap3A_141 = tpu.vector_load %arg9[%swap3A_139, %swap3A_140] {strides = array<i32>} : memref<128x256xf32, #tpu.memory_space<vmem>>, vector<16xf32>,
        tpu.vector_store %arg9[%swap3A_139, %swap3A_140], %get3A_138 {add = true, strides = array<i32>} : memref<128x256xf32, #tpu.memory_space<vmem>>, vector<16xf32>,
        %scan3A_142 = arith.constant 0 : i32
        scf.yield %scan3A_142 : i32
      }
      %scan3A_44 = arith.constant 128 : i32
      "tpu.region"() ({
        %run_scoped3A = tpu.sem_alloc : memref<!tpu.dma_semaphore, #tpu.memory_space<semaphore_mem>>
        %dma_start3A_46 = arith.constant 0 : i32
        %dma_start3A_47 = tpu.memref_slice %arg6[%mul3A_28, %dma_start3A_46] : memref<160000x256xf32, #tpu.memory_space<hbm>> -> memref<128x256xf32, #tpu.memory_space<hbm>>
        %dma_start3A_48 = arith.constant 0 : i32
        %dma_start3A_49 = tpu.memref_slice %arg6[%mul3A_28, %dma_start3A_48] : memref<160000x256xf32, #tpu.memory_space<hbm>> -> memref<128x256xf32, #tpu.memory_space<hbm>>
        tpu.enqueue_dma source(%arg9 : memref<128x256xf32, #tpu.memory_space<vmem>>) target(%dma_start3A_49 : memref<128x256xf32, #tpu.memory_space<hbm>>) target_semaphore(%run_scoped3A : memref<!tpu.dma_semaphore, #tpu.memory_space<semaphore_mem>>)
        %dma_wait3A_50 = arith.constant 0 : i32
        %dma_wait3A_51 = tpu.memref_slice %arg6[%mul3A_28, %dma_wait3A_50] : memref<160000x256xf32, #tpu.memory_space<hbm>> -> memref<128x256xf32, #tpu.memory_space<hbm>>
        %dma_wait3A_52 = arith.constant 0 : i32
        %dma_wait3A_53 = tpu.memref_slice %arg6[%mul3A_28, %dma_wait3A_52] : memref<160000x256xf32, #tpu.memory_space<hbm>> -> memref<128x256xf32, #tpu.memory_space<hbm>>
        tpu.wait_dma2 semaphore(%run_scoped3A : memref<!tpu.dma_semaphore, #tpu.memory_space<semaphore_mem>>) src(%arg9 : memref<128x256xf32, #tpu.memory_space<vmem>>) dst(%dma_wait3A_53 : memref<128x256xf32, #tpu.memory_space<hbm>>)
        tpu.yield
      }) : () -> ()
      %while3A_45 = arith.constant 0 : i32
      scf.yield %while3A_45 : i32
    }
    %while3A_22 = arith.constant 1 : i32
    %while3A_23 = scf.for %while3A_24 = %while3A_19 to %while3A_15 step %while3A_22 iter_args(%while3A_25 = %while3A_21) -> (i32)  : i32 {
      %add3A_26 = arith.addi %select_n3A_12, %while3A_24 : i32
      %mul3A_27 = arith.constant 128 : i32
      %mul3A_28 = arith.muli %add3A_26, %mul3A_27 : i32
      "tpu.region"() ({
        %run_scoped3A = tpu.sem_alloc : memref<!tpu.dma_semaphore, #tpu.memory_space<semaphore_mem>>
        %dma_start3A_46 = tpu.memref_slice %arg4[%mul3A_28] : memref<160000xi32, #tpu.memory_space<hbm>> -> memref<128xi32, #tpu.memory_space<hbm>>
        %dma_start3A_47 = tpu.memref_slice %arg4[%mul3A_28] : memref<160000xi32, #tpu.memory_space<hbm>> -> memref<128xi32, #tpu.memory_space<hbm>>
        tpu.enqueue_dma source(%dma_start3A_47 : memref<128xi32, #tpu.memory_space<hbm>>) target(%arg7 : memref<128xi32, #tpu.memory_space<vmem>>) target_semaphore(%run_scoped3A : memref<!tpu.dma_semaphore, #tpu.memory_space<semaphore_mem>>)
        %dma_wait3A_48 = tpu.memref_slice %arg4[%mul3A_28] : memref<160000xi32, #tpu.memory_space<hbm>> -> memref<128xi32, #tpu.memory_space<hbm>>
        %dma_wait3A_49 = tpu.memref_slice %arg4[%mul3A_28] : memref<160000xi32, #tpu.memory_space<hbm>> -> memref<128xi32, #tpu.memory_space<hbm>>
        tpu.wait_dma2 semaphore(%run_scoped3A : memref<!tpu.dma_semaphore, #tpu.memory_space<semaphore_mem>>) src(%dma_wait3A_49 : memref<128xi32, #tpu.memory_space<hbm>>) dst(%arg7 : memref<128xi32, #tpu.memory_space<vmem>>)
        tpu.yield
      }) : () -> ()
      "tpu.region"() ({
        %run_scoped3A = tpu.sem_alloc : memref<!tpu.dma_semaphore, #tpu.memory_space<semaphore_mem>>
        %dma_start3A_46 = tpu.memref_slice %arg5[%mul3A_28] : memref<160000xi32, #tpu.memory_space<hbm>> -> memref<128xi32, #tpu.memory_space<hbm>>
        %dma_start3A_47 = tpu.memref_slice %arg5[%mul3A_28] : memref<160000xi32, #tpu.memory_space<hbm>> -> memref<128xi32, #tpu.memory_space<hbm>>
        tpu.enqueue_dma source(%dma_start3A_47 : memref<128xi32, #tpu.memory_space<hbm>>) target(%arg8 : memref<128xi32, #tpu.memory_space<vmem>>) target_semaphore(%run_scoped3A : memref<!tpu.dma_semaphore, #tpu.memory_space<semaphore_mem>>)
        %dma_wait3A_48 = tpu.memref_slice %arg5[%mul3A_28] : memref<160000xi32, #tpu.memory_space<hbm>> -> memref<128xi32, #tpu.memory_space<hbm>>
        %dma_wait3A_49 = tpu.memref_slice %arg5[%mul3A_28] : memref<160000xi32, #tpu.memory_space<hbm>> -> memref<128xi32, #tpu.memory_space<hbm>>
        tpu.wait_dma2 semaphore(%run_scoped3A : memref<!tpu.dma_semaphore, #tpu.memory_space<semaphore_mem>>) src(%dma_wait3A_49 : memref<128xi32, #tpu.memory_space<hbm>>) dst(%arg8 : memref<128xi32, #tpu.memory_space<vmem>>)
        tpu.yield
      }) : () -> ()
      %dma_start3A = arith.constant 0 : i32
      %dma_start3A_29 = arith.constant 0 : i32
      %dma_start3A_30 = tpu.memref_slice %arg2[%dma_start3A, %dma_start3A_29] : memref<10000x256xf32, #tpu.memory_space<hbm>> -> memref<10000x256xf32, #tpu.memory_space<hbm>>
      tpu.enqueue_indirect_dma source(%dma_start3A_30 : memref<10000x256xf32, #tpu.memory_space<hbm>>) target(%arg9 : memref<128x256xf32, #tpu.memory_space<vmem>>) offsets(%arg7 : memref<128xi32, #tpu.memory_space<vmem>>) semaphore(%arg11 : memref<!tpu.dma_semaphore, #tpu.memory_space<semaphore_mem>>)
      %dma_start3A_31 = arith.constant 0 : i32
      %dma_start3A_32 = arith.constant 0 : i32
      %dma_start3A_33 = tpu.memref_slice %arg3[%dma_start3A_31, %dma_start3A_32] : memref<10000x256xf32, #tpu.memory_space<hbm>> -> memref<10000x256xf32, #tpu.memory_space<hbm>>
      tpu.enqueue_indirect_dma source(%dma_start3A_33 : memref<10000x256xf32, #tpu.memory_space<hbm>>) target(%arg10 : memref<128x256xf32, #tpu.memory_space<vmem>>) offsets(%arg8 : memref<128xi32, #tpu.memory_space<vmem>>) semaphore(%arg11 : memref<!tpu.dma_semaphore, #tpu.memory_space<semaphore_mem>>)
      %dma_wait3A = arith.constant 0 : i32
      %dma_wait3A_34 = arith.constant 0 : i32
      %dma_wait3A_35 = tpu.memref_slice %arg2[%dma_wait3A, %dma_wait3A_34] : memref<10000x256xf32, #tpu.memory_space<hbm>> -> memref<10000x256xf32, #tpu.memory_space<hbm>>
      tpu.wait_indirect_dma semaphore(%arg11 : memref<!tpu.dma_semaphore, #tpu.memory_space<semaphore_mem>>) src(%dma_wait3A_35 : memref<10000x256xf32, #tpu.memory_space<hbm>>) dst(%arg9 : memref<128x256xf32, #tpu.memory_space<vmem>>)
      %dma_wait3A_36 = arith.constant 0 : i32
      %dma_wait3A_37 = arith.constant 0 : i32
      %dma_wait3A_38 = tpu.memref_slice %arg3[%dma_wait3A_36, %dma_wait3A_37] : memref<10000x256xf32, #tpu.memory_space<hbm>> -> memref<10000x256xf32, #tpu.memory_space<hbm>>
      tpu.wait_indirect_dma semaphore(%arg11 : memref<!tpu.dma_semaphore, #tpu.memory_space<semaphore_mem>>) src(%dma_wait3A_38 : memref<10000x256xf32, #tpu.memory_space<hbm>>) dst(%arg10 : memref<128x256xf32, #tpu.memory_space<vmem>>)
      %scan3A = arith.constant 0 : i32
      %scan3A_39 = arith.constant 0 : i32
      %scan3A_40 = arith.constant 128 : i32
      %scan3A_41 = arith.addi %scan3A_39, %scan3A_40 : i32
      %scan3A_42 = arith.constant 1 : i32
      %scan3A_43 = scf.for %scan3A_46 = %scan3A_39 to %scan3A_41 step %scan3A_42 iter_args(%scan3A_47 = %scan3A) -> (i32)  : i32 {
        %get3A = arith.index_cast %scan3A_46 : i32 to index
        %get3A_48 = arith.constant 0 : index
        %get3A_49 = tpu.vector_load %arg10[%get3A, %get3A_48] {strides = array<i32>} : memref<128x256xf32, #tpu.memory_space<vmem>>, vector<16xf32>,
        %swap3A = arith.index_cast %scan3A_46 : i32 to index
        %swap3A_50 = arith.constant 0 : index
        %swap3A_51 = tpu.vector_load %arg9[%swap3A, %swap3A_50] {strides = array<i32>} : memref<128x256xf32, #tpu.memory_space<vmem>>, vector<16xf32>,
        tpu.vector_store %arg9[%swap3A, %swap3A_50], %get3A_49 {add = true, strides = array<i32>} : memref<128x256xf32, #tpu.memory_space<vmem>>, vector<16xf32>,
        %get3A_52 = arith.index_cast %scan3A_46 : i32 to index
        %get3A_53 = arith.constant 16 : index
        %get3A_54 = tpu.vector_load %arg10[%get3A_52, %get3A_53] {strides = array<i32>} : memref<128x256xf32, #tpu.memory_space<vmem>>, vector<16xf32>,
        %swap3A_55 = arith.index_cast %scan3A_46 : i32 to index
        %swap3A_56 = arith.constant 16 : index
        %swap3A_57 = tpu.vector_load %arg9[%swap3A_55, %swap3A_56] {strides = array<i32>} : memref<128x256xf32, #tpu.memory_space<vmem>>, vector<16xf32>,
        tpu.vector_store %arg9[%swap3A_55, %swap3A_56], %get3A_54 {add = true, strides = array<i32>} : memref<128x256xf32, #tpu.memory_space<vmem>>, vector<16xf32>,
        %get3A_58 = arith.index_cast %scan3A_46 : i32 to index
        %get3A_59 = arith.constant 32 : index
        %get3A_60 = tpu.vector_load %arg10[%get3A_58, %get3A_59] {strides = array<i32>} : memref<128x256xf32, #tpu.memory_space<vmem>>, vector<16xf32>,
        %swap3A_61 = arith.index_cast %scan3A_46 : i32 to index
        %swap3A_62 = arith.constant 32 : index
        %swap3A_63 = tpu.vector_load %arg9[%swap3A_61, %swap3A_62] {strides = array<i32>} : memref<128x256xf32, #tpu.memory_space<vmem>>, vector<16xf32>,
        tpu.vector_store %arg9[%swap3A_61, %swap3A_62], %get3A_60 {add = true, strides = array<i32>} : memref<128x256xf32, #tpu.memory_space<vmem>>, vector<16xf32>,
        %get3A_64 = arith.index_cast %scan3A_46 : i32 to index
        %get3A_65 = arith.constant 48 : index
        %get3A_66 = tpu.vector_load %arg10[%get3A_64, %get3A_65] {strides = array<i32>} : memref<128x256xf32, #tpu.memory_space<vmem>>, vector<16xf32>,
        %swap3A_67 = arith.index_cast %scan3A_46 : i32 to index
        %swap3A_68 = arith.constant 48 : index
        %swap3A_69 = tpu.vector_load %arg9[%swap3A_67, %swap3A_68] {strides = array<i32>} : memref<128x256xf32, #tpu.memory_space<vmem>>, vector<16xf32>,
        tpu.vector_store %arg9[%swap3A_67, %swap3A_68], %get3A_66 {add = true, strides = array<i32>} : memref<128x256xf32, #tpu.memory_space<vmem>>, vector<16xf32>,
        %get3A_70 = arith.index_cast %scan3A_46 : i32 to index
        %get3A_71 = arith.constant 64 : index
        %get3A_72 = tpu.vector_load %arg10[%get3A_70, %get3A_71] {strides = array<i32>} : memref<128x256xf32, #tpu.memory_space<vmem>>, vector<16xf32>,
        %swap3A_73 = arith.index_cast %scan3A_46 : i32 to index
        %swap3A_74 = arith.constant 64 : index
        %swap3A_75 = tpu.vector_load %arg9[%swap3A_73, %swap3A_74] {strides = array<i32>} : memref<128x256xf32, #tpu.memory_space<vmem>>, vector<16xf32>,
        tpu.vector_store %arg9[%swap3A_73, %swap3A_74], %get3A_72 {add = true, strides = array<i32>} : memref<128x256xf32, #tpu.memory_space<vmem>>, vector<16xf32>,
        %get3A_76 = arith.index_cast %scan3A_46 : i32 to index
        %get3A_77 = arith.constant 80 : index
        %get3A_78 = tpu.vector_load %arg10[%get3A_76, %get3A_77] {strides = array<i32>} : memref<128x256xf32, #tpu.memory_space<vmem>>, vector<16xf32>,
        %swap3A_79 = arith.index_cast %scan3A_46 : i32 to index
        %swap3A_80 = arith.constant 80 : index
        %swap3A_81 = tpu.vector_load %arg9[%swap3A_79, %swap3A_80] {strides = array<i32>} : memref<128x256xf32, #tpu.memory_space<vmem>>, vector<16xf32>,
        tpu.vector_store %arg9[%swap3A_79, %swap3A_80], %get3A_78 {add = true, strides = array<i32>} : memref<128x256xf32, #tpu.memory_space<vmem>>, vector<16xf32>,
        %get3A_82 = arith.index_cast %scan3A_46 : i32 to index
        %get3A_83 = arith.constant 96 : index
        %get3A_84 = tpu.vector_load %arg10[%get3A_82, %get3A_83] {strides = array<i32>} : memref<128x256xf32, #tpu.memory_space<vmem>>, vector<16xf32>,
        %swap3A_85 = arith.index_cast %scan3A_46 : i32 to index
        %swap3A_86 = arith.constant 96 : index
        %swap3A_87 = tpu.vector_load %arg9[%swap3A_85, %swap3A_86] {strides = array<i32>} : memref<128x256xf32, #tpu.memory_space<vmem>>, vector<16xf32>,
        tpu.vector_store %arg9[%swap3A_85, %swap3A_86], %get3A_84 {add = true, strides = array<i32>} : memref<128x256xf32, #tpu.memory_space<vmem>>, vector<16xf32>,
        %get3A_88 = arith.index_cast %scan3A_46 : i32 to index
        %get3A_89 = arith.constant 112 : index
        %get3A_90 = tpu.vector_load %arg10[%get3A_88, %get3A_89] {strides = array<i32>} : memref<128x256xf32, #tpu.memory_space<vmem>>, vector<16xf32>,
        %swap3A_91 = arith.index_cast %scan3A_46 : i32 to index
        %swap3A_92 = arith.constant 112 : index
        %swap3A_93 = tpu.vector_load %arg9[%swap3A_91, %swap3A_92] {strides = array<i32>} : memref<128x256xf32, #tpu.memory_space<vmem>>, vector<16xf32>,
        tpu.vector_store %arg9[%swap3A_91, %swap3A_92], %get3A_90 {add = true, strides = array<i32>} : memref<128x256xf32, #tpu.memory_space<vmem>>, vector<16xf32>,
        %get3A_94 = arith.index_cast %scan3A_46 : i32 to index
        %get3A_95 = arith.constant 128 : index
        %get3A_96 = tpu.vector_load %arg10[%get3A_94, %get3A_95] {strides = array<i32>} : memref<128x256xf32, #tpu.memory_space<vmem>>, vector<16xf32>,
        %swap3A_97 = arith.index_cast %scan3A_46 : i32 to index
        %swap3A_98 = arith.constant 128 : index
        %swap3A_99 = tpu.vector_load %arg9[%swap3A_97, %swap3A_98] {strides = array<i32>} : memref<128x256xf32, #tpu.memory_space<vmem>>, vector<16xf32>,
        tpu.vector_store %arg9[%swap3A_97, %swap3A_98], %get3A_96 {add = true, strides = array<i32>} : memref<128x256xf32, #tpu.memory_space<vmem>>, vector<16xf32>,
        %get3A_100 = arith.index_cast %scan3A_46 : i32 to index
        %get3A_101 = arith.constant 144 : index
        %get3A_102 = tpu.vector_load %arg10[%get3A_100, %get3A_101] {strides = array<i32>} : memref<128x256xf32, #tpu.memory_space<vmem>>, vector<16xf32>,
        %swap3A_103 = arith.index_cast %scan3A_46 : i32 to index
        %swap3A_104 = arith.constant 144 : index
        %swap3A_105 = tpu.vector_load %arg9[%swap3A_103, %swap3A_104] {strides = array<i32>} : memref<128x256xf32, #tpu.memory_space<vmem>>, vector<16xf32>,
        tpu.vector_store %arg9[%swap3A_103, %swap3A_104], %get3A_102 {add = true, strides = array<i32>} : memref<128x256xf32, #tpu.memory_space<vmem>>, vector<16xf32>,
        %get3A_106 = arith.index_cast %scan3A_46 : i32 to index
        %get3A_107 = arith.constant 160 : index
        %get3A_108 = tpu.vector_load %arg10[%get3A_106, %get3A_107] {strides = array<i32>} : memref<128x256xf32, #tpu.memory_space<vmem>>, vector<16xf32>,
        %swap3A_109 = arith.index_cast %scan3A_46 : i32 to index
        %swap3A_110 = arith.constant 160 : index
        %swap3A_111 = tpu.vector_load %arg9[%swap3A_109, %swap3A_110] {strides = array<i32>} : memref<128x256xf32, #tpu.memory_space<vmem>>, vector<16xf32>,
        tpu.vector_store %arg9[%swap3A_109, %swap3A_110], %get3A_108 {add = true, strides = array<i32>} : memref<128x256xf32, #tpu.memory_space<vmem>>, vector<16xf32>,
        %get3A_112 = arith.index_cast %scan3A_46 : i32 to index
        %get3A_113 = arith.constant 176 : index
        %get3A_114 = tpu.vector_load %arg10[%get3A_112, %get3A_113] {strides = array<i32>} : memref<128x256xf32, #tpu.memory_space<vmem>>, vector<16xf32>,
        %swap3A_115 = arith.index_cast %scan3A_46 : i32 to index
        %swap3A_116 = arith.constant 176 : index
        %swap3A_117 = tpu.vector_load %arg9[%swap3A_115, %swap3A_116] {strides = array<i32>} : memref<128x256xf32, #tpu.memory_space<vmem>>, vector<16xf32>,
        tpu.vector_store %arg9[%swap3A_115, %swap3A_116], %get3A_114 {add = true, strides = array<i32>} : memref<128x256xf32, #tpu.memory_space<vmem>>, vector<16xf32>,
        %get3A_118 = arith.index_cast %scan3A_46 : i32 to index
        %get3A_119 = arith.constant 192 : index
        %get3A_120 = tpu.vector_load %arg10[%get3A_118, %get3A_119] {strides = array<i32>} : memref<128x256xf32, #tpu.memory_space<vmem>>, vector<16xf32>,
        %swap3A_121 = arith.index_cast %scan3A_46 : i32 to index
        %swap3A_122 = arith.constant 192 : index
        %swap3A_123 = tpu.vector_load %arg9[%swap3A_121, %swap3A_122] {strides = array<i32>} : memref<128x256xf32, #tpu.memory_space<vmem>>, vector<16xf32>,
        tpu.vector_store %arg9[%swap3A_121, %swap3A_122], %get3A_120 {add = true, strides = array<i32>} : memref<128x256xf32, #tpu.memory_space<vmem>>, vector<16xf32>,
        %get3A_124 = arith.index_cast %scan3A_46 : i32 to index
        %get3A_125 = arith.constant 208 : index
        %get3A_126 = tpu.vector_load %arg10[%get3A_124, %get3A_125] {strides = array<i32>} : memref<128x256xf32, #tpu.memory_space<vmem>>, vector<16xf32>,
        %swap3A_127 = arith.index_cast %scan3A_46 : i32 to index
        %swap3A_128 = arith.constant 208 : index
        %swap3A_129 = tpu.vector_load %arg9[%swap3A_127, %swap3A_128] {strides = array<i32>} : memref<128x256xf32, #tpu.memory_space<vmem>>, vector<16xf32>,
        tpu.vector_store %arg9[%swap3A_127, %swap3A_128], %get3A_126 {add = true, strides = array<i32>} : memref<128x256xf32, #tpu.memory_space<vmem>>, vector<16xf32>,
        %get3A_130 = arith.index_cast %scan3A_46 : i32 to index
        %get3A_131 = arith.constant 224 : index
        %get3A_132 = tpu.vector_load %arg10[%get3A_130, %get3A_131] {strides = array<i32>} : memref<128x256xf32, #tpu.memory_space<vmem>>, vector<16xf32>,
        %swap3A_133 = arith.index_cast %scan3A_46 : i32 to index
        %swap3A_134 = arith.constant 224 : index
        %swap3A_135 = tpu.vector_load %arg9[%swap3A_133, %swap3A_134] {strides = array<i32>} : memref<128x256xf32, #tpu.memory_space<vmem>>, vector<16xf32>,
        tpu.vector_store %arg9[%swap3A_133, %swap3A_134], %get3A_132 {add = true, strides = array<i32>} : memref<128x256xf32, #tpu.memory_space<vmem>>, vector<16xf32>,
        %get3A_136 = arith.index_cast %scan3A_46 : i32 to index
        %get3A_137 = arith.constant 240 : index
        %get3A_138 = tpu.vector_load %arg10[%get3A_136, %get3A_137] {strides = array<i32>} : memref<128x256xf32, #tpu.memory_space<vmem>>, vector<16xf32>,
        %swap3A_139 = arith.index_cast %scan3A_46 : i32 to index
        %swap3A_140 = arith.constant 240 : index
        %swap3A_141 = tpu.vector_load %arg9[%swap3A_139, %swap3A_140] {strides = array<i32>} : memref<128x256xf32, #tpu.memory_space<vmem>>, vector<16xf32>,
        tpu.vector_store %arg9[%swap3A_139, %swap3A_140], %get3A_138 {add = true, strides = array<i32>} : memref<128x256xf32, #tpu.memory_space<vmem>>, vector<16xf32>,
        %scan3A_142 = arith.constant 0 : i32
        scf.yield %scan3A_142 : i32
      }
      %scan3A_44 = arith.constant 128 : i32
      "tpu.region"() ({
        %run_scoped3A = tpu.sem_alloc : memref<!tpu.dma_semaphore, #tpu.memory_space<semaphore_mem>>
        %dma_start3A_46 = arith.constant 0 : i32
        %dma_start3A_47 = tpu.memref_slice %arg6[%mul3A_28, %dma_start3A_46] : memref<160000x256xf32, #tpu.memory_space<hbm>> -> memref<128x256xf32, #tpu.memory_space<hbm>>
        %dma_start3A_48 = arith.constant 0 : i32
        %dma_start3A_49 = tpu.memref_slice %arg6[%mul3A_28, %dma_start3A_48] : memref<160000x256xf32, #tpu.memory_space<hbm>> -> memref<128x256xf32, #tpu.memory_space<hbm>>
        tpu.enqueue_dma source(%arg9 : memref<128x256xf32, #tpu.memory_space<vmem>>) target(%dma_start3A_49 : memref<128x256xf32, #tpu.memory_space<hbm>>) target_semaphore(%run_scoped3A : memref<!tpu.dma_semaphore, #tpu.memory_space<semaphore_mem>>)
        %dma_wait3A_50 = arith.constant 0 : i32
        %dma_wait3A_51 = tpu.memref_slice %arg6[%mul3A_28, %dma_wait3A_50] : memref<160000x256xf32, #tpu.memory_space<hbm>> -> memref<128x256xf32, #tpu.memory_space<hbm>>
        %dma_wait3A_52 = arith.constant 0 : i32
        %dma_wait3A_53 = tpu.memref_slice %arg6[%mul3A_28, %dma_wait3A_52] : memref<160000x256xf32, #tpu.memory_space<hbm>> -> memref<128x256xf32, #tpu.memory_space<hbm>>
        tpu.wait_dma2 semaphore(%run_scoped3A : memref<!tpu.dma_semaphore, #tpu.memory_space<semaphore_mem>>) src(%arg9 : memref<128x256xf32, #tpu.memory_space<vmem>>) dst(%dma_wait3A_53 : memref<128x256xf32, #tpu.memory_space<hbm>>)
        tpu.yield
      }) : () -> ()
      %while3A_45 = arith.constant 0 : i32
      scf.yield %while3A_45 : i32
    }
    return
  }
}

#map = affine_map<(d0, d1) -> (0, 0)>
#map1 = affine_map<(d0, d1) -> (0)>
module attributes {stable_mosaic.version = 14 : i64} {
  func.func @_scatter_body(%arg0: i32, %arg1: i32, %arg2: memref<160000x128xf32, #tpu.memory_space<hbm>>, %arg3: memref<160000x128xf32, #tpu.memory_space<hbm>>, %arg4: memref<160000x8xf32, #tpu.memory_space<hbm>>, %arg5: memref<160000xi32, #tpu.memory_space<hbm>>, %arg6: memref<5120x128xf32, #tpu.memory_space<hbm>>, %arg7: memref<5120x8xf32, #tpu.memory_space<hbm>>, %arg8: memref<10000x128xf32, #tpu.memory_space<hbm>>, %arg9: memref<10000x128xf32, #tpu.memory_space<hbm>>, %arg10: memref<10000x8xf32, #tpu.memory_space<hbm>>, %arg11: memref<10240xi32, #tpu.memory_space<vmem>>, %arg12: memref<128xi32, #tpu.memory_space<vmem>>, %arg13: memref<128xi32, #tpu.memory_space<vmem>>, %arg14: memref<128x128xf32, #tpu.memory_space<vmem>>, %arg15: memref<128x128xf32, #tpu.memory_space<vmem>>, %arg16: memref<128x8xf32, #tpu.memory_space<vmem>>, %arg17: memref<128x8xf32, #tpu.memory_space<vmem>>, %arg18: memref<!tpu.dma_semaphore, #tpu.memory_space<semaphore_mem>>, %arg19: memref<!tpu.dma_semaphore, #tpu.memory_space<semaphore_mem>>, %arg20: memref<5120x128xf32, #tpu.memory_space<vmem_shared>>, %arg21: memref<5120x8xf32, #tpu.memory_space<vmem_shared>>) attributes {dimension_semantics = [#tpu.dimension_semantics<core_parallel>, #tpu.dimension_semantics<subcore_parallel>], iteration_bounds = array<i64: 2, 16>, scalar_prefetch = 0 : i64, scratch_operands = 11 : i64, tpu.core_type = #tpu.core_type<sc_vector_subcore>, window_params = [{transform_indices = #map}, {transform_indices = #map}, {transform_indices = #map}, {transform_indices = #map1}, {transform_indices = #map}, {transform_indices = #map}, {transform_indices = #map}, {transform_indices = #map}, {transform_indices = #map}]} {
    %lt3A = arith.constant 2 : i32
    %lt3A_0 = arith.cmpi slt, %arg1, %lt3A : i32
    %jit3A = arith.constant 79 : i32
    %jit3A_1 = arith.constant 78 : i32
    %select_n3A = arith.select %lt3A_0, %jit3A, %jit3A_1 : i32
    %lt3A_2 = arith.constant 2 : i32
    %lt3A_3 = arith.cmpi slt, %arg1, %lt3A_2 : i32
    %mul3A = arith.constant 79 : i32
    %mul3A_4 = arith.muli %mul3A, %arg1 : i32
    %sub3A = arith.constant 2 : i32
    %sub3A_5 = arith.subi %arg1, %sub3A : i32
    %mul3A_6 = arith.constant 78 : i32
    %mul3A_7 = arith.muli %mul3A_6, %sub3A_5 : i32
    %add3A = arith.constant 158 : i32
    %add3A_8 = arith.addi %add3A, %mul3A_7 : i32
    %select_n3A_9 = arith.select %lt3A_3, %mul3A_4, %add3A_8 : i32
    %scan3A = arith.constant 0 : i32
    %scan3A_10 = arith.constant 0 : i32
    %scan3A_11 = arith.constant 2 : i32
    %scan3A_12 = arith.addi %scan3A_10, %scan3A_11 : i32
    %scan3A_13 = arith.constant 1 : i32
    %scan3A_14 = scf.for %scan3A_16 = %scan3A_10 to %scan3A_12 step %scan3A_13 iter_args(%scan3A_17 = %scan3A) -> (i32)  : i32 {
      %mul3A_18 = arith.constant 5000 : i32
      %mul3A_19 = arith.muli %scan3A_16, %mul3A_18 : i32
      %eq3A = arith.constant 0 : i32
      %eq3A_20 = arith.cmpi eq, %arg0, %eq3A : i32
      %mul3A_21 = arith.constant 320 : i32
      %mul3A_22 = arith.muli %arg1, %mul3A_21 : i32
      %mul3A_23 = arith.constant 320 : i32
      %mul3A_24 = arith.muli %arg1, %mul3A_23 : i32
      "tpu.region"() ({
        %run_scoped3A = tpu.sem_alloc : memref<!tpu.dma_semaphore, #tpu.memory_space<semaphore_mem>>
        %dma_start3A = arith.constant 0 : i32
        %dma_start3A_57 = tpu.memref_slice %arg20[%mul3A_24, %dma_start3A] : memref<5120x128xf32, #tpu.memory_space<vmem_shared>> -> memref<320x128xf32, #tpu.memory_space<vmem_shared>>
        %dma_start3A_58 = arith.constant 0 : i32
        %dma_start3A_59 = tpu.memref_slice %arg6[%mul3A_22, %dma_start3A_58] : memref<5120x128xf32, #tpu.memory_space<hbm>> -> memref<320x128xf32, #tpu.memory_space<hbm>>
        tpu.enqueue_dma source(%dma_start3A_59 : memref<320x128xf32, #tpu.memory_space<hbm>>) target(%dma_start3A_57 : memref<320x128xf32, #tpu.memory_space<vmem_shared>>) target_semaphore(%run_scoped3A : memref<!tpu.dma_semaphore, #tpu.memory_space<semaphore_mem>>)
        %dma_wait3A = arith.constant 0 : i32
        %dma_wait3A_60 = tpu.memref_slice %arg20[%mul3A_24, %dma_wait3A] : memref<5120x128xf32, #tpu.memory_space<vmem_shared>> -> memref<320x128xf32, #tpu.memory_space<vmem_shared>>
        %dma_wait3A_61 = arith.constant 0 : i32
        %dma_wait3A_62 = tpu.memref_slice %arg6[%mul3A_22, %dma_wait3A_61] : memref<5120x128xf32, #tpu.memory_space<hbm>> -> memref<320x128xf32, #tpu.memory_space<hbm>>
        tpu.wait_dma2 semaphore(%run_scoped3A : memref<!tpu.dma_semaphore, #tpu.memory_space<semaphore_mem>>) src(%dma_wait3A_62 : memref<320x128xf32, #tpu.memory_space<hbm>>) dst(%dma_wait3A_60 : memref<320x128xf32, #tpu.memory_space<vmem_shared>>)
        tpu.yield
      }) : () -> ()
      %mul3A_25 = arith.constant 320 : i32
      %mul3A_26 = arith.muli %arg1, %mul3A_25 : i32
      %mul3A_27 = arith.constant 320 : i32
      %mul3A_28 = arith.muli %arg1, %mul3A_27 : i32
      "tpu.region"() ({
        %run_scoped3A = tpu.sem_alloc : memref<!tpu.dma_semaphore, #tpu.memory_space<semaphore_mem>>
        %dma_start3A = arith.constant 0 : i32
        %dma_start3A_57 = tpu.memref_slice %arg21[%mul3A_28, %dma_start3A] : memref<5120x8xf32, #tpu.memory_space<vmem_shared>> -> memref<320x8xf32, #tpu.memory_space<vmem_shared>>
        %dma_start3A_58 = arith.constant 0 : i32
        %dma_start3A_59 = tpu.memref_slice %arg7[%mul3A_26, %dma_start3A_58] : memref<5120x8xf32, #tpu.memory_space<hbm>> -> memref<320x8xf32, #tpu.memory_space<hbm>>
        tpu.enqueue_dma source(%dma_start3A_59 : memref<320x8xf32, #tpu.memory_space<hbm>>) target(%dma_start3A_57 : memref<320x8xf32, #tpu.memory_space<vmem_shared>>) target_semaphore(%run_scoped3A : memref<!tpu.dma_semaphore, #tpu.memory_space<semaphore_mem>>)
        %dma_wait3A = arith.constant 0 : i32
        %dma_wait3A_60 = tpu.memref_slice %arg21[%mul3A_28, %dma_wait3A] : memref<5120x8xf32, #tpu.memory_space<vmem_shared>> -> memref<320x8xf32, #tpu.memory_space<vmem_shared>>
        %dma_wait3A_61 = arith.constant 0 : i32
        %dma_wait3A_62 = tpu.memref_slice %arg7[%mul3A_26, %dma_wait3A_61] : memref<5120x8xf32, #tpu.memory_space<hbm>> -> memref<320x8xf32, #tpu.memory_space<hbm>>
        tpu.wait_dma2 semaphore(%run_scoped3A : memref<!tpu.dma_semaphore, #tpu.memory_space<semaphore_mem>>) src(%dma_wait3A_62 : memref<320x8xf32, #tpu.memory_space<hbm>>) dst(%dma_wait3A_60 : memref<320x8xf32, #tpu.memory_space<vmem_shared>>)
        tpu.yield
      }) : () -> ()
      %barrier3A = arith.constant 0 : index
      tpu.barrier barrier_id(%barrier3A)
      %iota3A = tpu.iota {dimensions = array<i32: 0>} : vector<16xi32>
      %add3A_29 = arith.constant 5000 : i32
      %add3A_30 = vector.broadcast %add3A_29 : i32 to vector<16xi32>
      %add3A_31 = arith.addi %add3A_30, %iota3A : vector<16xi32>
      %while3A = arith.constant 0 : i32
      %while3A_32 = arith.constant 0 : i32
      %while3A_33 = arith.subi %select_n3A, %while3A : i32
      %while3A_34 = arith.addi %while3A, %while3A_33 : i32
      %while3A_35 = arith.constant 1 : i32
      %while3A_36 = arith.divsi %while3A_33, %while3A_35 : i32
      %while3A_37 = arith.muli %while3A_36, %while3A_35 : i32
      %while3A_38 = arith.addi %while3A, %while3A_37 : i32
      %while3A_39 = arith.constant 1 : i32
      %while3A_40 = scf.for %while3A_57 = %while3A to %while3A_38 step %while3A_39 iter_args(%while3A_58 = %while3A_32) -> (i32)  : i32 {
        %add3A_59 = arith.addi %select_n3A_9, %while3A_57 : i32
        %mul3A_60 = arith.constant 128 : i32
        %mul3A_61 = arith.muli %add3A_59, %mul3A_60 : i32
        "tpu.region"() ({
          %run_scoped3A = tpu.sem_alloc : memref<!tpu.dma_semaphore, #tpu.memory_space<semaphore_mem>>
          %dma_start3A = tpu.memref_slice %arg5[%mul3A_61] : memref<160000xi32, #tpu.memory_space<hbm>> -> memref<128xi32, #tpu.memory_space<hbm>>
          %dma_start3A_187 = tpu.memref_slice %arg5[%mul3A_61] : memref<160000xi32, #tpu.memory_space<hbm>> -> memref<128xi32, #tpu.memory_space<hbm>>
          tpu.enqueue_dma source(%dma_start3A_187 : memref<128xi32, #tpu.memory_space<hbm>>) target(%arg12 : memref<128xi32, #tpu.memory_space<vmem>>) target_semaphore(%run_scoped3A : memref<!tpu.dma_semaphore, #tpu.memory_space<semaphore_mem>>)
          %dma_wait3A = tpu.memref_slice %arg5[%mul3A_61] : memref<160000xi32, #tpu.memory_space<hbm>> -> memref<128xi32, #tpu.memory_space<hbm>>
          %dma_wait3A_188 = tpu.memref_slice %arg5[%mul3A_61] : memref<160000xi32, #tpu.memory_space<hbm>> -> memref<128xi32, #tpu.memory_space<hbm>>
          tpu.wait_dma2 semaphore(%run_scoped3A : memref<!tpu.dma_semaphore, #tpu.memory_space<semaphore_mem>>) src(%dma_wait3A_188 : memref<128xi32, #tpu.memory_space<hbm>>) dst(%arg12 : memref<128xi32, #tpu.memory_space<vmem>>)
          tpu.yield
        }) : () -> ()
        %eq3A_62 = arith.constant 0 : i32
        %eq3A_63 = arith.cmpi eq, %arg0, %eq3A_62 : i32
        %convert_element_type3A_64 = arith.extui %eq3A_63 : i1 to i32
        %cond3A_65 = arith.constant 0 : i32
        %cond3A_66 = arith.cmpi ne, %convert_element_type3A_64, %cond3A_65 : i32
        scf.if %cond3A_66 {
          "tpu.region"() ({
            %run_scoped3A = tpu.sem_alloc : memref<!tpu.dma_semaphore, #tpu.memory_space<semaphore_mem>>
            %dma_start3A = arith.constant 0 : i32
            %dma_start3A_187 = tpu.memref_slice %arg2[%mul3A_61, %dma_start3A] : memref<160000x128xf32, #tpu.memory_space<hbm>> -> memref<128x128xf32, #tpu.memory_space<hbm>>
            %dma_start3A_188 = arith.constant 0 : i32
            %dma_start3A_189 = tpu.memref_slice %arg2[%mul3A_61, %dma_start3A_188] : memref<160000x128xf32, #tpu.memory_space<hbm>> -> memref<128x128xf32, #tpu.memory_space<hbm>>
            tpu.enqueue_dma source(%dma_start3A_189 : memref<128x128xf32, #tpu.memory_space<hbm>>) target(%arg14 : memref<128x128xf32, #tpu.memory_space<vmem>>) target_semaphore(%run_scoped3A : memref<!tpu.dma_semaphore, #tpu.memory_space<semaphore_mem>>)
            %dma_wait3A = arith.constant 0 : i32
            %dma_wait3A_190 = tpu.memref_slice %arg2[%mul3A_61, %dma_wait3A] : memref<160000x128xf32, #tpu.memory_space<hbm>> -> memref<128x128xf32, #tpu.memory_space<hbm>>
            %dma_wait3A_191 = arith.constant 0 : i32
            %dma_wait3A_192 = tpu.memref_slice %arg2[%mul3A_61, %dma_wait3A_191] : memref<160000x128xf32, #tpu.memory_space<hbm>> -> memref<128x128xf32, #tpu.memory_space<hbm>>
            tpu.wait_dma2 semaphore(%run_scoped3A : memref<!tpu.dma_semaphore, #tpu.memory_space<semaphore_mem>>) src(%dma_wait3A_192 : memref<128x128xf32, #tpu.memory_space<hbm>>) dst(%arg14 : memref<128x128xf32, #tpu.memory_space<vmem>>)
            tpu.yield
          }) : () -> ()
        } else {
        }
        %eq3A_67 = arith.constant 1 : i32
        %eq3A_68 = arith.cmpi eq, %arg0, %eq3A_67 : i32
        %convert_element_type3A_69 = arith.extui %eq3A_68 : i1 to i32
        %cond3A_70 = arith.constant 0 : i32
        %cond3A_71 = arith.cmpi ne, %convert_element_type3A_69, %cond3A_70 : i32
        scf.if %cond3A_71 {
          "tpu.region"() ({
            %run_scoped3A = tpu.sem_alloc : memref<!tpu.dma_semaphore, #tpu.memory_space<semaphore_mem>>
            %dma_start3A = arith.constant 0 : i32
            %dma_start3A_187 = tpu.memref_slice %arg3[%mul3A_61, %dma_start3A] : memref<160000x128xf32, #tpu.memory_space<hbm>> -> memref<128x128xf32, #tpu.memory_space<hbm>>
            %dma_start3A_188 = arith.constant 0 : i32
            %dma_start3A_189 = tpu.memref_slice %arg3[%mul3A_61, %dma_start3A_188] : memref<160000x128xf32, #tpu.memory_space<hbm>> -> memref<128x128xf32, #tpu.memory_space<hbm>>
            tpu.enqueue_dma source(%dma_start3A_189 : memref<128x128xf32, #tpu.memory_space<hbm>>) target(%arg14 : memref<128x128xf32, #tpu.memory_space<vmem>>) target_semaphore(%run_scoped3A : memref<!tpu.dma_semaphore, #tpu.memory_space<semaphore_mem>>)
            %dma_wait3A = arith.constant 0 : i32
            %dma_wait3A_190 = tpu.memref_slice %arg3[%mul3A_61, %dma_wait3A] : memref<160000x128xf32, #tpu.memory_space<hbm>> -> memref<128x128xf32, #tpu.memory_space<hbm>>
            %dma_wait3A_191 = arith.constant 0 : i32
            %dma_wait3A_192 = tpu.memref_slice %arg3[%mul3A_61, %dma_wait3A_191] : memref<160000x128xf32, #tpu.memory_space<hbm>> -> memref<128x128xf32, #tpu.memory_space<hbm>>
            tpu.wait_dma2 semaphore(%run_scoped3A : memref<!tpu.dma_semaphore, #tpu.memory_space<semaphore_mem>>) src(%dma_wait3A_192 : memref<128x128xf32, #tpu.memory_space<hbm>>) dst(%arg14 : memref<128x128xf32, #tpu.memory_space<vmem>>)
            tpu.yield
          }) : () -> ()
        } else {
        }
        %convert_element_type3A_72 = arith.extui %eq3A_20 : i1 to i32
        %cond3A_73 = arith.constant 0 : i32
        %cond3A_74 = arith.cmpi ne, %convert_element_type3A_72, %cond3A_73 : i32
        scf.if %cond3A_74 {
          "tpu.region"() ({
            %run_scoped3A = tpu.sem_alloc : memref<!tpu.dma_semaphore, #tpu.memory_space<semaphore_mem>>
            %dma_start3A = arith.constant 0 : i32
            %dma_start3A_187 = tpu.memref_slice %arg4[%mul3A_61, %dma_start3A] : memref<160000x8xf32, #tpu.memory_space<hbm>> -> memref<128x8xf32, #tpu.memory_space<hbm>>
            %dma_start3A_188 = arith.constant 0 : i32
            %dma_start3A_189 = tpu.memref_slice %arg4[%mul3A_61, %dma_start3A_188] : memref<160000x8xf32, #tpu.memory_space<hbm>> -> memref<128x8xf32, #tpu.memory_space<hbm>>
            tpu.enqueue_dma source(%dma_start3A_189 : memref<128x8xf32, #tpu.memory_space<hbm>>) target(%arg16 : memref<128x8xf32, #tpu.memory_space<vmem>>) target_semaphore(%run_scoped3A : memref<!tpu.dma_semaphore, #tpu.memory_space<semaphore_mem>>)
            %dma_wait3A = arith.constant 0 : i32
            %dma_wait3A_190 = tpu.memref_slice %arg4[%mul3A_61, %dma_wait3A] : memref<160000x8xf32, #tpu.memory_space<hbm>> -> memref<128x8xf32, #tpu.memory_space<hbm>>
            %dma_wait3A_191 = arith.constant 0 : i32
            %dma_wait3A_192 = tpu.memref_slice %arg4[%mul3A_61, %dma_wait3A_191] : memref<160000x8xf32, #tpu.memory_space<hbm>> -> memref<128x8xf32, #tpu.memory_space<hbm>>
            tpu.wait_dma2 semaphore(%run_scoped3A : memref<!tpu.dma_semaphore, #tpu.memory_space<semaphore_mem>>) src(%dma_wait3A_192 : memref<128x8xf32, #tpu.memory_space<hbm>>) dst(%arg16 : memref<128x8xf32, #tpu.memory_space<vmem>>)
            tpu.yield
          }) : () -> ()
        } else {
        }
        %get3A = arith.constant 0 : index
        %get3A_75 = tpu.vector_load %arg12[%get3A] {strides = array<i32>} : memref<128xi32, #tpu.memory_space<vmem>>, vector<16xi32>,
        %sub3A_76 = vector.broadcast %mul3A_19 : i32 to vector<16xi32>
        %sub3A_77 = arith.subi %get3A_75, %sub3A_76 : vector<16xi32>
        %ge3A = arith.constant 0 : i32
        %ge3A_78 = vector.broadcast %ge3A : i32 to vector<16xi32>
        %ge3A_79 = arith.cmpi sge, %sub3A_77, %ge3A_78 : vector<16xi32>
        %lt3A_80 = arith.constant 5000 : i32
        %lt3A_81 = vector.broadcast %lt3A_80 : i32 to vector<16xi32>
        %lt3A_82 = arith.cmpi slt, %sub3A_77, %lt3A_81 : vector<16xi32>
        %and3A = arith.andi %ge3A_79, %lt3A_82 : vector<16xi1>
        %select_n3A_83 = arith.select %and3A, %sub3A_77, %add3A_31 : vector<16xi1>, vector<16xi32>
        %swap3A = arith.constant 0 : index
        %swap3A_84 = tpu.vector_load %arg13[%swap3A] {strides = array<i32>} : memref<128xi32, #tpu.memory_space<vmem>>, vector<16xi32>,
        tpu.vector_store %arg13[%swap3A], %select_n3A_83 {strides = array<i32>} : memref<128xi32, #tpu.memory_space<vmem>>, vector<16xi32>,
        %get3A_85 = arith.constant 16 : index
        %get3A_86 = tpu.vector_load %arg12[%get3A_85] {strides = array<i32>} : memref<128xi32, #tpu.memory_space<vmem>>, vector<16xi32>,
        %sub3A_87 = vector.broadcast %mul3A_19 : i32 to vector<16xi32>
        %sub3A_88 = arith.subi %get3A_86, %sub3A_87 : vector<16xi32>
        %ge3A_89 = arith.constant 0 : i32
        %ge3A_90 = vector.broadcast %ge3A_89 : i32 to vector<16xi32>
        %ge3A_91 = arith.cmpi sge, %sub3A_88, %ge3A_90 : vector<16xi32>
        %lt3A_92 = arith.constant 5000 : i32
        %lt3A_93 = vector.broadcast %lt3A_92 : i32 to vector<16xi32>
        %lt3A_94 = arith.cmpi slt, %sub3A_88, %lt3A_93 : vector<16xi32>
        %and3A_95 = arith.andi %ge3A_91, %lt3A_94 : vector<16xi1>
        %select_n3A_96 = arith.select %and3A_95, %sub3A_88, %add3A_31 : vector<16xi1>, vector<16xi32>
        %swap3A_97 = arith.constant 16 : index
        %swap3A_98 = tpu.vector_load %arg13[%swap3A_97] {strides = array<i32>} : memref<128xi32, #tpu.memory_space<vmem>>, vector<16xi32>,
        tpu.vector_store %arg13[%swap3A_97], %select_n3A_96 {strides = array<i32>} : memref<128xi32, #tpu.memory_space<vmem>>, vector<16xi32>,
        %get3A_99 = arith.constant 32 : index
        %get3A_100 = tpu.vector_load %arg12[%get3A_99] {strides = array<i32>} : memref<128xi32, #tpu.memory_space<vmem>>, vector<16xi32>,
        %sub3A_101 = vector.broadcast %mul3A_19 : i32 to vector<16xi32>
        %sub3A_102 = arith.subi %get3A_100, %sub3A_101 : vector<16xi32>
        %ge3A_103 = arith.constant 0 : i32
        %ge3A_104 = vector.broadcast %ge3A_103 : i32 to vector<16xi32>
        %ge3A_105 = arith.cmpi sge, %sub3A_102, %ge3A_104 : vector<16xi32>
        %lt3A_106 = arith.constant 5000 : i32
        %lt3A_107 = vector.broadcast %lt3A_106 : i32 to vector<16xi32>
        %lt3A_108 = arith.cmpi slt, %sub3A_102, %lt3A_107 : vector<16xi32>
        %and3A_109 = arith.andi %ge3A_105, %lt3A_108 : vector<16xi1>
        %select_n3A_110 = arith.select %and3A_109, %sub3A_102, %add3A_31 : vector<16xi1>, vector<16xi32>
        %swap3A_111 = arith.constant 32 : index
        %swap3A_112 = tpu.vector_load %arg13[%swap3A_111] {strides = array<i32>} : memref<128xi32, #tpu.memory_space<vmem>>, vector<16xi32>,
        tpu.vector_store %arg13[%swap3A_111], %select_n3A_110 {strides = array<i32>} : memref<128xi32, #tpu.memory_space<vmem>>, vector<16xi32>,
        %get3A_113 = arith.constant 48 : index
        %get3A_114 = tpu.vector_load %arg12[%get3A_113] {strides = array<i32>} : memref<128xi32, #tpu.memory_space<vmem>>, vector<16xi32>,
        %sub3A_115 = vector.broadcast %mul3A_19 : i32 to vector<16xi32>
        %sub3A_116 = arith.subi %get3A_114, %sub3A_115 : vector<16xi32>
        %ge3A_117 = arith.constant 0 : i32
        %ge3A_118 = vector.broadcast %ge3A_117 : i32 to vector<16xi32>
        %ge3A_119 = arith.cmpi sge, %sub3A_116, %ge3A_118 : vector<16xi32>
        %lt3A_120 = arith.constant 5000 : i32
        %lt3A_121 = vector.broadcast %lt3A_120 : i32 to vector<16xi32>
        %lt3A_122 = arith.cmpi slt, %sub3A_116, %lt3A_121 : vector<16xi32>
        %and3A_123 = arith.andi %ge3A_119, %lt3A_122 : vector<16xi1>
        %select_n3A_124 = arith.select %and3A_123, %sub3A_116, %add3A_31 : vector<16xi1>, vector<16xi32>
        %swap3A_125 = arith.constant 48 : index
        %swap3A_126 = tpu.vector_load %arg13[%swap3A_125] {strides = array<i32>} : memref<128xi32, #tpu.memory_space<vmem>>, vector<16xi32>,
        tpu.vector_store %arg13[%swap3A_125], %select_n3A_124 {strides = array<i32>} : memref<128xi32, #tpu.memory_space<vmem>>, vector<16xi32>,
        %get3A_127 = arith.constant 64 : index
        %get3A_128 = tpu.vector_load %arg12[%get3A_127] {strides = array<i32>} : memref<128xi32, #tpu.memory_space<vmem>>, vector<16xi32>,
        %sub3A_129 = vector.broadcast %mul3A_19 : i32 to vector<16xi32>
        %sub3A_130 = arith.subi %get3A_128, %sub3A_129 : vector<16xi32>
        %ge3A_131 = arith.constant 0 : i32
        %ge3A_132 = vector.broadcast %ge3A_131 : i32 to vector<16xi32>
        %ge3A_133 = arith.cmpi sge, %sub3A_130, %ge3A_132 : vector<16xi32>
        %lt3A_134 = arith.constant 5000 : i32
        %lt3A_135 = vector.broadcast %lt3A_134 : i32 to vector<16xi32>
        %lt3A_136 = arith.cmpi slt, %sub3A_130, %lt3A_135 : vector<16xi32>
        %and3A_137 = arith.andi %ge3A_133, %lt3A_136 : vector<16xi1>
        %select_n3A_138 = arith.select %and3A_137, %sub3A_130, %add3A_31 : vector<16xi1>, vector<16xi32>
        %swap3A_139 = arith.constant 64 : index
        %swap3A_140 = tpu.vector_load %arg13[%swap3A_139] {strides = array<i32>} : memref<128xi32, #tpu.memory_space<vmem>>, vector<16xi32>,
        tpu.vector_store %arg13[%swap3A_139], %select_n3A_138 {strides = array<i32>} : memref<128xi32, #tpu.memory_space<vmem>>, vector<16xi32>,
        %get3A_141 = arith.constant 80 : index
        %get3A_142 = tpu.vector_load %arg12[%get3A_141] {strides = array<i32>} : memref<128xi32, #tpu.memory_space<vmem>>, vector<16xi32>,
        %sub3A_143 = vector.broadcast %mul3A_19 : i32 to vector<16xi32>
        %sub3A_144 = arith.subi %get3A_142, %sub3A_143 : vector<16xi32>
        %ge3A_145 = arith.constant 0 : i32
        %ge3A_146 = vector.broadcast %ge3A_145 : i32 to vector<16xi32>
        %ge3A_147 = arith.cmpi sge, %sub3A_144, %ge3A_146 : vector<16xi32>
        %lt3A_148 = arith.constant 5000 : i32
        %lt3A_149 = vector.broadcast %lt3A_148 : i32 to vector<16xi32>
        %lt3A_150 = arith.cmpi slt, %sub3A_144, %lt3A_149 : vector<16xi32>
        %and3A_151 = arith.andi %ge3A_147, %lt3A_150 : vector<16xi1>
        %select_n3A_152 = arith.select %and3A_151, %sub3A_144, %add3A_31 : vector<16xi1>, vector<16xi32>
        %swap3A_153 = arith.constant 80 : index
        %swap3A_154 = tpu.vector_load %arg13[%swap3A_153] {strides = array<i32>} : memref<128xi32, #tpu.memory_space<vmem>>, vector<16xi32>,
        tpu.vector_store %arg13[%swap3A_153], %select_n3A_152 {strides = array<i32>} : memref<128xi32, #tpu.memory_space<vmem>>, vector<16xi32>,
        %get3A_155 = arith.constant 96 : index
        %get3A_156 = tpu.vector_load %arg12[%get3A_155] {strides = array<i32>} : memref<128xi32, #tpu.memory_space<vmem>>, vector<16xi32>,
        %sub3A_157 = vector.broadcast %mul3A_19 : i32 to vector<16xi32>
        %sub3A_158 = arith.subi %get3A_156, %sub3A_157 : vector<16xi32>
        %ge3A_159 = arith.constant 0 : i32
        %ge3A_160 = vector.broadcast %ge3A_159 : i32 to vector<16xi32>
        %ge3A_161 = arith.cmpi sge, %sub3A_158, %ge3A_160 : vector<16xi32>
        %lt3A_162 = arith.constant 5000 : i32
        %lt3A_163 = vector.broadcast %lt3A_162 : i32 to vector<16xi32>
        %lt3A_164 = arith.cmpi slt, %sub3A_158, %lt3A_163 : vector<16xi32>
        %and3A_165 = arith.andi %ge3A_161, %lt3A_164 : vector<16xi1>
        %select_n3A_166 = arith.select %and3A_165, %sub3A_158, %add3A_31 : vector<16xi1>, vector<16xi32>
        %swap3A_167 = arith.constant 96 : index
        %swap3A_168 = tpu.vector_load %arg13[%swap3A_167] {strides = array<i32>} : memref<128xi32, #tpu.memory_space<vmem>>, vector<16xi32>,
        tpu.vector_store %arg13[%swap3A_167], %select_n3A_166 {strides = array<i32>} : memref<128xi32, #tpu.memory_space<vmem>>, vector<16xi32>,
        %get3A_169 = arith.constant 112 : index
        %get3A_170 = tpu.vector_load %arg12[%get3A_169] {strides = array<i32>} : memref<128xi32, #tpu.memory_space<vmem>>, vector<16xi32>,
        %sub3A_171 = vector.broadcast %mul3A_19 : i32 to vector<16xi32>
        %sub3A_172 = arith.subi %get3A_170, %sub3A_171 : vector<16xi32>
        %ge3A_173 = arith.constant 0 : i32
        %ge3A_174 = vector.broadcast %ge3A_173 : i32 to vector<16xi32>
        %ge3A_175 = arith.cmpi sge, %sub3A_172, %ge3A_174 : vector<16xi32>
        %lt3A_176 = arith.constant 5000 : i32
        %lt3A_177 = vector.broadcast %lt3A_176 : i32 to vector<16xi32>
        %lt3A_178 = arith.cmpi slt, %sub3A_172, %lt3A_177 : vector<16xi32>
        %and3A_179 = arith.andi %ge3A_175, %lt3A_178 : vector<16xi1>
        %select_n3A_180 = arith.select %and3A_179, %sub3A_172, %add3A_31 : vector<16xi1>, vector<16xi32>
        %swap3A_181 = arith.constant 112 : index
        %swap3A_182 = tpu.vector_load %arg13[%swap3A_181] {strides = array<i32>} : memref<128xi32, #tpu.memory_space<vmem>>, vector<16xi32>,
        tpu.vector_store %arg13[%swap3A_181], %select_n3A_180 {strides = array<i32>} : memref<128xi32, #tpu.memory_space<vmem>>, vector<16xi32>,
        "tpu.region"() ({
          %run_scoped3A = tpu.sem_alloc : memref<!tpu.dma_semaphore, #tpu.memory_space<semaphore_mem>>
          %dma_start3A = arith.constant 0 : i32
          %dma_start3A_187 = arith.constant 0 : i32
          %dma_start3A_188 = tpu.memref_slice %arg20[%dma_start3A, %dma_start3A_187] : memref<5120x128xf32, #tpu.memory_space<vmem_shared>> -> memref<5120x128xf32, #tpu.memory_space<vmem_shared>>
          tpu.enqueue_indirect_dma source(%arg14 : memref<128x128xf32, #tpu.memory_space<vmem>>) target(%dma_start3A_188 : memref<5120x128xf32, #tpu.memory_space<vmem_shared>>) offsets(%arg13 : memref<128xi32, #tpu.memory_space<vmem>>) semaphore(%run_scoped3A : memref<!tpu.dma_semaphore, #tpu.memory_space<semaphore_mem>>) {add = true}
          %dma_wait3A = arith.constant 0 : i32
          %dma_wait3A_189 = arith.constant 0 : i32
          %dma_wait3A_190 = tpu.memref_slice %arg20[%dma_wait3A, %dma_wait3A_189] : memref<5120x128xf32, #tpu.memory_space<vmem_shared>> -> memref<5120x128xf32, #tpu.memory_space<vmem_shared>>
          tpu.wait_indirect_dma semaphore(%run_scoped3A : memref<!tpu.dma_semaphore, #tpu.memory_space<semaphore_mem>>) src(%arg14 : memref<128x128xf32, #tpu.memory_space<vmem>>) dst(%dma_wait3A_190 : memref<5120x128xf32, #tpu.memory_space<vmem_shared>>)
          tpu.yield
        }) : () -> ()
        %convert_element_type3A_183 = arith.extui %eq3A_20 : i1 to i32
        %cond3A_184 = arith.constant 0 : i32
        %cond3A_185 = arith.cmpi ne, %convert_element_type3A_183, %cond3A_184 : i32
        scf.if %cond3A_185 {
          "tpu.region"() ({
            %run_scoped3A = tpu.sem_alloc : memref<!tpu.dma_semaphore, #tpu.memory_space<semaphore_mem>>
            %dma_start3A = arith.constant 0 : i32
            %dma_start3A_187 = arith.constant 0 : i32
            %dma_start3A_188 = tpu.memref_slice %arg21[%dma_start3A, %dma_start3A_187] : memref<5120x8xf32, #tpu.memory_space<vmem_shared>> -> memref<5120x8xf32, #tpu.memory_space<vmem_shared>>
            tpu.enqueue_indirect_dma source(%arg16 : memref<128x8xf32, #tpu.memory_space<vmem>>) target(%dma_start3A_188 : memref<5120x8xf32, #tpu.memory_space<vmem_shared>>) offsets(%arg13 : memref<128xi32, #tpu.memory_space<vmem>>) semaphore(%run_scoped3A : memref<!tpu.dma_semaphore, #tpu.memory_space<semaphore_mem>>) {add = true}
            %dma_wait3A = arith.constant 0 : i32
            %dma_wait3A_189 = arith.constant 0 : i32
            %dma_wait3A_190 = tpu.memref_slice %arg21[%dma_wait3A, %dma_wait3A_189] : memref<5120x8xf32, #tpu.memory_space<vmem_shared>> -> memref<5120x8xf32, #tpu.memory_space<vmem_shared>>
            tpu.wait_indirect_dma semaphore(%run_scoped3A : memref<!tpu.dma_semaphore, #tpu.memory_space<semaphore_mem>>) src(%arg16 : memref<128x8xf32, #tpu.memory_space<vmem>>) dst(%dma_wait3A_190 : memref<5120x8xf32, #tpu.memory_space<vmem_shared>>)
            tpu.yield
          }) : () -> ()
        } else {
        }
        %while3A_186 = arith.constant 0 : i32
        scf.yield %while3A_186 : i32
      }
      %while3A_41 = arith.constant 1 : i32
      %while3A_42 = scf.for %while3A_57 = %while3A_38 to %while3A_34 step %while3A_41 iter_args(%while3A_58 = %while3A_40) -> (i32)  : i32 {
        %add3A_59 = arith.addi %select_n3A_9, %while3A_57 : i32
        %mul3A_60 = arith.constant 128 : i32
        %mul3A_61 = arith.muli %add3A_59, %mul3A_60 : i32
        "tpu.region"() ({
          %run_scoped3A = tpu.sem_alloc : memref<!tpu.dma_semaphore, #tpu.memory_space<semaphore_mem>>
          %dma_start3A = tpu.memref_slice %arg5[%mul3A_61] : memref<160000xi32, #tpu.memory_space<hbm>> -> memref<128xi32, #tpu.memory_space<hbm>>
          %dma_start3A_187 = tpu.memref_slice %arg5[%mul3A_61] : memref<160000xi32, #tpu.memory_space<hbm>> -> memref<128xi32, #tpu.memory_space<hbm>>
          tpu.enqueue_dma source(%dma_start3A_187 : memref<128xi32, #tpu.memory_space<hbm>>) target(%arg12 : memref<128xi32, #tpu.memory_space<vmem>>) target_semaphore(%run_scoped3A : memref<!tpu.dma_semaphore, #tpu.memory_space<semaphore_mem>>)
          %dma_wait3A = tpu.memref_slice %arg5[%mul3A_61] : memref<160000xi32, #tpu.memory_space<hbm>> -> memref<128xi32, #tpu.memory_space<hbm>>
          %dma_wait3A_188 = tpu.memref_slice %arg5[%mul3A_61] : memref<160000xi32, #tpu.memory_space<hbm>> -> memref<128xi32, #tpu.memory_space<hbm>>
          tpu.wait_dma2 semaphore(%run_scoped3A : memref<!tpu.dma_semaphore, #tpu.memory_space<semaphore_mem>>) src(%dma_wait3A_188 : memref<128xi32, #tpu.memory_space<hbm>>) dst(%arg12 : memref<128xi32, #tpu.memory_space<vmem>>)
          tpu.yield
        }) : () -> ()
        %eq3A_62 = arith.constant 0 : i32
        %eq3A_63 = arith.cmpi eq, %arg0, %eq3A_62 : i32
        %convert_element_type3A_64 = arith.extui %eq3A_63 : i1 to i32
        %cond3A_65 = arith.constant 0 : i32
        %cond3A_66 = arith.cmpi ne, %convert_element_type3A_64, %cond3A_65 : i32
        scf.if %cond3A_66 {
          "tpu.region"() ({
            %run_scoped3A = tpu.sem_alloc : memref<!tpu.dma_semaphore, #tpu.memory_space<semaphore_mem>>
            %dma_start3A = arith.constant 0 : i32
            %dma_start3A_187 = tpu.memref_slice %arg2[%mul3A_61, %dma_start3A] : memref<160000x128xf32, #tpu.memory_space<hbm>> -> memref<128x128xf32, #tpu.memory_space<hbm>>
            %dma_start3A_188 = arith.constant 0 : i32
            %dma_start3A_189 = tpu.memref_slice %arg2[%mul3A_61, %dma_start3A_188] : memref<160000x128xf32, #tpu.memory_space<hbm>> -> memref<128x128xf32, #tpu.memory_space<hbm>>
            tpu.enqueue_dma source(%dma_start3A_189 : memref<128x128xf32, #tpu.memory_space<hbm>>) target(%arg14 : memref<128x128xf32, #tpu.memory_space<vmem>>) target_semaphore(%run_scoped3A : memref<!tpu.dma_semaphore, #tpu.memory_space<semaphore_mem>>)
            %dma_wait3A = arith.constant 0 : i32
            %dma_wait3A_190 = tpu.memref_slice %arg2[%mul3A_61, %dma_wait3A] : memref<160000x128xf32, #tpu.memory_space<hbm>> -> memref<128x128xf32, #tpu.memory_space<hbm>>
            %dma_wait3A_191 = arith.constant 0 : i32
            %dma_wait3A_192 = tpu.memref_slice %arg2[%mul3A_61, %dma_wait3A_191] : memref<160000x128xf32, #tpu.memory_space<hbm>> -> memref<128x128xf32, #tpu.memory_space<hbm>>
            tpu.wait_dma2 semaphore(%run_scoped3A : memref<!tpu.dma_semaphore, #tpu.memory_space<semaphore_mem>>) src(%dma_wait3A_192 : memref<128x128xf32, #tpu.memory_space<hbm>>) dst(%arg14 : memref<128x128xf32, #tpu.memory_space<vmem>>)
            tpu.yield
          }) : () -> ()
        } else {
        }
        %eq3A_67 = arith.constant 1 : i32
        %eq3A_68 = arith.cmpi eq, %arg0, %eq3A_67 : i32
        %convert_element_type3A_69 = arith.extui %eq3A_68 : i1 to i32
        %cond3A_70 = arith.constant 0 : i32
        %cond3A_71 = arith.cmpi ne, %convert_element_type3A_69, %cond3A_70 : i32
        scf.if %cond3A_71 {
          "tpu.region"() ({
            %run_scoped3A = tpu.sem_alloc : memref<!tpu.dma_semaphore, #tpu.memory_space<semaphore_mem>>
            %dma_start3A = arith.constant 0 : i32
            %dma_start3A_187 = tpu.memref_slice %arg3[%mul3A_61, %dma_start3A] : memref<160000x128xf32, #tpu.memory_space<hbm>> -> memref<128x128xf32, #tpu.memory_space<hbm>>
            %dma_start3A_188 = arith.constant 0 : i32
            %dma_start3A_189 = tpu.memref_slice %arg3[%mul3A_61, %dma_start3A_188] : memref<160000x128xf32, #tpu.memory_space<hbm>> -> memref<128x128xf32, #tpu.memory_space<hbm>>
            tpu.enqueue_dma source(%dma_start3A_189 : memref<128x128xf32, #tpu.memory_space<hbm>>) target(%arg14 : memref<128x128xf32, #tpu.memory_space<vmem>>) target_semaphore(%run_scoped3A : memref<!tpu.dma_semaphore, #tpu.memory_space<semaphore_mem>>)
            %dma_wait3A = arith.constant 0 : i32
            %dma_wait3A_190 = tpu.memref_slice %arg3[%mul3A_61, %dma_wait3A] : memref<160000x128xf32, #tpu.memory_space<hbm>> -> memref<128x128xf32, #tpu.memory_space<hbm>>
            %dma_wait3A_191 = arith.constant 0 : i32
            %dma_wait3A_192 = tpu.memref_slice %arg3[%mul3A_61, %dma_wait3A_191] : memref<160000x128xf32, #tpu.memory_space<hbm>> -> memref<128x128xf32, #tpu.memory_space<hbm>>
            tpu.wait_dma2 semaphore(%run_scoped3A : memref<!tpu.dma_semaphore, #tpu.memory_space<semaphore_mem>>) src(%dma_wait3A_192 : memref<128x128xf32, #tpu.memory_space<hbm>>) dst(%arg14 : memref<128x128xf32, #tpu.memory_space<vmem>>)
            tpu.yield
          }) : () -> ()
        } else {
        }
        %convert_element_type3A_72 = arith.extui %eq3A_20 : i1 to i32
        %cond3A_73 = arith.constant 0 : i32
        %cond3A_74 = arith.cmpi ne, %convert_element_type3A_72, %cond3A_73 : i32
        scf.if %cond3A_74 {
          "tpu.region"() ({
            %run_scoped3A = tpu.sem_alloc : memref<!tpu.dma_semaphore, #tpu.memory_space<semaphore_mem>>
            %dma_start3A = arith.constant 0 : i32
            %dma_start3A_187 = tpu.memref_slice %arg4[%mul3A_61, %dma_start3A] : memref<160000x8xf32, #tpu.memory_space<hbm>> -> memref<128x8xf32, #tpu.memory_space<hbm>>
            %dma_start3A_188 = arith.constant 0 : i32
            %dma_start3A_189 = tpu.memref_slice %arg4[%mul3A_61, %dma_start3A_188] : memref<160000x8xf32, #tpu.memory_space<hbm>> -> memref<128x8xf32, #tpu.memory_space<hbm>>
            tpu.enqueue_dma source(%dma_start3A_189 : memref<128x8xf32, #tpu.memory_space<hbm>>) target(%arg16 : memref<128x8xf32, #tpu.memory_space<vmem>>) target_semaphore(%run_scoped3A : memref<!tpu.dma_semaphore, #tpu.memory_space<semaphore_mem>>)
            %dma_wait3A = arith.constant 0 : i32
            %dma_wait3A_190 = tpu.memref_slice %arg4[%mul3A_61, %dma_wait3A] : memref<160000x8xf32, #tpu.memory_space<hbm>> -> memref<128x8xf32, #tpu.memory_space<hbm>>
            %dma_wait3A_191 = arith.constant 0 : i32
            %dma_wait3A_192 = tpu.memref_slice %arg4[%mul3A_61, %dma_wait3A_191] : memref<160000x8xf32, #tpu.memory_space<hbm>> -> memref<128x8xf32, #tpu.memory_space<hbm>>
            tpu.wait_dma2 semaphore(%run_scoped3A : memref<!tpu.dma_semaphore, #tpu.memory_space<semaphore_mem>>) src(%dma_wait3A_192 : memref<128x8xf32, #tpu.memory_space<hbm>>) dst(%arg16 : memref<128x8xf32, #tpu.memory_space<vmem>>)
            tpu.yield
          }) : () -> ()
        } else {
        }
        %get3A = arith.constant 0 : index
        %get3A_75 = tpu.vector_load %arg12[%get3A] {strides = array<i32>} : memref<128xi32, #tpu.memory_space<vmem>>, vector<16xi32>,
        %sub3A_76 = vector.broadcast %mul3A_19 : i32 to vector<16xi32>
        %sub3A_77 = arith.subi %get3A_75, %sub3A_76 : vector<16xi32>
        %ge3A = arith.constant 0 : i32
        %ge3A_78 = vector.broadcast %ge3A : i32 to vector<16xi32>
        %ge3A_79 = arith.cmpi sge, %sub3A_77, %ge3A_78 : vector<16xi32>
        %lt3A_80 = arith.constant 5000 : i32
        %lt3A_81 = vector.broadcast %lt3A_80 : i32 to vector<16xi32>
        %lt3A_82 = arith.cmpi slt, %sub3A_77, %lt3A_81 : vector<16xi32>
        %and3A = arith.andi %ge3A_79, %lt3A_82 : vector<16xi1>
        %select_n3A_83 = arith.select %and3A, %sub3A_77, %add3A_31 : vector<16xi1>, vector<16xi32>
        %swap3A = arith.constant 0 : index
        %swap3A_84 = tpu.vector_load %arg13[%swap3A] {strides = array<i32>} : memref<128xi32, #tpu.memory_space<vmem>>, vector<16xi32>,
        tpu.vector_store %arg13[%swap3A], %select_n3A_83 {strides = array<i32>} : memref<128xi32, #tpu.memory_space<vmem>>, vector<16xi32>,
        %get3A_85 = arith.constant 16 : index
        %get3A_86 = tpu.vector_load %arg12[%get3A_85] {strides = array<i32>} : memref<128xi32, #tpu.memory_space<vmem>>, vector<16xi32>,
        %sub3A_87 = vector.broadcast %mul3A_19 : i32 to vector<16xi32>
        %sub3A_88 = arith.subi %get3A_86, %sub3A_87 : vector<16xi32>
        %ge3A_89 = arith.constant 0 : i32
        %ge3A_90 = vector.broadcast %ge3A_89 : i32 to vector<16xi32>
        %ge3A_91 = arith.cmpi sge, %sub3A_88, %ge3A_90 : vector<16xi32>
        %lt3A_92 = arith.constant 5000 : i32
        %lt3A_93 = vector.broadcast %lt3A_92 : i32 to vector<16xi32>
        %lt3A_94 = arith.cmpi slt, %sub3A_88, %lt3A_93 : vector<16xi32>
        %and3A_95 = arith.andi %ge3A_91, %lt3A_94 : vector<16xi1>
        %select_n3A_96 = arith.select %and3A_95, %sub3A_88, %add3A_31 : vector<16xi1>, vector<16xi32>
        %swap3A_97 = arith.constant 16 : index
        %swap3A_98 = tpu.vector_load %arg13[%swap3A_97] {strides = array<i32>} : memref<128xi32, #tpu.memory_space<vmem>>, vector<16xi32>,
        tpu.vector_store %arg13[%swap3A_97], %select_n3A_96 {strides = array<i32>} : memref<128xi32, #tpu.memory_space<vmem>>, vector<16xi32>,
        %get3A_99 = arith.constant 32 : index
        %get3A_100 = tpu.vector_load %arg12[%get3A_99] {strides = array<i32>} : memref<128xi32, #tpu.memory_space<vmem>>, vector<16xi32>,
        %sub3A_101 = vector.broadcast %mul3A_19 : i32 to vector<16xi32>
        %sub3A_102 = arith.subi %get3A_100, %sub3A_101 : vector<16xi32>
        %ge3A_103 = arith.constant 0 : i32
        %ge3A_104 = vector.broadcast %ge3A_103 : i32 to vector<16xi32>
        %ge3A_105 = arith.cmpi sge, %sub3A_102, %ge3A_104 : vector<16xi32>
        %lt3A_106 = arith.constant 5000 : i32
        %lt3A_107 = vector.broadcast %lt3A_106 : i32 to vector<16xi32>
        %lt3A_108 = arith.cmpi slt, %sub3A_102, %lt3A_107 : vector<16xi32>
        %and3A_109 = arith.andi %ge3A_105, %lt3A_108 : vector<16xi1>
        %select_n3A_110 = arith.select %and3A_109, %sub3A_102, %add3A_31 : vector<16xi1>, vector<16xi32>
        %swap3A_111 = arith.constant 32 : index
        %swap3A_112 = tpu.vector_load %arg13[%swap3A_111] {strides = array<i32>} : memref<128xi32, #tpu.memory_space<vmem>>, vector<16xi32>,
        tpu.vector_store %arg13[%swap3A_111], %select_n3A_110 {strides = array<i32>} : memref<128xi32, #tpu.memory_space<vmem>>, vector<16xi32>,
        %get3A_113 = arith.constant 48 : index
        %get3A_114 = tpu.vector_load %arg12[%get3A_113] {strides = array<i32>} : memref<128xi32, #tpu.memory_space<vmem>>, vector<16xi32>,
        %sub3A_115 = vector.broadcast %mul3A_19 : i32 to vector<16xi32>
        %sub3A_116 = arith.subi %get3A_114, %sub3A_115 : vector<16xi32>
        %ge3A_117 = arith.constant 0 : i32
        %ge3A_118 = vector.broadcast %ge3A_117 : i32 to vector<16xi32>
        %ge3A_119 = arith.cmpi sge, %sub3A_116, %ge3A_118 : vector<16xi32>
        %lt3A_120 = arith.constant 5000 : i32
        %lt3A_121 = vector.broadcast %lt3A_120 : i32 to vector<16xi32>
        %lt3A_122 = arith.cmpi slt, %sub3A_116, %lt3A_121 : vector<16xi32>
        %and3A_123 = arith.andi %ge3A_119, %lt3A_122 : vector<16xi1>
        %select_n3A_124 = arith.select %and3A_123, %sub3A_116, %add3A_31 : vector<16xi1>, vector<16xi32>
        %swap3A_125 = arith.constant 48 : index
        %swap3A_126 = tpu.vector_load %arg13[%swap3A_125] {strides = array<i32>} : memref<128xi32, #tpu.memory_space<vmem>>, vector<16xi32>,
        tpu.vector_store %arg13[%swap3A_125], %select_n3A_124 {strides = array<i32>} : memref<128xi32, #tpu.memory_space<vmem>>, vector<16xi32>,
        %get3A_127 = arith.constant 64 : index
        %get3A_128 = tpu.vector_load %arg12[%get3A_127] {strides = array<i32>} : memref<128xi32, #tpu.memory_space<vmem>>, vector<16xi32>,
        %sub3A_129 = vector.broadcast %mul3A_19 : i32 to vector<16xi32>
        %sub3A_130 = arith.subi %get3A_128, %sub3A_129 : vector<16xi32>
        %ge3A_131 = arith.constant 0 : i32
        %ge3A_132 = vector.broadcast %ge3A_131 : i32 to vector<16xi32>
        %ge3A_133 = arith.cmpi sge, %sub3A_130, %ge3A_132 : vector<16xi32>
        %lt3A_134 = arith.constant 5000 : i32
        %lt3A_135 = vector.broadcast %lt3A_134 : i32 to vector<16xi32>
        %lt3A_136 = arith.cmpi slt, %sub3A_130, %lt3A_135 : vector<16xi32>
        %and3A_137 = arith.andi %ge3A_133, %lt3A_136 : vector<16xi1>
        %select_n3A_138 = arith.select %and3A_137, %sub3A_130, %add3A_31 : vector<16xi1>, vector<16xi32>
        %swap3A_139 = arith.constant 64 : index
        %swap3A_140 = tpu.vector_load %arg13[%swap3A_139] {strides = array<i32>} : memref<128xi32, #tpu.memory_space<vmem>>, vector<16xi32>,
        tpu.vector_store %arg13[%swap3A_139], %select_n3A_138 {strides = array<i32>} : memref<128xi32, #tpu.memory_space<vmem>>, vector<16xi32>,
        %get3A_141 = arith.constant 80 : index
        %get3A_142 = tpu.vector_load %arg12[%get3A_141] {strides = array<i32>} : memref<128xi32, #tpu.memory_space<vmem>>, vector<16xi32>,
        %sub3A_143 = vector.broadcast %mul3A_19 : i32 to vector<16xi32>
        %sub3A_144 = arith.subi %get3A_142, %sub3A_143 : vector<16xi32>
        %ge3A_145 = arith.constant 0 : i32
        %ge3A_146 = vector.broadcast %ge3A_145 : i32 to vector<16xi32>
        %ge3A_147 = arith.cmpi sge, %sub3A_144, %ge3A_146 : vector<16xi32>
        %lt3A_148 = arith.constant 5000 : i32
        %lt3A_149 = vector.broadcast %lt3A_148 : i32 to vector<16xi32>
        %lt3A_150 = arith.cmpi slt, %sub3A_144, %lt3A_149 : vector<16xi32>
        %and3A_151 = arith.andi %ge3A_147, %lt3A_150 : vector<16xi1>
        %select_n3A_152 = arith.select %and3A_151, %sub3A_144, %add3A_31 : vector<16xi1>, vector<16xi32>
        %swap3A_153 = arith.constant 80 : index
        %swap3A_154 = tpu.vector_load %arg13[%swap3A_153] {strides = array<i32>} : memref<128xi32, #tpu.memory_space<vmem>>, vector<16xi32>,
        tpu.vector_store %arg13[%swap3A_153], %select_n3A_152 {strides = array<i32>} : memref<128xi32, #tpu.memory_space<vmem>>, vector<16xi32>,
        %get3A_155 = arith.constant 96 : index
        %get3A_156 = tpu.vector_load %arg12[%get3A_155] {strides = array<i32>} : memref<128xi32, #tpu.memory_space<vmem>>, vector<16xi32>,
        %sub3A_157 = vector.broadcast %mul3A_19 : i32 to vector<16xi32>
        %sub3A_158 = arith.subi %get3A_156, %sub3A_157 : vector<16xi32>
        %ge3A_159 = arith.constant 0 : i32
        %ge3A_160 = vector.broadcast %ge3A_159 : i32 to vector<16xi32>
        %ge3A_161 = arith.cmpi sge, %sub3A_158, %ge3A_160 : vector<16xi32>
        %lt3A_162 = arith.constant 5000 : i32
        %lt3A_163 = vector.broadcast %lt3A_162 : i32 to vector<16xi32>
        %lt3A_164 = arith.cmpi slt, %sub3A_158, %lt3A_163 : vector<16xi32>
        %and3A_165 = arith.andi %ge3A_161, %lt3A_164 : vector<16xi1>
        %select_n3A_166 = arith.select %and3A_165, %sub3A_158, %add3A_31 : vector<16xi1>, vector<16xi32>
        %swap3A_167 = arith.constant 96 : index
        %swap3A_168 = tpu.vector_load %arg13[%swap3A_167] {strides = array<i32>} : memref<128xi32, #tpu.memory_space<vmem>>, vector<16xi32>,
        tpu.vector_store %arg13[%swap3A_167], %select_n3A_166 {strides = array<i32>} : memref<128xi32, #tpu.memory_space<vmem>>, vector<16xi32>,
        %get3A_169 = arith.constant 112 : index
        %get3A_170 = tpu.vector_load %arg12[%get3A_169] {strides = array<i32>} : memref<128xi32, #tpu.memory_space<vmem>>, vector<16xi32>,
        %sub3A_171 = vector.broadcast %mul3A_19 : i32 to vector<16xi32>
        %sub3A_172 = arith.subi %get3A_170, %sub3A_171 : vector<16xi32>
        %ge3A_173 = arith.constant 0 : i32
        %ge3A_174 = vector.broadcast %ge3A_173 : i32 to vector<16xi32>
        %ge3A_175 = arith.cmpi sge, %sub3A_172, %ge3A_174 : vector<16xi32>
        %lt3A_176 = arith.constant 5000 : i32
        %lt3A_177 = vector.broadcast %lt3A_176 : i32 to vector<16xi32>
        %lt3A_178 = arith.cmpi slt, %sub3A_172, %lt3A_177 : vector<16xi32>
        %and3A_179 = arith.andi %ge3A_175, %lt3A_178 : vector<16xi1>
        %select_n3A_180 = arith.select %and3A_179, %sub3A_172, %add3A_31 : vector<16xi1>, vector<16xi32>
        %swap3A_181 = arith.constant 112 : index
        %swap3A_182 = tpu.vector_load %arg13[%swap3A_181] {strides = array<i32>} : memref<128xi32, #tpu.memory_space<vmem>>, vector<16xi32>,
        tpu.vector_store %arg13[%swap3A_181], %select_n3A_180 {strides = array<i32>} : memref<128xi32, #tpu.memory_space<vmem>>, vector<16xi32>,
        "tpu.region"() ({
          %run_scoped3A = tpu.sem_alloc : memref<!tpu.dma_semaphore, #tpu.memory_space<semaphore_mem>>
          %dma_start3A = arith.constant 0 : i32
          %dma_start3A_187 = arith.constant 0 : i32
          %dma_start3A_188 = tpu.memref_slice %arg20[%dma_start3A, %dma_start3A_187] : memref<5120x128xf32, #tpu.memory_space<vmem_shared>> -> memref<5120x128xf32, #tpu.memory_space<vmem_shared>>
          tpu.enqueue_indirect_dma source(%arg14 : memref<128x128xf32, #tpu.memory_space<vmem>>) target(%dma_start3A_188 : memref<5120x128xf32, #tpu.memory_space<vmem_shared>>) offsets(%arg13 : memref<128xi32, #tpu.memory_space<vmem>>) semaphore(%run_scoped3A : memref<!tpu.dma_semaphore, #tpu.memory_space<semaphore_mem>>) {add = true}
          %dma_wait3A = arith.constant 0 : i32
          %dma_wait3A_189 = arith.constant 0 : i32
          %dma_wait3A_190 = tpu.memref_slice %arg20[%dma_wait3A, %dma_wait3A_189] : memref<5120x128xf32, #tpu.memory_space<vmem_shared>> -> memref<5120x128xf32, #tpu.memory_space<vmem_shared>>
          tpu.wait_indirect_dma semaphore(%run_scoped3A : memref<!tpu.dma_semaphore, #tpu.memory_space<semaphore_mem>>) src(%arg14 : memref<128x128xf32, #tpu.memory_space<vmem>>) dst(%dma_wait3A_190 : memref<5120x128xf32, #tpu.memory_space<vmem_shared>>)
          tpu.yield
        }) : () -> ()
        %convert_element_type3A_183 = arith.extui %eq3A_20 : i1 to i32
        %cond3A_184 = arith.constant 0 : i32
        %cond3A_185 = arith.cmpi ne, %convert_element_type3A_183, %cond3A_184 : i32
        scf.if %cond3A_185 {
          "tpu.region"() ({
            %run_scoped3A = tpu.sem_alloc : memref<!tpu.dma_semaphore, #tpu.memory_space<semaphore_mem>>
            %dma_start3A = arith.constant 0 : i32
            %dma_start3A_187 = arith.constant 0 : i32
            %dma_start3A_188 = tpu.memref_slice %arg21[%dma_start3A, %dma_start3A_187] : memref<5120x8xf32, #tpu.memory_space<vmem_shared>> -> memref<5120x8xf32, #tpu.memory_space<vmem_shared>>
            tpu.enqueue_indirect_dma source(%arg16 : memref<128x8xf32, #tpu.memory_space<vmem>>) target(%dma_start3A_188 : memref<5120x8xf32, #tpu.memory_space<vmem_shared>>) offsets(%arg13 : memref<128xi32, #tpu.memory_space<vmem>>) semaphore(%run_scoped3A : memref<!tpu.dma_semaphore, #tpu.memory_space<semaphore_mem>>) {add = true}
            %dma_wait3A = arith.constant 0 : i32
            %dma_wait3A_189 = arith.constant 0 : i32
            %dma_wait3A_190 = tpu.memref_slice %arg21[%dma_wait3A, %dma_wait3A_189] : memref<5120x8xf32, #tpu.memory_space<vmem_shared>> -> memref<5120x8xf32, #tpu.memory_space<vmem_shared>>
            tpu.wait_indirect_dma semaphore(%run_scoped3A : memref<!tpu.dma_semaphore, #tpu.memory_space<semaphore_mem>>) src(%arg16 : memref<128x8xf32, #tpu.memory_space<vmem>>) dst(%dma_wait3A_190 : memref<5120x8xf32, #tpu.memory_space<vmem_shared>>)
            tpu.yield
          }) : () -> ()
        } else {
        }
        %while3A_186 = arith.constant 0 : i32
        scf.yield %while3A_186 : i32
      }
      %barrier3A_43 = arith.constant 0 : index
      tpu.barrier barrier_id(%barrier3A_43)
      %eq3A_44 = arith.constant 0 : i32
      %eq3A_45 = arith.cmpi eq, %arg0, %eq3A_44 : i32
      %convert_element_type3A = arith.extui %eq3A_45 : i1 to i32
      %cond3A = arith.constant 0 : i32
      %cond3A_46 = arith.cmpi ne, %convert_element_type3A, %cond3A : i32
      scf.if %cond3A_46 {
        %mul3A_57 = arith.constant 312 : i32
        %mul3A_58 = arith.muli %arg1, %mul3A_57 : i32
        %mul3A_59 = arith.constant 312 : i32
        %mul3A_60 = arith.muli %arg1, %mul3A_59 : i32
        %add3A_61 = arith.addi %mul3A_19, %mul3A_60 : i32
        "tpu.region"() ({
          %run_scoped3A = tpu.sem_alloc : memref<!tpu.dma_semaphore, #tpu.memory_space<semaphore_mem>>
          %dma_start3A = arith.constant 0 : i32
          %dma_start3A_68 = tpu.memref_slice %arg8[%add3A_61, %dma_start3A] : memref<10000x128xf32, #tpu.memory_space<hbm>> -> memref<312x128xf32, #tpu.memory_space<hbm>>
          %dma_start3A_69 = arith.constant 0 : i32
          %dma_start3A_70 = tpu.memref_slice %arg20[%mul3A_58, %dma_start3A_69] : memref<5120x128xf32, #tpu.memory_space<vmem_shared>> -> memref<312x128xf32, #tpu.memory_space<vmem_shared>>
          tpu.enqueue_dma source(%dma_start3A_70 : memref<312x128xf32, #tpu.memory_space<vmem_shared>>) target(%dma_start3A_68 : memref<312x128xf32, #tpu.memory_space<hbm>>) target_semaphore(%run_scoped3A : memref<!tpu.dma_semaphore, #tpu.memory_space<semaphore_mem>>)
          %dma_wait3A = arith.constant 0 : i32
          %dma_wait3A_71 = tpu.memref_slice %arg8[%add3A_61, %dma_wait3A] : memref<10000x128xf32, #tpu.memory_space<hbm>> -> memref<312x128xf32, #tpu.memory_space<hbm>>
          %dma_wait3A_72 = arith.constant 0 : i32
          %dma_wait3A_73 = tpu.memref_slice %arg20[%mul3A_58, %dma_wait3A_72] : memref<5120x128xf32, #tpu.memory_space<vmem_shared>> -> memref<312x128xf32, #tpu.memory_space<vmem_shared>>
          tpu.wait_dma2 semaphore(%run_scoped3A : memref<!tpu.dma_semaphore, #tpu.memory_space<semaphore_mem>>) src(%dma_wait3A_73 : memref<312x128xf32, #tpu.memory_space<vmem_shared>>) dst(%dma_wait3A_71 : memref<312x128xf32, #tpu.memory_space<hbm>>)
          tpu.yield
        }) : () -> ()
        %eq3A_62 = arith.constant 0 : i32
        %eq3A_63 = arith.cmpi eq, %arg1, %eq3A_62 : i32
        %and3A = arith.constant true
        %and3A_64 = arith.andi %eq3A_63, %and3A : i1
        %convert_element_type3A_65 = arith.extui %and3A_64 : i1 to i32
        %cond3A_66 = arith.constant 0 : i32
        %cond3A_67 = arith.cmpi ne, %convert_element_type3A_65, %cond3A_66 : i32
        scf.if %cond3A_67 {
          %add3A_68 = arith.constant 4992 : i32
          %add3A_69 = arith.addi %mul3A_19, %add3A_68 : i32
          "tpu.region"() ({
            %run_scoped3A = tpu.sem_alloc : memref<!tpu.dma_semaphore, #tpu.memory_space<semaphore_mem>>
            %dma_start3A = arith.constant 0 : i32
            %dma_start3A_70 = tpu.memref_slice %arg8[%add3A_69, %dma_start3A] : memref<10000x128xf32, #tpu.memory_space<hbm>> -> memref<8x128xf32, #tpu.memory_space<hbm>>
            %dma_start3A_71 = arith.constant 4992 : i32
            %dma_start3A_72 = arith.constant 0 : i32
            %dma_start3A_73 = tpu.memref_slice %arg20[%dma_start3A_71, %dma_start3A_72] : memref<5120x128xf32, #tpu.memory_space<vmem_shared>> -> memref<8x128xf32, #tpu.memory_space<vmem_shared>>
            tpu.enqueue_dma source(%dma_start3A_73 : memref<8x128xf32, #tpu.memory_space<vmem_shared>>) target(%dma_start3A_70 : memref<8x128xf32, #tpu.memory_space<hbm>>) target_semaphore(%run_scoped3A : memref<!tpu.dma_semaphore, #tpu.memory_space<semaphore_mem>>)
            %dma_wait3A = arith.constant 0 : i32
            %dma_wait3A_74 = tpu.memref_slice %arg8[%add3A_69, %dma_wait3A] : memref<10000x128xf32, #tpu.memory_space<hbm>> -> memref<8x128xf32, #tpu.memory_space<hbm>>
            %dma_wait3A_75 = arith.constant 4992 : i32
            %dma_wait3A_76 = arith.constant 0 : i32
            %dma_wait3A_77 = tpu.memref_slice %arg20[%dma_wait3A_75, %dma_wait3A_76] : memref<5120x128xf32, #tpu.memory_space<vmem_shared>> -> memref<8x128xf32, #tpu.memory_space<vmem_shared>>
            tpu.wait_dma2 semaphore(%run_scoped3A : memref<!tpu.dma_semaphore, #tpu.memory_space<semaphore_mem>>) src(%dma_wait3A_77 : memref<8x128xf32, #tpu.memory_space<vmem_shared>>) dst(%dma_wait3A_74 : memref<8x128xf32, #tpu.memory_space<hbm>>)
            tpu.yield
          }) : () -> ()
        } else {
        }
      } else {
      }
      %eq3A_47 = arith.constant 1 : i32
      %eq3A_48 = arith.cmpi eq, %arg0, %eq3A_47 : i32
      %convert_element_type3A_49 = arith.extui %eq3A_48 : i1 to i32
      %cond3A_50 = arith.constant 0 : i32
      %cond3A_51 = arith.cmpi ne, %convert_element_type3A_49, %cond3A_50 : i32
      scf.if %cond3A_51 {
        %mul3A_57 = arith.constant 312 : i32
        %mul3A_58 = arith.muli %arg1, %mul3A_57 : i32
        %mul3A_59 = arith.constant 312 : i32
        %mul3A_60 = arith.muli %arg1, %mul3A_59 : i32
        %add3A_61 = arith.addi %mul3A_19, %mul3A_60 : i32
        "tpu.region"() ({
          %run_scoped3A = tpu.sem_alloc : memref<!tpu.dma_semaphore, #tpu.memory_space<semaphore_mem>>
          %dma_start3A = arith.constant 0 : i32
          %dma_start3A_68 = tpu.memref_slice %arg9[%add3A_61, %dma_start3A] : memref<10000x128xf32, #tpu.memory_space<hbm>> -> memref<312x128xf32, #tpu.memory_space<hbm>>
          %dma_start3A_69 = arith.constant 0 : i32
          %dma_start3A_70 = tpu.memref_slice %arg20[%mul3A_58, %dma_start3A_69] : memref<5120x128xf32, #tpu.memory_space<vmem_shared>> -> memref<312x128xf32, #tpu.memory_space<vmem_shared>>
          tpu.enqueue_dma source(%dma_start3A_70 : memref<312x128xf32, #tpu.memory_space<vmem_shared>>) target(%dma_start3A_68 : memref<312x128xf32, #tpu.memory_space<hbm>>) target_semaphore(%run_scoped3A : memref<!tpu.dma_semaphore, #tpu.memory_space<semaphore_mem>>)
          %dma_wait3A = arith.constant 0 : i32
          %dma_wait3A_71 = tpu.memref_slice %arg9[%add3A_61, %dma_wait3A] : memref<10000x128xf32, #tpu.memory_space<hbm>> -> memref<312x128xf32, #tpu.memory_space<hbm>>
          %dma_wait3A_72 = arith.constant 0 : i32
          %dma_wait3A_73 = tpu.memref_slice %arg20[%mul3A_58, %dma_wait3A_72] : memref<5120x128xf32, #tpu.memory_space<vmem_shared>> -> memref<312x128xf32, #tpu.memory_space<vmem_shared>>
          tpu.wait_dma2 semaphore(%run_scoped3A : memref<!tpu.dma_semaphore, #tpu.memory_space<semaphore_mem>>) src(%dma_wait3A_73 : memref<312x128xf32, #tpu.memory_space<vmem_shared>>) dst(%dma_wait3A_71 : memref<312x128xf32, #tpu.memory_space<hbm>>)
          tpu.yield
        }) : () -> ()
        %eq3A_62 = arith.constant 0 : i32
        %eq3A_63 = arith.cmpi eq, %arg1, %eq3A_62 : i32
        %and3A = arith.constant true
        %and3A_64 = arith.andi %eq3A_63, %and3A : i1
        %convert_element_type3A_65 = arith.extui %and3A_64 : i1 to i32
        %cond3A_66 = arith.constant 0 : i32
        %cond3A_67 = arith.cmpi ne, %convert_element_type3A_65, %cond3A_66 : i32
        scf.if %cond3A_67 {
          %add3A_68 = arith.constant 4992 : i32
          %add3A_69 = arith.addi %mul3A_19, %add3A_68 : i32
          "tpu.region"() ({
            %run_scoped3A = tpu.sem_alloc : memref<!tpu.dma_semaphore, #tpu.memory_space<semaphore_mem>>
            %dma_start3A = arith.constant 0 : i32
            %dma_start3A_70 = tpu.memref_slice %arg9[%add3A_69, %dma_start3A] : memref<10000x128xf32, #tpu.memory_space<hbm>> -> memref<8x128xf32, #tpu.memory_space<hbm>>
            %dma_start3A_71 = arith.constant 4992 : i32
            %dma_start3A_72 = arith.constant 0 : i32
            %dma_start3A_73 = tpu.memref_slice %arg20[%dma_start3A_71, %dma_start3A_72] : memref<5120x128xf32, #tpu.memory_space<vmem_shared>> -> memref<8x128xf32, #tpu.memory_space<vmem_shared>>
            tpu.enqueue_dma source(%dma_start3A_73 : memref<8x128xf32, #tpu.memory_space<vmem_shared>>) target(%dma_start3A_70 : memref<8x128xf32, #tpu.memory_space<hbm>>) target_semaphore(%run_scoped3A : memref<!tpu.dma_semaphore, #tpu.memory_space<semaphore_mem>>)
            %dma_wait3A = arith.constant 0 : i32
            %dma_wait3A_74 = tpu.memref_slice %arg9[%add3A_69, %dma_wait3A] : memref<10000x128xf32, #tpu.memory_space<hbm>> -> memref<8x128xf32, #tpu.memory_space<hbm>>
            %dma_wait3A_75 = arith.constant 4992 : i32
            %dma_wait3A_76 = arith.constant 0 : i32
            %dma_wait3A_77 = tpu.memref_slice %arg20[%dma_wait3A_75, %dma_wait3A_76] : memref<5120x128xf32, #tpu.memory_space<vmem_shared>> -> memref<8x128xf32, #tpu.memory_space<vmem_shared>>
            tpu.wait_dma2 semaphore(%run_scoped3A : memref<!tpu.dma_semaphore, #tpu.memory_space<semaphore_mem>>) src(%dma_wait3A_77 : memref<8x128xf32, #tpu.memory_space<vmem_shared>>) dst(%dma_wait3A_74 : memref<8x128xf32, #tpu.memory_space<hbm>>)
            tpu.yield
          }) : () -> ()
        } else {
        }
      } else {
      }
      %convert_element_type3A_52 = arith.extui %eq3A_20 : i1 to i32
      %cond3A_53 = arith.constant 0 : i32
      %cond3A_54 = arith.cmpi ne, %convert_element_type3A_52, %cond3A_53 : i32
      scf.if %cond3A_54 {
        %mul3A_57 = arith.constant 312 : i32
        %mul3A_58 = arith.muli %arg1, %mul3A_57 : i32
        %mul3A_59 = arith.constant 312 : i32
        %mul3A_60 = arith.muli %arg1, %mul3A_59 : i32
        %add3A_61 = arith.addi %mul3A_19, %mul3A_60 : i32
        "tpu.region"() ({
          %run_scoped3A = tpu.sem_alloc : memref<!tpu.dma_semaphore, #tpu.memory_space<semaphore_mem>>
          %dma_start3A = arith.constant 0 : i32
          %dma_start3A_68 = tpu.memref_slice %arg10[%add3A_61, %dma_start3A] : memref<10000x8xf32, #tpu.memory_space<hbm>> -> memref<312x8xf32, #tpu.memory_space<hbm>>
          %dma_start3A_69 = arith.constant 0 : i32
          %dma_start3A_70 = tpu.memref_slice %arg21[%mul3A_58, %dma_start3A_69] : memref<5120x8xf32, #tpu.memory_space<vmem_shared>> -> memref<312x8xf32, #tpu.memory_space<vmem_shared>>
          tpu.enqueue_dma source(%dma_start3A_70 : memref<312x8xf32, #tpu.memory_space<vmem_shared>>) target(%dma_start3A_68 : memref<312x8xf32, #tpu.memory_space<hbm>>) target_semaphore(%run_scoped3A : memref<!tpu.dma_semaphore, #tpu.memory_space<semaphore_mem>>)
          %dma_wait3A = arith.constant 0 : i32
          %dma_wait3A_71 = tpu.memref_slice %arg10[%add3A_61, %dma_wait3A] : memref<10000x8xf32, #tpu.memory_space<hbm>> -> memref<312x8xf32, #tpu.memory_space<hbm>>
          %dma_wait3A_72 = arith.constant 0 : i32
          %dma_wait3A_73 = tpu.memref_slice %arg21[%mul3A_58, %dma_wait3A_72] : memref<5120x8xf32, #tpu.memory_space<vmem_shared>> -> memref<312x8xf32, #tpu.memory_space<vmem_shared>>
          tpu.wait_dma2 semaphore(%run_scoped3A : memref<!tpu.dma_semaphore, #tpu.memory_space<semaphore_mem>>) src(%dma_wait3A_73 : memref<312x8xf32, #tpu.memory_space<vmem_shared>>) dst(%dma_wait3A_71 : memref<312x8xf32, #tpu.memory_space<hbm>>)
          tpu.yield
        }) : () -> ()
        %eq3A_62 = arith.constant 0 : i32
        %eq3A_63 = arith.cmpi eq, %arg1, %eq3A_62 : i32
        %and3A = arith.constant true
        %and3A_64 = arith.andi %eq3A_63, %and3A : i1
        %convert_element_type3A_65 = arith.extui %and3A_64 : i1 to i32
        %cond3A_66 = arith.constant 0 : i32
        %cond3A_67 = arith.cmpi ne, %convert_element_type3A_65, %cond3A_66 : i32
        scf.if %cond3A_67 {
          %add3A_68 = arith.constant 4992 : i32
          %add3A_69 = arith.addi %mul3A_19, %add3A_68 : i32
          "tpu.region"() ({
            %run_scoped3A = tpu.sem_alloc : memref<!tpu.dma_semaphore, #tpu.memory_space<semaphore_mem>>
            %dma_start3A = arith.constant 0 : i32
            %dma_start3A_70 = tpu.memref_slice %arg10[%add3A_69, %dma_start3A] : memref<10000x8xf32, #tpu.memory_space<hbm>> -> memref<8x8xf32, #tpu.memory_space<hbm>>
            %dma_start3A_71 = arith.constant 4992 : i32
            %dma_start3A_72 = arith.constant 0 : i32
            %dma_start3A_73 = tpu.memref_slice %arg21[%dma_start3A_71, %dma_start3A_72] : memref<5120x8xf32, #tpu.memory_space<vmem_shared>> -> memref<8x8xf32, #tpu.memory_space<vmem_shared>>
            tpu.enqueue_dma source(%dma_start3A_73 : memref<8x8xf32, #tpu.memory_space<vmem_shared>>) target(%dma_start3A_70 : memref<8x8xf32, #tpu.memory_space<hbm>>) target_semaphore(%run_scoped3A : memref<!tpu.dma_semaphore, #tpu.memory_space<semaphore_mem>>)
            %dma_wait3A = arith.constant 0 : i32
            %dma_wait3A_74 = tpu.memref_slice %arg10[%add3A_69, %dma_wait3A] : memref<10000x8xf32, #tpu.memory_space<hbm>> -> memref<8x8xf32, #tpu.memory_space<hbm>>
            %dma_wait3A_75 = arith.constant 4992 : i32
            %dma_wait3A_76 = arith.constant 0 : i32
            %dma_wait3A_77 = tpu.memref_slice %arg21[%dma_wait3A_75, %dma_wait3A_76] : memref<5120x8xf32, #tpu.memory_space<vmem_shared>> -> memref<8x8xf32, #tpu.memory_space<vmem_shared>>
            tpu.wait_dma2 semaphore(%run_scoped3A : memref<!tpu.dma_semaphore, #tpu.memory_space<semaphore_mem>>) src(%dma_wait3A_77 : memref<8x8xf32, #tpu.memory_space<vmem_shared>>) dst(%dma_wait3A_74 : memref<8x8xf32, #tpu.memory_space<hbm>>)
            tpu.yield
          }) : () -> ()
        } else {
        }
      } else {
      }
      %barrier3A_55 = arith.constant 0 : index
      tpu.barrier barrier_id(%barrier3A_55)
      %scan3A_56 = arith.constant 0 : i32
      scf.yield %scan3A_56 : i32
    }
    %scan3A_15 = arith.constant 2 : i32
    return
  }
}

module attributes {stable_mosaic.version = 14 : i64} {
  func.func @_premul_body(%arg0: i32, %arg1: memref<1000x256xf32, #tpu.memory_space<vmem>>, %arg2: memref<256x256xf32, #tpu.memory_space<vmem>>, %arg3: memref<256x256xf32, #tpu.memory_space<vmem>>, %arg4: memref<1x256xf32, #tpu.memory_space<vmem>>, %arg5: memref<256x8xf32, #tpu.memory_space<vmem>>, %arg6: memref<1x8xf32, #tpu.memory_space<vmem>>, %arg7: memref<1000x256xf32, #tpu.memory_space<vmem>>, %arg8: memref<1000x256xf32, #tpu.memory_space<vmem>>, %arg9: memref<1000x8xf32, #tpu.memory_space<vmem>>) attributes {dimension_semantics = [#tpu.dimension_semantics<arbitrary>], iteration_bounds = array<i64: 10>, scalar_prefetch = 0 : i64, scratch_operands = 0 : i64, tpu.core_type = #tpu.core_type<tc>, window_params = [{transform_indices = @transform_0, window_bounds = array<i64: 1000, 256>}, {pipeline_mode = #tpu.pipeline_mode<synchronous>, transform_indices = @transform_1, window_bounds = array<i64: 256, 256>}, {pipeline_mode = #tpu.pipeline_mode<synchronous>, transform_indices = @transform_2, window_bounds = array<i64: 256, 256>}, {pipeline_mode = #tpu.pipeline_mode<synchronous>, transform_indices = @transform_3, window_bounds = array<i64: 1, 256>}, {pipeline_mode = #tpu.pipeline_mode<synchronous>, transform_indices = @transform_4, window_bounds = array<i64: 256, 8>}, {pipeline_mode = #tpu.pipeline_mode<synchronous>, transform_indices = @transform_5, window_bounds = array<i64: 1, 8>}, {transform_indices = @transform_6, window_bounds = array<i64: 1000, 256>}, {transform_indices = @transform_7, window_bounds = array<i64: 1000, 256>}, {transform_indices = @transform_8, window_bounds = array<i64: 1000, 8>}]} {
    %get3A = arith.constant 0 : index
    %get3A_0 = arith.constant 0 : index
    %get3A_1 = vector.load %arg1[%get3A, %get3A_0] : memref<1000x256xf32, #tpu.memory_space<vmem>>, vector<1000x256xf32>
    %get3A_2 = arith.constant 0 : index
    %get3A_3 = arith.constant 0 : index
    %get3A_4 = vector.load %arg2[%get3A_2, %get3A_3] : memref<256x256xf32, #tpu.memory_space<vmem>>, vector<256x256xf32>
    %dot_general3A = arith.constant dense<0.000000e+00> : vector<1000x256xf32>
    %dot_general3A_5 = tpu.matmul %get3A_1, %get3A_4, %dot_general3A {dimension_numbers = #tpu.dot_dimension_numbers<[1], [0], [0], [1], [0, 0, 1, 1], [], []>, transpose_lhs_hint = false} : vector<1000x256xf32>, vector<256x256xf32>, vector<1000x256xf32> -> vector<1000x256xf32>
    %swap3A = arith.constant 0 : index
    %swap3A_6 = arith.constant 0 : index
    %swap3A_7 = vector.load %arg7[%swap3A, %swap3A_6] : memref<1000x256xf32, #tpu.memory_space<vmem>>, vector<1000x256xf32>
    tpu.vector_store %arg7[%swap3A, %swap3A_6], %dot_general3A_5 {strides = array<i32>} : memref<1000x256xf32, #tpu.memory_space<vmem>>, vector<1000x256xf32>,
    %get3A_8 = arith.constant 0 : index
    %get3A_9 = arith.constant 0 : index
    %get3A_10 = vector.load %arg3[%get3A_8, %get3A_9] : memref<256x256xf32, #tpu.memory_space<vmem>>, vector<256x256xf32>
    %dot_general3A_11 = arith.constant dense<0.000000e+00> : vector<1000x256xf32>
    %dot_general3A_12 = tpu.matmul %get3A_1, %get3A_10, %dot_general3A_11 {dimension_numbers = #tpu.dot_dimension_numbers<[1], [0], [0], [1], [0, 0, 1, 1], [], []>, transpose_lhs_hint = false} : vector<1000x256xf32>, vector<256x256xf32>, vector<1000x256xf32> -> vector<1000x256xf32>
    %get3A_13 = arith.constant 0 : index
    %get3A_14 = arith.constant 0 : index
    %get3A_15 = vector.load %arg4[%get3A_13, %get3A_14] : memref<1x256xf32, #tpu.memory_space<vmem>>, vector<1x256xf32>
    %add3A = vector.broadcast %get3A_15 : vector<1x256xf32> to vector<1000x256xf32>
    %add3A_16 = arith.addf %dot_general3A_12, %add3A : vector<1000x256xf32>
    %swap3A_17 = arith.constant 0 : index
    %swap3A_18 = arith.constant 0 : index
    %swap3A_19 = vector.load %arg8[%swap3A_17, %swap3A_18] : memref<1000x256xf32, #tpu.memory_space<vmem>>, vector<1000x256xf32>
    tpu.vector_store %arg8[%swap3A_17, %swap3A_18], %add3A_16 {strides = array<i32>} : memref<1000x256xf32, #tpu.memory_space<vmem>>, vector<1000x256xf32>,
    %get3A_20 = arith.constant 0 : index
    %get3A_21 = arith.constant 0 : index
    %get3A_22 = vector.load %arg5[%get3A_20, %get3A_21] : memref<256x8xf32, #tpu.memory_space<vmem>>, vector<256x8xf32>
    %dot_general3A_23 = arith.constant dense<0.000000e+00> : vector<1000x8xf32>
    %dot_general3A_24 = tpu.matmul %get3A_1, %get3A_22, %dot_general3A_23 {dimension_numbers = #tpu.dot_dimension_numbers<[1], [0], [0], [1], [0, 0, 1, 1], [], []>, transpose_lhs_hint = false} : vector<1000x256xf32>, vector<256x8xf32>, vector<1000x8xf32> -> vector<1000x8xf32>
    %get3A_25 = arith.constant 0 : index
    %get3A_26 = arith.constant 0 : index
    %get3A_27 = vector.load %arg6[%get3A_25, %get3A_26] : memref<1x8xf32, #tpu.memory_space<vmem>>, vector<1x8xf32>
    %add3A_28 = vector.broadcast %get3A_27 : vector<1x8xf32> to vector<1000x8xf32>
    %add3A_29 = arith.addf %dot_general3A_24, %add3A_28 : vector<1000x8xf32>
    %swap3A_30 = arith.constant 0 : index
    %swap3A_31 = arith.constant 0 : index
    %swap3A_32 = vector.load %arg9[%swap3A_30, %swap3A_31] : memref<1000x8xf32, #tpu.memory_space<vmem>>, vector<1000x8xf32>
    tpu.vector_store %arg9[%swap3A_30, %swap3A_31], %add3A_29 {strides = array<i32>} : memref<1000x8xf32, #tpu.memory_space<vmem>>, vector<1000x8xf32>,
    return
  }
  func.func @transform_0(%arg0: i32) -> (i32, i32) {
    %c0_i32 = arith.constant 0 : i32
    %c0_i32_0 = arith.constant 0 : i32
    return %arg0, %c0_i32 : i32, i32
  }
  func.func @transform_1(%arg0: i32) -> (i32, i32) {
    %c0_i32 = arith.constant 0 : i32
    %c0_i32_0 = arith.constant 0 : i32
    %c0_i32_1 = arith.constant 0 : i32
    return %c0_i32, %c0_i32_0 : i32, i32
  }
  func.func @transform_2(%arg0: i32) -> (i32, i32) {
    %c0_i32 = arith.constant 0 : i32
    %c0_i32_0 = arith.constant 0 : i32
    %c0_i32_1 = arith.constant 0 : i32
    return %c0_i32, %c0_i32_0 : i32, i32
  }
  func.func @transform_3(%arg0: i32) -> (i32, i32) {
    %c0_i32 = arith.constant 0 : i32
    %c0_i32_0 = arith.constant 0 : i32
    %c0_i32_1 = arith.constant 0 : i32
    return %c0_i32, %c0_i32_0 : i32, i32
  }
  func.func @transform_4(%arg0: i32) -> (i32, i32) {
    %c0_i32 = arith.constant 0 : i32
    %c0_i32_0 = arith.constant 0 : i32
    %c0_i32_1 = arith.constant 0 : i32
    return %c0_i32, %c0_i32_0 : i32, i32
  }
  func.func @transform_5(%arg0: i32) -> (i32, i32) {
    %c0_i32 = arith.constant 0 : i32
    %c0_i32_0 = arith.constant 0 : i32
    %c0_i32_1 = arith.constant 0 : i32
    return %c0_i32, %c0_i32_0 : i32, i32
  }
  func.func @transform_6(%arg0: i32) -> (i32, i32) {
    %c0_i32 = arith.constant 0 : i32
    %c0_i32_0 = arith.constant 0 : i32
    return %arg0, %c0_i32 : i32, i32
  }
  func.func @transform_7(%arg0: i32) -> (i32, i32) {
    %c0_i32 = arith.constant 0 : i32
    %c0_i32_0 = arith.constant 0 : i32
    return %arg0, %c0_i32 : i32, i32
  }
  func.func @transform_8(%arg0: i32) -> (i32, i32) {
    %c0_i32 = arith.constant 0 : i32
    %c0_i32_0 = arith.constant 0 : i32
    return %arg0, %c0_i32 : i32, i32
  }
}

module attributes {stable_mosaic.version = 14 : i64} {
  func.func @_edge_body(%arg0: i32, %arg1: memref<1000x256xf32, #tpu.memory_space<vmem>>, %arg2: memref<1000x8xf32, #tpu.memory_space<vmem>>, %arg3: memref<1x256xf32, #tpu.memory_space<vmem>>, %arg4: memref<256x256xf32, #tpu.memory_space<vmem>>, %arg5: memref<1x256xf32, #tpu.memory_space<vmem>>, %arg6: memref<1x256xf32, #tpu.memory_space<vmem>>, %arg7: memref<1x1xf32, #tpu.memory_space<vmem>>, %arg8: memref<1x8xf32, #tpu.memory_space<vmem>>, %arg9: memref<8x8xf32, #tpu.memory_space<vmem>>, %arg10: memref<1x8xf32, #tpu.memory_space<vmem>>, %arg11: memref<1x1xf32, #tpu.memory_space<vmem>>, %arg12: memref<1000x128xf32, #tpu.memory_space<vmem>>, %arg13: memref<1000x128xf32, #tpu.memory_space<vmem>>, %arg14: memref<1000x8xf32, #tpu.memory_space<vmem>>) attributes {dimension_semantics = [#tpu.dimension_semantics<arbitrary>], iteration_bounds = array<i64: 160>, scalar_prefetch = 0 : i64, scratch_operands = 0 : i64, tpu.core_type = #tpu.core_type<tc>, window_params = [{transform_indices = @transform_0, window_bounds = array<i64: 1000, 256>}, {transform_indices = @transform_1, window_bounds = array<i64: 1000, 8>}, {pipeline_mode = #tpu.pipeline_mode<synchronous>, transform_indices = @transform_2, window_bounds = array<i64: 1, 256>}, {pipeline_mode = #tpu.pipeline_mode<synchronous>, transform_indices = @transform_3, window_bounds = array<i64: 256, 256>}, {pipeline_mode = #tpu.pipeline_mode<synchronous>, transform_indices = @transform_4, window_bounds = array<i64: 1, 256>}, {pipeline_mode = #tpu.pipeline_mode<synchronous>, transform_indices = @transform_5, window_bounds = array<i64: 1, 256>}, {pipeline_mode = #tpu.pipeline_mode<synchronous>, transform_indices = @transform_6, window_bounds = array<i64: 1, 1>}, {pipeline_mode = #tpu.pipeline_mode<synchronous>, transform_indices = @transform_7, window_bounds = array<i64: 1, 8>}, {pipeline_mode = #tpu.pipeline_mode<synchronous>, transform_indices = @transform_8, window_bounds = array<i64: 8, 8>}, {pipeline_mode = #tpu.pipeline_mode<synchronous>, transform_indices = @transform_9, window_bounds = array<i64: 1, 8>}, {pipeline_mode = #tpu.pipeline_mode<synchronous>, transform_indices = @transform_10, window_bounds = array<i64: 1, 1>}, {transform_indices = @transform_11, window_bounds = array<i64: 1000, 128>}, {transform_indices = @transform_12, window_bounds = array<i64: 1000, 128>}, {transform_indices = @transform_13, window_bounds = array<i64: 1000, 8>}]} {
    %get3A = arith.constant 0 : index
    %get3A_0 = arith.constant 0 : index
    %get3A_1 = vector.load %arg2[%get3A, %get3A_0] : memref<1000x8xf32, #tpu.memory_space<vmem>>, vector<1000x1xf32>
    %sqrt3A = math.sqrt %get3A_1 : vector<1000x1xf32>
    %get3A_2 = arith.constant 0 : index
    %get3A_3 = arith.constant 0 : index
    %get3A_4 = vector.load %arg1[%get3A_2, %get3A_3] : memref<1000x256xf32, #tpu.memory_space<vmem>>, vector<1000x256xf32>
    %get3A_5 = arith.constant 0 : index
    %get3A_6 = arith.constant 0 : index
    %get3A_7 = vector.load %arg3[%get3A_5, %get3A_6] : memref<1x256xf32, #tpu.memory_space<vmem>>, vector<1x256xf32>
    %mul3A = vector.broadcast %sqrt3A : vector<1000x1xf32> to vector<1000x256xf32>
    %mul3A_8 = vector.broadcast %get3A_7 : vector<1x256xf32> to vector<1000x256xf32>
    %mul3A_9 = arith.mulf %mul3A, %mul3A_8 : vector<1000x256xf32>
    %add3A = arith.addf %get3A_4, %mul3A_9 : vector<1000x256xf32>
    %logistic3A = arith.negf %add3A : vector<1000x256xf32>
    %logistic3A_10 = math.exp %logistic3A : vector<1000x256xf32>
    %logistic3A_11 = arith.constant 1.000000e+00 : f32
    %logistic3A_12 = vector.broadcast %logistic3A_11 : f32 to vector<1000x256xf32>
    %logistic3A_13 = arith.addf %logistic3A_12, %logistic3A_10 : vector<1000x256xf32>
    %logistic3A_14 = arith.divf %logistic3A_12, %logistic3A_13 : vector<1000x256xf32>
    %mul3A_15 = arith.mulf %add3A, %logistic3A_14 : vector<1000x256xf32>
    %get3A_16 = arith.constant 0 : index
    %get3A_17 = arith.constant 0 : index
    %get3A_18 = vector.load %arg4[%get3A_16, %get3A_17] : memref<256x256xf32, #tpu.memory_space<vmem>>, vector<256x256xf32>
    %dot_general3A = arith.constant dense<0.000000e+00> : vector<1000x256xf32>
    %dot_general3A_19 = tpu.matmul %mul3A_15, %get3A_18, %dot_general3A {dimension_numbers = #tpu.dot_dimension_numbers<[1], [0], [0], [1], [0, 0, 1, 1], [], []>, transpose_lhs_hint = false} : vector<1000x256xf32>, vector<256x256xf32>, vector<1000x256xf32> -> vector<1000x256xf32>
    %get3A_20 = arith.constant 0 : index
    %get3A_21 = arith.constant 0 : index
    %get3A_22 = vector.load %arg5[%get3A_20, %get3A_21] : memref<1x256xf32, #tpu.memory_space<vmem>>, vector<1x256xf32>
    %add3A_23 = vector.broadcast %get3A_22 : vector<1x256xf32> to vector<1000x256xf32>
    %add3A_24 = arith.addf %dot_general3A_19, %add3A_23 : vector<1000x256xf32>
    %logistic3A_25 = arith.negf %add3A_24 : vector<1000x256xf32>
    %logistic3A_26 = math.exp %logistic3A_25 : vector<1000x256xf32>
    %logistic3A_27 = arith.constant 1.000000e+00 : f32
    %logistic3A_28 = vector.broadcast %logistic3A_27 : f32 to vector<1000x256xf32>
    %logistic3A_29 = arith.addf %logistic3A_28, %logistic3A_26 : vector<1000x256xf32>
    %logistic3A_30 = arith.divf %logistic3A_28, %logistic3A_29 : vector<1000x256xf32>
    %mul3A_31 = arith.mulf %add3A_24, %logistic3A_30 : vector<1000x256xf32>
    %get3A_32 = arith.constant 0 : index
    %get3A_33 = arith.constant 0 : index
    %get3A_34 = vector.load %arg6[%get3A_32, %get3A_33] : memref<1x256xf32, #tpu.memory_space<vmem>>, vector<1x256xf32>
    %mul3A_35 = vector.broadcast %get3A_34 : vector<1x256xf32> to vector<1000x256xf32>
    %mul3A_36 = arith.mulf %mul3A_31, %mul3A_35 : vector<1000x256xf32>
    %reduce_sum3A = arith.constant dense<0.000000e+00> : vector<1000xf32>
    %reduce_sum3A_37 = vector.multi_reduction <add>, %mul3A_36, %reduce_sum3A [1] : vector<1000x256xf32> to vector<1000xf32>
    %broadcast_in_dim3A = vector.shape_cast %reduce_sum3A_37 : vector<1000xf32> to vector<1000x1xf32>
    %get3A_38 = arith.constant 0 : index
    %get3A_39 = arith.constant 0 : index
    %get3A_40 = vector.load %arg7[%get3A_38, %get3A_39] : memref<1x1xf32, #tpu.memory_space<vmem>>, vector<1x1xf32>
    %add3A_41 = vector.broadcast %get3A_40 : vector<1x1xf32> to vector<1000x1xf32>
    %add3A_42 = arith.addf %broadcast_in_dim3A, %add3A_41 : vector<1000x1xf32>
    %logistic3A_43 = arith.negf %add3A_42 : vector<1000x1xf32>
    %logistic3A_44 = math.exp %logistic3A_43 : vector<1000x1xf32>
    %logistic3A_45 = arith.constant 1.000000e+00 : f32
    %logistic3A_46 = vector.broadcast %logistic3A_45 : f32 to vector<1000x1xf32>
    %logistic3A_47 = arith.addf %logistic3A_46, %logistic3A_44 : vector<1000x1xf32>
    %logistic3A_48 = arith.divf %logistic3A_46, %logistic3A_47 : vector<1000x1xf32>
    %mul3A_49 = vector.broadcast %logistic3A_48 : vector<1000x1xf32> to vector<1000x256xf32>
    %mul3A_50 = arith.mulf %mul3A_49, %mul3A_31 : vector<1000x256xf32>
    %slice3A = vector.extract_strided_slice %mul3A_50 {offsets = [0, 0], sizes = [1000, 128], strides = [1, 1]} : vector<1000x256xf32> to vector<1000x128xf32>
    %swap3A = arith.constant 0 : index
    %swap3A_51 = arith.constant 0 : index
    %swap3A_52 = vector.load %arg12[%swap3A, %swap3A_51] : memref<1000x128xf32, #tpu.memory_space<vmem>>, vector<1000x128xf32>
    tpu.vector_store %arg12[%swap3A, %swap3A_51], %slice3A {strides = array<i32>} : memref<1000x128xf32, #tpu.memory_space<vmem>>, vector<1000x128xf32>,
    %slice3A_53 = vector.extract_strided_slice %mul3A_50 {offsets = [0, 128], sizes = [1000, 128], strides = [1, 1]} : vector<1000x256xf32> to vector<1000x128xf32>
    %swap3A_54 = arith.constant 0 : index
    %swap3A_55 = arith.constant 0 : index
    %swap3A_56 = vector.load %arg13[%swap3A_54, %swap3A_55] : memref<1000x128xf32, #tpu.memory_space<vmem>>, vector<1000x128xf32>
    tpu.vector_store %arg13[%swap3A_54, %swap3A_55], %slice3A_53 {strides = array<i32>} : memref<1000x128xf32, #tpu.memory_space<vmem>>, vector<1000x128xf32>,
    %get3A_57 = arith.constant 0 : index
    %get3A_58 = arith.constant 1 : index
    %get3A_59 = vector.load %arg2[%get3A_57, %get3A_58] : memref<1000x8xf32, #tpu.memory_space<vmem>>, vector<1000x3xf32>
    %get3A_60 = arith.constant 0 : index
    %get3A_61 = arith.constant 0 : index
    %get3A_62 = vector.load %arg8[%get3A_60, %get3A_61] : memref<1x8xf32, #tpu.memory_space<vmem>>, vector<1x3xf32>
    %mul3A_63 = vector.broadcast %sqrt3A : vector<1000x1xf32> to vector<1000x3xf32>
    %mul3A_64 = vector.broadcast %get3A_62 : vector<1x3xf32> to vector<1000x3xf32>
    %mul3A_65 = arith.mulf %mul3A_63, %mul3A_64 : vector<1000x3xf32>
    %add3A_66 = arith.addf %get3A_59, %mul3A_65 : vector<1000x3xf32>
    %logistic3A_67 = arith.negf %add3A_66 : vector<1000x3xf32>
    %logistic3A_68 = math.exp %logistic3A_67 : vector<1000x3xf32>
    %logistic3A_69 = arith.constant 1.000000e+00 : f32
    %logistic3A_70 = vector.broadcast %logistic3A_69 : f32 to vector<1000x3xf32>
    %logistic3A_71 = arith.addf %logistic3A_70, %logistic3A_68 : vector<1000x3xf32>
    %logistic3A_72 = arith.divf %logistic3A_70, %logistic3A_71 : vector<1000x3xf32>
    %mul3A_73 = arith.mulf %add3A_66, %logistic3A_72 : vector<1000x3xf32>
    %slice3A_74 = vector.extract_strided_slice %mul3A_73 {offsets = [0, 0], sizes = [1000, 1], strides = [1, 1]} : vector<1000x3xf32> to vector<1000x1xf32>
    %get3A_75 = arith.constant 0 : index
    %get3A_76 = arith.constant 0 : index
    %get3A_77 = vector.load %arg9[%get3A_75, %get3A_76] : memref<8x8xf32, #tpu.memory_space<vmem>>, vector<1x3xf32>
    %mul3A_78 = vector.broadcast %slice3A_74 : vector<1000x1xf32> to vector<1000x3xf32>
    %mul3A_79 = vector.broadcast %get3A_77 : vector<1x3xf32> to vector<1000x3xf32>
    %mul3A_80 = arith.mulf %mul3A_78, %mul3A_79 : vector<1000x3xf32>
    %slice3A_81 = vector.extract_strided_slice %mul3A_73 {offsets = [0, 1], sizes = [1000, 1], strides = [1, 1]} : vector<1000x3xf32> to vector<1000x1xf32>
    %get3A_82 = arith.constant 1 : index
    %get3A_83 = arith.constant 0 : index
    %get3A_84 = vector.load %arg9[%get3A_82, %get3A_83] : memref<8x8xf32, #tpu.memory_space<vmem>>, vector<1x3xf32>
    %mul3A_85 = vector.broadcast %slice3A_81 : vector<1000x1xf32> to vector<1000x3xf32>
    %mul3A_86 = vector.broadcast %get3A_84 : vector<1x3xf32> to vector<1000x3xf32>
    %mul3A_87 = arith.mulf %mul3A_85, %mul3A_86 : vector<1000x3xf32>
    %add3A_88 = arith.addf %mul3A_80, %mul3A_87 : vector<1000x3xf32>
    %slice3A_89 = vector.extract_strided_slice %mul3A_73 {offsets = [0, 2], sizes = [1000, 1], strides = [1, 1]} : vector<1000x3xf32> to vector<1000x1xf32>
    %get3A_90 = arith.constant 2 : index
    %get3A_91 = arith.constant 0 : index
    %get3A_92 = vector.load %arg9[%get3A_90, %get3A_91] : memref<8x8xf32, #tpu.memory_space<vmem>>, vector<1x3xf32>
    %mul3A_93 = vector.broadcast %slice3A_89 : vector<1000x1xf32> to vector<1000x3xf32>
    %mul3A_94 = vector.broadcast %get3A_92 : vector<1x3xf32> to vector<1000x3xf32>
    %mul3A_95 = arith.mulf %mul3A_93, %mul3A_94 : vector<1000x3xf32>
    %add3A_96 = arith.addf %add3A_88, %mul3A_95 : vector<1000x3xf32>
    %get3A_97 = arith.constant 0 : index
    %get3A_98 = arith.constant 0 : index
    %get3A_99 = vector.load %arg10[%get3A_97, %get3A_98] : memref<1x8xf32, #tpu.memory_space<vmem>>, vector<1x3xf32>
    %add3A_100 = vector.broadcast %get3A_99 : vector<1x3xf32> to vector<1000x3xf32>
    %add3A_101 = arith.addf %add3A_96, %add3A_100 : vector<1000x3xf32>
    %logistic3A_102 = arith.negf %add3A_101 : vector<1000x3xf32>
    %logistic3A_103 = math.exp %logistic3A_102 : vector<1000x3xf32>
    %logistic3A_104 = arith.constant 1.000000e+00 : f32
    %logistic3A_105 = vector.broadcast %logistic3A_104 : f32 to vector<1000x3xf32>
    %logistic3A_106 = arith.addf %logistic3A_105, %logistic3A_103 : vector<1000x3xf32>
    %logistic3A_107 = arith.divf %logistic3A_105, %logistic3A_106 : vector<1000x3xf32>
    %mul3A_108 = arith.mulf %add3A_101, %logistic3A_107 : vector<1000x3xf32>
    %get3A_109 = arith.constant 0 : index
    %get3A_110 = arith.constant 0 : index
    %get3A_111 = vector.load %arg11[%get3A_109, %get3A_110] : memref<1x1xf32, #tpu.memory_space<vmem>>, vector<1x1xf32>
    %get3A_112 = vector.extract %get3A_111[0, 0] : f32 from vector<1x1xf32>
    %mul3A_113 = vector.broadcast %get3A_112 : f32 to vector<1000x1xf32>
    %mul3A_114 = arith.mulf %sqrt3A, %mul3A_113 : vector<1000x1xf32>
    %mul3A_115 = vector.broadcast %mul3A_114 : vector<1000x1xf32> to vector<1000x3xf32>
    %mul3A_116 = arith.mulf %mul3A_115, %mul3A_108 : vector<1000x3xf32>
    %broadcast_in_dim3A_117 = arith.constant 0.000000e+00 : f32
    %broadcast_in_dim3A_118 = vector.broadcast %broadcast_in_dim3A_117 : f32 to vector<1000x5xf32>
    %concatenate3A = tpu.concatenate %mul3A_116, %broadcast_in_dim3A_118 in 1 : vector<1000x3xf32>, vector<1000x5xf32> -> vector<1000x8xf32>
    %swap3A_119 = arith.constant 0 : index
    %swap3A_120 = arith.constant 0 : index
    %swap3A_121 = vector.load %arg14[%swap3A_119, %swap3A_120] : memref<1000x8xf32, #tpu.memory_space<vmem>>, vector<1000x8xf32>
    tpu.vector_store %arg14[%swap3A_119, %swap3A_120], %concatenate3A {strides = array<i32>} : memref<1000x8xf32, #tpu.memory_space<vmem>>, vector<1000x8xf32>,
    return
  }
  func.func @transform_0(%arg0: i32) -> (i32, i32) {
    %c0_i32 = arith.constant 0 : i32
    %c0_i32_0 = arith.constant 0 : i32
    return %arg0, %c0_i32 : i32, i32
  }
  func.func @transform_1(%arg0: i32) -> (i32, i32) {
    %c0_i32 = arith.constant 0 : i32
    %c0_i32_0 = arith.constant 0 : i32
    return %arg0, %c0_i32 : i32, i32
  }
  func.func @transform_2(%arg0: i32) -> (i32, i32) {
    %c0_i32 = arith.constant 0 : i32
    %c0_i32_0 = arith.constant 0 : i32
    %c0_i32_1 = arith.constant 0 : i32
    return %c0_i32, %c0_i32_0 : i32, i32
  }
  func.func @transform_3(%arg0: i32) -> (i32, i32) {
    %c0_i32 = arith.constant 0 : i32
    %c0_i32_0 = arith.constant 0 : i32
    %c0_i32_1 = arith.constant 0 : i32
    return %c0_i32, %c0_i32_0 : i32, i32
  }
  func.func @transform_4(%arg0: i32) -> (i32, i32) {
    %c0_i32 = arith.constant 0 : i32
    %c0_i32_0 = arith.constant 0 : i32
    %c0_i32_1 = arith.constant 0 : i32
    return %c0_i32, %c0_i32_0 : i32, i32
  }
  func.func @transform_5(%arg0: i32) -> (i32, i32) {
    %c0_i32 = arith.constant 0 : i32
    %c0_i32_0 = arith.constant 0 : i32
    %c0_i32_1 = arith.constant 0 : i32
    return %c0_i32, %c0_i32_0 : i32, i32
  }
  func.func @transform_6(%arg0: i32) -> (i32, i32) {
    %c0_i32 = arith.constant 0 : i32
    %c0_i32_0 = arith.constant 0 : i32
    %c0_i32_1 = arith.constant 0 : i32
    return %c0_i32, %c0_i32_0 : i32, i32
  }
  func.func @transform_7(%arg0: i32) -> (i32, i32) {
    %c0_i32 = arith.constant 0 : i32
    %c0_i32_0 = arith.constant 0 : i32
    %c0_i32_1 = arith.constant 0 : i32
    return %c0_i32, %c0_i32_0 : i32, i32
  }
  func.func @transform_8(%arg0: i32) -> (i32, i32) {
    %c0_i32 = arith.constant 0 : i32
    %c0_i32_0 = arith.constant 0 : i32
    %c0_i32_1 = arith.constant 0 : i32
    return %c0_i32, %c0_i32_0 : i32, i32
  }
  func.func @transform_9(%arg0: i32) -> (i32, i32) {
    %c0_i32 = arith.constant 0 : i32
    %c0_i32_0 = arith.constant 0 : i32
    %c0_i32_1 = arith.constant 0 : i32
    return %c0_i32, %c0_i32_0 : i32, i32
  }
  func.func @transform_10(%arg0: i32) -> (i32, i32) {
    %c0_i32 = arith.constant 0 : i32
    %c0_i32_0 = arith.constant 0 : i32
    %c0_i32_1 = arith.constant 0 : i32
    return %c0_i32, %c0_i32_0 : i32, i32
  }
  func.func @transform_11(%arg0: i32) -> (i32, i32) {
    %c0_i32 = arith.constant 0 : i32
    %c0_i32_0 = arith.constant 0 : i32
    return %arg0, %c0_i32 : i32, i32
  }
  func.func @transform_12(%arg0: i32) -> (i32, i32) {
    %c0_i32 = arith.constant 0 : i32
    %c0_i32_0 = arith.constant 0 : i32
    return %arg0, %c0_i32 : i32, i32
  }
  func.func @transform_13(%arg0: i32) -> (i32, i32) {
    %c0_i32 = arith.constant 0 : i32
    %c0_i32_0 = arith.constant 0 : i32
    return %arg0, %c0_i32 : i32, i32
  }
}

module attributes {stable_mosaic.version = 14 : i64} {
  func.func @_node_body(%arg0: i32, %arg1: memref<1000x256xf32, #tpu.memory_space<vmem>>, %arg2: memref<1000x128xf32, #tpu.memory_space<vmem>>, %arg3: memref<1000x128xf32, #tpu.memory_space<vmem>>, %arg4: memref<1000x8xf32, #tpu.memory_space<vmem>>, %arg5: memref<1000x8xf32, #tpu.memory_space<vmem>>, %arg6: memref<256x256xf32, #tpu.memory_space<vmem>>, %arg7: memref<128x256xf32, #tpu.memory_space<vmem>>, %arg8: memref<128x256xf32, #tpu.memory_space<vmem>>, %arg9: memref<1x256xf32, #tpu.memory_space<vmem>>, %arg10: memref<256x256xf32, #tpu.memory_space<vmem>>, %arg11: memref<1x256xf32, #tpu.memory_space<vmem>>, %arg12: memref<8x8xf32, #tpu.memory_space<vmem>>, %arg13: memref<1x8xf32, #tpu.memory_space<vmem>>, %arg14: memref<8x8xf32, #tpu.memory_space<vmem>>, %arg15: memref<1x8xf32, #tpu.memory_space<vmem>>, %arg16: memref<1000x256xf32, #tpu.memory_space<vmem>>, %arg17: memref<1000x8xf32, #tpu.memory_space<vmem>>) attributes {dimension_semantics = [#tpu.dimension_semantics<arbitrary>], iteration_bounds = array<i64: 10>, scalar_prefetch = 0 : i64, scratch_operands = 0 : i64, tpu.core_type = #tpu.core_type<tc>, window_params = [{transform_indices = @transform_0, window_bounds = array<i64: 1000, 256>}, {transform_indices = @transform_1, window_bounds = array<i64: 1000, 128>}, {transform_indices = @transform_2, window_bounds = array<i64: 1000, 128>}, {transform_indices = @transform_3, window_bounds = array<i64: 1000, 8>}, {transform_indices = @transform_4, window_bounds = array<i64: 1000, 8>}, {pipeline_mode = #tpu.pipeline_mode<synchronous>, transform_indices = @transform_5, window_bounds = array<i64: 256, 256>}, {pipeline_mode = #tpu.pipeline_mode<synchronous>, transform_indices = @transform_6, window_bounds = array<i64: 128, 256>}, {pipeline_mode = #tpu.pipeline_mode<synchronous>, transform_indices = @transform_7, window_bounds = array<i64: 128, 256>}, {pipeline_mode = #tpu.pipeline_mode<synchronous>, transform_indices = @transform_8, window_bounds = array<i64: 1, 256>}, {pipeline_mode = #tpu.pipeline_mode<synchronous>, transform_indices = @transform_9, window_bounds = array<i64: 256, 256>}, {pipeline_mode = #tpu.pipeline_mode<synchronous>, transform_indices = @transform_10, window_bounds = array<i64: 1, 256>}, {pipeline_mode = #tpu.pipeline_mode<synchronous>, transform_indices = @transform_11, window_bounds = array<i64: 8, 8>}, {pipeline_mode = #tpu.pipeline_mode<synchronous>, transform_indices = @transform_12, window_bounds = array<i64: 1, 8>}, {pipeline_mode = #tpu.pipeline_mode<synchronous>, transform_indices = @transform_13, window_bounds = array<i64: 8, 8>}, {pipeline_mode = #tpu.pipeline_mode<synchronous>, transform_indices = @transform_14, window_bounds = array<i64: 1, 8>}, {transform_indices = @transform_15, window_bounds = array<i64: 1000, 256>}, {transform_indices = @transform_16, window_bounds = array<i64: 1000, 8>}]} {
    %get3A = arith.constant 0 : index
    %get3A_0 = arith.constant 0 : index
    %get3A_1 = vector.load %arg1[%get3A, %get3A_0] : memref<1000x256xf32, #tpu.memory_space<vmem>>, vector<1000x256xf32>
    %get3A_2 = arith.constant 0 : index
    %get3A_3 = arith.constant 0 : index
    %get3A_4 = vector.load %arg6[%get3A_2, %get3A_3] : memref<256x256xf32, #tpu.memory_space<vmem>>, vector<256x256xf32>
    %dot_general3A = arith.constant dense<0.000000e+00> : vector<1000x256xf32>
    %dot_general3A_5 = tpu.matmul %get3A_1, %get3A_4, %dot_general3A {dimension_numbers = #tpu.dot_dimension_numbers<[1], [0], [0], [1], [0, 0, 1, 1], [], []>, transpose_lhs_hint = false} : vector<1000x256xf32>, vector<256x256xf32>, vector<1000x256xf32> -> vector<1000x256xf32>
    %get3A_6 = arith.constant 0 : index
    %get3A_7 = arith.constant 0 : index
    %get3A_8 = vector.load %arg2[%get3A_6, %get3A_7] : memref<1000x128xf32, #tpu.memory_space<vmem>>, vector<1000x128xf32>
    %get3A_9 = arith.constant 0 : index
    %get3A_10 = arith.constant 0 : index
    %get3A_11 = vector.load %arg7[%get3A_9, %get3A_10] : memref<128x256xf32, #tpu.memory_space<vmem>>, vector<128x256xf32>
    %dot_general3A_12 = arith.constant dense<0.000000e+00> : vector<1000x256xf32>
    %dot_general3A_13 = tpu.matmul %get3A_8, %get3A_11, %dot_general3A_12 {dimension_numbers = #tpu.dot_dimension_numbers<[1], [0], [0], [1], [0, 0, 1, 1], [], []>, transpose_lhs_hint = false} : vector<1000x128xf32>, vector<128x256xf32>, vector<1000x256xf32> -> vector<1000x256xf32>
    %add3A = arith.addf %dot_general3A_5, %dot_general3A_13 : vector<1000x256xf32>
    %get3A_14 = arith.constant 0 : index
    %get3A_15 = arith.constant 0 : index
    %get3A_16 = vector.load %arg3[%get3A_14, %get3A_15] : memref<1000x128xf32, #tpu.memory_space<vmem>>, vector<1000x128xf32>
    %get3A_17 = arith.constant 0 : index
    %get3A_18 = arith.constant 0 : index
    %get3A_19 = vector.load %arg8[%get3A_17, %get3A_18] : memref<128x256xf32, #tpu.memory_space<vmem>>, vector<128x256xf32>
    %dot_general3A_20 = arith.constant dense<0.000000e+00> : vector<1000x256xf32>
    %dot_general3A_21 = tpu.matmul %get3A_16, %get3A_19, %dot_general3A_20 {dimension_numbers = #tpu.dot_dimension_numbers<[1], [0], [0], [1], [0, 0, 1, 1], [], []>, transpose_lhs_hint = false} : vector<1000x128xf32>, vector<128x256xf32>, vector<1000x256xf32> -> vector<1000x256xf32>
    %add3A_22 = arith.addf %add3A, %dot_general3A_21 : vector<1000x256xf32>
    %get3A_23 = arith.constant 0 : index
    %get3A_24 = arith.constant 0 : index
    %get3A_25 = vector.load %arg9[%get3A_23, %get3A_24] : memref<1x256xf32, #tpu.memory_space<vmem>>, vector<1x256xf32>
    %add3A_26 = vector.broadcast %get3A_25 : vector<1x256xf32> to vector<1000x256xf32>
    %add3A_27 = arith.addf %add3A_22, %add3A_26 : vector<1000x256xf32>
    %logistic3A = arith.negf %add3A_27 : vector<1000x256xf32>
    %logistic3A_28 = math.exp %logistic3A : vector<1000x256xf32>
    %logistic3A_29 = arith.constant 1.000000e+00 : f32
    %logistic3A_30 = vector.broadcast %logistic3A_29 : f32 to vector<1000x256xf32>
    %logistic3A_31 = arith.addf %logistic3A_30, %logistic3A_28 : vector<1000x256xf32>
    %logistic3A_32 = arith.divf %logistic3A_30, %logistic3A_31 : vector<1000x256xf32>
    %mul3A = arith.mulf %add3A_27, %logistic3A_32 : vector<1000x256xf32>
    %get3A_33 = arith.constant 0 : index
    %get3A_34 = arith.constant 0 : index
    %get3A_35 = vector.load %arg10[%get3A_33, %get3A_34] : memref<256x256xf32, #tpu.memory_space<vmem>>, vector<256x256xf32>
    %dot_general3A_36 = arith.constant dense<0.000000e+00> : vector<1000x256xf32>
    %dot_general3A_37 = tpu.matmul %mul3A, %get3A_35, %dot_general3A_36 {dimension_numbers = #tpu.dot_dimension_numbers<[1], [0], [0], [1], [0, 0, 1, 1], [], []>, transpose_lhs_hint = false} : vector<1000x256xf32>, vector<256x256xf32>, vector<1000x256xf32> -> vector<1000x256xf32>
    %add3A_38 = arith.addf %get3A_1, %dot_general3A_37 : vector<1000x256xf32>
    %get3A_39 = arith.constant 0 : index
    %get3A_40 = arith.constant 0 : index
    %get3A_41 = vector.load %arg11[%get3A_39, %get3A_40] : memref<1x256xf32, #tpu.memory_space<vmem>>, vector<1x256xf32>
    %add3A_42 = vector.broadcast %get3A_41 : vector<1x256xf32> to vector<1000x256xf32>
    %add3A_43 = arith.addf %add3A_38, %add3A_42 : vector<1000x256xf32>
    %swap3A = arith.constant 0 : index
    %swap3A_44 = arith.constant 0 : index
    %swap3A_45 = vector.load %arg16[%swap3A, %swap3A_44] : memref<1000x256xf32, #tpu.memory_space<vmem>>, vector<1000x256xf32>
    tpu.vector_store %arg16[%swap3A, %swap3A_44], %add3A_43 {strides = array<i32>} : memref<1000x256xf32, #tpu.memory_space<vmem>>, vector<1000x256xf32>,
    %get3A_46 = arith.constant 0 : index
    %get3A_47 = arith.constant 0 : index
    %get3A_48 = vector.load %arg4[%get3A_46, %get3A_47] : memref<1000x8xf32, #tpu.memory_space<vmem>>, vector<1000x3xf32>
    %get3A_49 = arith.constant 0 : index
    %get3A_50 = arith.constant 0 : index
    %get3A_51 = vector.load %arg5[%get3A_49, %get3A_50] : memref<1000x8xf32, #tpu.memory_space<vmem>>, vector<1000x3xf32>
    %get3A_52 = arith.constant 0 : index
    %get3A_53 = arith.constant 0 : index
    %get3A_54 = vector.load %arg13[%get3A_52, %get3A_53] : memref<1x8xf32, #tpu.memory_space<vmem>>, vector<1x3xf32>
    %slice3A = vector.extract_strided_slice %get3A_48 {offsets = [0, 0], sizes = [1000, 1], strides = [1, 1]} : vector<1000x3xf32> to vector<1000x1xf32>
    %get3A_55 = arith.constant 0 : index
    %get3A_56 = arith.constant 0 : index
    %get3A_57 = vector.load %arg12[%get3A_55, %get3A_56] : memref<8x8xf32, #tpu.memory_space<vmem>>, vector<1x3xf32>
    %mul3A_58 = vector.broadcast %slice3A : vector<1000x1xf32> to vector<1000x3xf32>
    %mul3A_59 = vector.broadcast %get3A_57 : vector<1x3xf32> to vector<1000x3xf32>
    %mul3A_60 = arith.mulf %mul3A_58, %mul3A_59 : vector<1000x3xf32>
    %add3A_61 = vector.broadcast %get3A_54 : vector<1x3xf32> to vector<1000x3xf32>
    %add3A_62 = arith.addf %add3A_61, %mul3A_60 : vector<1000x3xf32>
    %slice3A_63 = vector.extract_strided_slice %get3A_51 {offsets = [0, 0], sizes = [1000, 1], strides = [1, 1]} : vector<1000x3xf32> to vector<1000x1xf32>
    %get3A_64 = arith.constant 3 : index
    %get3A_65 = arith.constant 0 : index
    %get3A_66 = vector.load %arg12[%get3A_64, %get3A_65] : memref<8x8xf32, #tpu.memory_space<vmem>>, vector<1x3xf32>
    %mul3A_67 = vector.broadcast %slice3A_63 : vector<1000x1xf32> to vector<1000x3xf32>
    %mul3A_68 = vector.broadcast %get3A_66 : vector<1x3xf32> to vector<1000x3xf32>
    %mul3A_69 = arith.mulf %mul3A_67, %mul3A_68 : vector<1000x3xf32>
    %add3A_70 = arith.addf %add3A_62, %mul3A_69 : vector<1000x3xf32>
    %slice3A_71 = vector.extract_strided_slice %get3A_48 {offsets = [0, 1], sizes = [1000, 1], strides = [1, 1]} : vector<1000x3xf32> to vector<1000x1xf32>
    %get3A_72 = arith.constant 1 : index
    %get3A_73 = arith.constant 0 : index
    %get3A_74 = vector.load %arg12[%get3A_72, %get3A_73] : memref<8x8xf32, #tpu.memory_space<vmem>>, vector<1x3xf32>
    %mul3A_75 = vector.broadcast %slice3A_71 : vector<1000x1xf32> to vector<1000x3xf32>
    %mul3A_76 = vector.broadcast %get3A_74 : vector<1x3xf32> to vector<1000x3xf32>
    %mul3A_77 = arith.mulf %mul3A_75, %mul3A_76 : vector<1000x3xf32>
    %add3A_78 = arith.addf %add3A_70, %mul3A_77 : vector<1000x3xf32>
    %slice3A_79 = vector.extract_strided_slice %get3A_51 {offsets = [0, 1], sizes = [1000, 1], strides = [1, 1]} : vector<1000x3xf32> to vector<1000x1xf32>
    %get3A_80 = arith.constant 4 : index
    %get3A_81 = arith.constant 0 : index
    %get3A_82 = vector.load %arg12[%get3A_80, %get3A_81] : memref<8x8xf32, #tpu.memory_space<vmem>>, vector<1x3xf32>
    %mul3A_83 = vector.broadcast %slice3A_79 : vector<1000x1xf32> to vector<1000x3xf32>
    %mul3A_84 = vector.broadcast %get3A_82 : vector<1x3xf32> to vector<1000x3xf32>
    %mul3A_85 = arith.mulf %mul3A_83, %mul3A_84 : vector<1000x3xf32>
    %add3A_86 = arith.addf %add3A_78, %mul3A_85 : vector<1000x3xf32>
    %slice3A_87 = vector.extract_strided_slice %get3A_48 {offsets = [0, 2], sizes = [1000, 1], strides = [1, 1]} : vector<1000x3xf32> to vector<1000x1xf32>
    %get3A_88 = arith.constant 2 : index
    %get3A_89 = arith.constant 0 : index
    %get3A_90 = vector.load %arg12[%get3A_88, %get3A_89] : memref<8x8xf32, #tpu.memory_space<vmem>>, vector<1x3xf32>
    %mul3A_91 = vector.broadcast %slice3A_87 : vector<1000x1xf32> to vector<1000x3xf32>
    %mul3A_92 = vector.broadcast %get3A_90 : vector<1x3xf32> to vector<1000x3xf32>
    %mul3A_93 = arith.mulf %mul3A_91, %mul3A_92 : vector<1000x3xf32>
    %add3A_94 = arith.addf %add3A_86, %mul3A_93 : vector<1000x3xf32>
    %slice3A_95 = vector.extract_strided_slice %get3A_51 {offsets = [0, 2], sizes = [1000, 1], strides = [1, 1]} : vector<1000x3xf32> to vector<1000x1xf32>
    %get3A_96 = arith.constant 5 : index
    %get3A_97 = arith.constant 0 : index
    %get3A_98 = vector.load %arg12[%get3A_96, %get3A_97] : memref<8x8xf32, #tpu.memory_space<vmem>>, vector<1x3xf32>
    %mul3A_99 = vector.broadcast %slice3A_95 : vector<1000x1xf32> to vector<1000x3xf32>
    %mul3A_100 = vector.broadcast %get3A_98 : vector<1x3xf32> to vector<1000x3xf32>
    %mul3A_101 = arith.mulf %mul3A_99, %mul3A_100 : vector<1000x3xf32>
    %add3A_102 = arith.addf %add3A_94, %mul3A_101 : vector<1000x3xf32>
    %logistic3A_103 = arith.negf %add3A_102 : vector<1000x3xf32>
    %logistic3A_104 = math.exp %logistic3A_103 : vector<1000x3xf32>
    %logistic3A_105 = arith.constant 1.000000e+00 : f32
    %logistic3A_106 = vector.broadcast %logistic3A_105 : f32 to vector<1000x3xf32>
    %logistic3A_107 = arith.addf %logistic3A_106, %logistic3A_104 : vector<1000x3xf32>
    %logistic3A_108 = arith.divf %logistic3A_106, %logistic3A_107 : vector<1000x3xf32>
    %mul3A_109 = arith.mulf %add3A_102, %logistic3A_108 : vector<1000x3xf32>
    %slice3A_110 = vector.extract_strided_slice %mul3A_109 {offsets = [0, 0], sizes = [1000, 1], strides = [1, 1]} : vector<1000x3xf32> to vector<1000x1xf32>
    %get3A_111 = arith.constant 0 : index
    %get3A_112 = arith.constant 0 : index
    %get3A_113 = vector.load %arg14[%get3A_111, %get3A_112] : memref<8x8xf32, #tpu.memory_space<vmem>>, vector<1x3xf32>
    %mul3A_114 = vector.broadcast %slice3A_110 : vector<1000x1xf32> to vector<1000x3xf32>
    %mul3A_115 = vector.broadcast %get3A_113 : vector<1x3xf32> to vector<1000x3xf32>
    %mul3A_116 = arith.mulf %mul3A_114, %mul3A_115 : vector<1000x3xf32>
    %slice3A_117 = vector.extract_strided_slice %mul3A_109 {offsets = [0, 1], sizes = [1000, 1], strides = [1, 1]} : vector<1000x3xf32> to vector<1000x1xf32>
    %get3A_118 = arith.constant 1 : index
    %get3A_119 = arith.constant 0 : index
    %get3A_120 = vector.load %arg14[%get3A_118, %get3A_119] : memref<8x8xf32, #tpu.memory_space<vmem>>, vector<1x3xf32>
    %mul3A_121 = vector.broadcast %slice3A_117 : vector<1000x1xf32> to vector<1000x3xf32>
    %mul3A_122 = vector.broadcast %get3A_120 : vector<1x3xf32> to vector<1000x3xf32>
    %mul3A_123 = arith.mulf %mul3A_121, %mul3A_122 : vector<1000x3xf32>
    %add3A_124 = arith.addf %mul3A_116, %mul3A_123 : vector<1000x3xf32>
    %slice3A_125 = vector.extract_strided_slice %mul3A_109 {offsets = [0, 2], sizes = [1000, 1], strides = [1, 1]} : vector<1000x3xf32> to vector<1000x1xf32>
    %get3A_126 = arith.constant 2 : index
    %get3A_127 = arith.constant 0 : index
    %get3A_128 = vector.load %arg14[%get3A_126, %get3A_127] : memref<8x8xf32, #tpu.memory_space<vmem>>, vector<1x3xf32>
    %mul3A_129 = vector.broadcast %slice3A_125 : vector<1000x1xf32> to vector<1000x3xf32>
    %mul3A_130 = vector.broadcast %get3A_128 : vector<1x3xf32> to vector<1000x3xf32>
    %mul3A_131 = arith.mulf %mul3A_129, %mul3A_130 : vector<1000x3xf32>
    %add3A_132 = arith.addf %add3A_124, %mul3A_131 : vector<1000x3xf32>
    %get3A_133 = arith.constant 0 : index
    %get3A_134 = arith.constant 0 : index
    %get3A_135 = vector.load %arg15[%get3A_133, %get3A_134] : memref<1x8xf32, #tpu.memory_space<vmem>>, vector<1x3xf32>
    %add3A_136 = vector.broadcast %get3A_135 : vector<1x3xf32> to vector<1000x3xf32>
    %add3A_137 = arith.addf %add3A_132, %add3A_136 : vector<1000x3xf32>
    %add3A_138 = arith.addf %get3A_48, %add3A_137 : vector<1000x3xf32>
    %broadcast_in_dim3A = arith.constant 0.000000e+00 : f32
    %broadcast_in_dim3A_139 = vector.broadcast %broadcast_in_dim3A : f32 to vector<1000x5xf32>
    %concatenate3A = tpu.concatenate %add3A_138, %broadcast_in_dim3A_139 in 1 : vector<1000x3xf32>, vector<1000x5xf32> -> vector<1000x8xf32>
    %swap3A_140 = arith.constant 0 : index
    %swap3A_141 = arith.constant 0 : index
    %swap3A_142 = vector.load %arg17[%swap3A_140, %swap3A_141] : memref<1000x8xf32, #tpu.memory_space<vmem>>, vector<1000x8xf32>
    tpu.vector_store %arg17[%swap3A_140, %swap3A_141], %concatenate3A {strides = array<i32>} : memref<1000x8xf32, #tpu.memory_space<vmem>>, vector<1000x8xf32>,
    return
  }
  func.func @transform_0(%arg0: i32) -> (i32, i32) {
    %c0_i32 = arith.constant 0 : i32
    %c0_i32_0 = arith.constant 0 : i32
    return %arg0, %c0_i32 : i32, i32
  }
  func.func @transform_1(%arg0: i32) -> (i32, i32) {
    %c0_i32 = arith.constant 0 : i32
    %c0_i32_0 = arith.constant 0 : i32
    return %arg0, %c0_i32 : i32, i32
  }
  func.func @transform_2(%arg0: i32) -> (i32, i32) {
    %c0_i32 = arith.constant 0 : i32
    %c0_i32_0 = arith.constant 0 : i32
    return %arg0, %c0_i32 : i32, i32
  }
  func.func @transform_3(%arg0: i32) -> (i32, i32) {
    %c0_i32 = arith.constant 0 : i32
    %c0_i32_0 = arith.constant 0 : i32
    return %arg0, %c0_i32 : i32, i32
  }
  func.func @transform_4(%arg0: i32) -> (i32, i32) {
    %c0_i32 = arith.constant 0 : i32
    %c0_i32_0 = arith.constant 0 : i32
    return %arg0, %c0_i32 : i32, i32
  }
  func.func @transform_5(%arg0: i32) -> (i32, i32) {
    %c0_i32 = arith.constant 0 : i32
    %c0_i32_0 = arith.constant 0 : i32
    %c0_i32_1 = arith.constant 0 : i32
    return %c0_i32, %c0_i32_0 : i32, i32
  }
  func.func @transform_6(%arg0: i32) -> (i32, i32) {
    %c0_i32 = arith.constant 0 : i32
    %c0_i32_0 = arith.constant 0 : i32
    %c0_i32_1 = arith.constant 0 : i32
    return %c0_i32, %c0_i32_0 : i32, i32
  }
  func.func @transform_7(%arg0: i32) -> (i32, i32) {
    %c0_i32 = arith.constant 0 : i32
    %c0_i32_0 = arith.constant 0 : i32
    %c0_i32_1 = arith.constant 0 : i32
    return %c0_i32, %c0_i32_0 : i32, i32
  }
  func.func @transform_8(%arg0: i32) -> (i32, i32) {
    %c0_i32 = arith.constant 0 : i32
    %c0_i32_0 = arith.constant 0 : i32
    %c0_i32_1 = arith.constant 0 : i32
    return %c0_i32, %c0_i32_0 : i32, i32
  }
  func.func @transform_9(%arg0: i32) -> (i32, i32) {
    %c0_i32 = arith.constant 0 : i32
    %c0_i32_0 = arith.constant 0 : i32
    %c0_i32_1 = arith.constant 0 : i32
    return %c0_i32, %c0_i32_0 : i32, i32
  }
  func.func @transform_10(%arg0: i32) -> (i32, i32) {
    %c0_i32 = arith.constant 0 : i32
    %c0_i32_0 = arith.constant 0 : i32
    %c0_i32_1 = arith.constant 0 : i32
    return %c0_i32, %c0_i32_0 : i32, i32
  }
  func.func @transform_11(%arg0: i32) -> (i32, i32) {
    %c0_i32 = arith.constant 0 : i32
    %c0_i32_0 = arith.constant 0 : i32
    %c0_i32_1 = arith.constant 0 : i32
    return %c0_i32, %c0_i32_0 : i32, i32
  }
  func.func @transform_12(%arg0: i32) -> (i32, i32) {
    %c0_i32 = arith.constant 0 : i32
    %c0_i32_0 = arith.constant 0 : i32
    %c0_i32_1 = arith.constant 0 : i32
    return %c0_i32, %c0_i32_0 : i32, i32
  }
  func.func @transform_13(%arg0: i32) -> (i32, i32) {
    %c0_i32 = arith.constant 0 : i32
    %c0_i32_0 = arith.constant 0 : i32
    %c0_i32_1 = arith.constant 0 : i32
    return %c0_i32, %c0_i32_0 : i32, i32
  }
  func.func @transform_14(%arg0: i32) -> (i32, i32) {
    %c0_i32 = arith.constant 0 : i32
    %c0_i32_0 = arith.constant 0 : i32
    %c0_i32_1 = arith.constant 0 : i32
    return %c0_i32, %c0_i32_0 : i32, i32
  }
  func.func @transform_15(%arg0: i32) -> (i32, i32) {
    %c0_i32 = arith.constant 0 : i32
    %c0_i32_0 = arith.constant 0 : i32
    return %arg0, %c0_i32 : i32, i32
  }
  func.func @transform_16(%arg0: i32) -> (i32, i32) {
    %c0_i32 = arith.constant 0 : i32
    %c0_i32_0 = arith.constant 0 : i32
    return %arg0, %c0_i32 : i32, i32
  }
}

</mosaic_0001>

<sc_bundles>
// kernel: kernel.11.cloned.1.call-start
scs
__scs_entry_jumppad:
0x0: {  	(pc) =	sbr.rel $0x88, $3  }
0x1: {  	(tag) =	ssettag $0x0;
	lr =	simm.s32 $0x1  }
0x2: {  	[smem:$0x3F8C] =	sst lr;
	_ =	strace $0xD0000000  }
0x3: {  	_ = 	snop  }
0x4: {  	_ = 	snop  }
0x5: {  	_ = 	snop  }
0x6: {  	_ = 	snop  }
0x7: {  	_ = 	snop  }
__scs_overlays_trampoline_lowered:
0x8: {  	[smem:$0x3F9B] =	sst s0  }
0x9: {  	[smem:$0x3F9C] =	sst s1  }
0xa: {  	[smem:$0x3F9D] =	sst s2  }
0xb: {  	[smem:$0x3F9E] =	sst s3  }
0xc: {  	[smem:$0x3F9F] =	sst s4  }
0xd: {  	[smem:$0x3FA0] =	sst s5  }
0xe: {  	[smem:$0x3FA1] =	sst s6  }
0xf: {  	[smem:$0x3FA2] =	sst s7  }
0x10: {  	[smem:$0x3FA3] =	sst s8  }
0x11: {  	[smem:$0x3FA4] =	sst s9;
	s0 =	simm.s32 @!p0 $0x0  }
0x12: {  	s1 =	sld [smem:$0x3F8A];
	s0 =	simm.s32 @p0 $0x1  }
0x13: {  	[smem:$0x3FA5] =	sst s0;
	s0 =	simm.s32 @!p1 $0x0  }
0x14: {  	s2 =	sld [smem:$0x3F89];
	s0 =	simm.s32 @p1 $0x1  }
0x15: {  	[smem:$0x3FA6] =	sst s0;
	s0 =	simm.s32 @!p2 $0x0  }
0x16: {  	s3 =	sld [smem:$0x3FDB];
	s0 =	simm.s32 @p2 $0x1  }
0x17: {  	s4 =	simm.s32 $0x1BF5;
	[smem:$0x3FA8] =	sst s0  }
0x18: {  	s0 =	sld [smem:$0x3F8B];
	_ =	swait.ge [sflag:s4], $0x0  }
0x19: {  	s7 =	sld [smem:$0x3F8C]  }
0x1a: {  	s8 =	sadd.s32 $0xFFFFE003, lr  }
0x1b: {  	s9 =	sadd.s32 $0xFFFFFEF7, lr;
	s5 =	simm.s32 $0xFFFFFFFF;
	p2 =	slt.u32 s8, $0xFFFFF086  }
0x1c: {  	p1 =	slt.u32 s9, $0xF7A;
	s5 =	simm.s32 @!p2 $0x0  }
0x1d: {  	s5 =	simm.s32 @p1 $0x1;
	p0 =	seq.s32 s7, s2  }
0x1e: {  	s7 =	smul.u32 @!p0 $0xF7A, s2;
	p2 =	seq.s32 @!p0 s5, $0x0  }
0x1f: {  	s9 =	smul.u32 $0xF7A, s1;
	s8 =	simm.s32 @!p0 $0x1BF5;
	p2 =	por !p2, p0  }
0x20: {  	[sflag:s8] =	ssyncset.s32 @!p0 $0xFFFFF086;
	s6 =	sadd.s32 @!p0 s3, s7;
	s7 =	simm.s32 @!p0 $0x108  }
0x21: {  	s3 =	sadd.s32 s3, s9;
	s6 =	sadd.s32 @!p0 $0x88, s6;
	s7 =	simm.s32 @p2 $0x1082  }
0x22: {  	[simem:s7], [sflag:s8] =	dma.local @!p0 [hbm:s6], $0xF7A  }
0x23: {  	s9 =	sor.u32 $0xD0000000, s2;
	s6 =	simm.s32 $0x108;
	_ =	swait.ge @!p0 [sflag:s8], $0x0  }
0x24: {  	s3 =	sadd.s32 $0x88, s3;
	s6 =	simm.s32 @!p1 $0x1082;
	[sflag:s4] =	ssyncset.s32 $0xFFFFF086  }
0x25: {  	[simem:s6], [sflag:s4] =	dma.local [hbm:s3], $0xF7A  }
0x26: {  	[smem:$0x3F8C] =	sst s1;
	(tag) =	ssettag s2;
	_ =	strace s9  }
0x27: {  	s1 =	sld [smem:$0x3F9C]  }
0x28: {  	s2 =	sld [smem:$0x3F9D]  }
0x29: {  	s4 =	sld [smem:$0x3F9F]  }
0x2a: {  	p0 =	seq.s32 s5, $0x0;
	s5 =	sld [smem:$0x3FA0]  }
0x2b: {  	s6 =	sld [smem:$0x3FA1]  }
0x2c: {  	s7 =	sld [smem:$0x3FA2]  }
0x2d: {  	s3 =	simm.s32 $0x108;
	s8 =	sld [smem:$0x3FA3]  }
0x2e: {  	s3 =	simm.s32 @!p0 $0x1082;
	s9 =	sld [smem:$0x3FA4]  }
0x2f: {  	lr =	sadd.s32 s0, s3;
	s0 =	sld [smem:$0x3F9B]  }
0x30: {  	s3 =	sld [smem:$0x3F9E]  }
0x31: {  	[smem:$0x3FA7] =	sst s10  }
0x32: {  	s10 =	sld [smem:$0x3FA5];
	_ =	sdelay $0x3  }
0x33: {  	p0 =	seq.s32 s10, $0x1;
	s10 =	sld [smem:$0x3FA7];
	_ =	sdelay $0x3  }
0x34: {  	[smem:$0x3FA7] =	sst s10  }
0x35: {  	s10 =	sld [smem:$0x3FA6];
	_ =	sdelay $0x3  }
0x36: {  	p1 =	seq.s32 s10, $0x1;
	s10 =	sld [smem:$0x3FA7];
	_ =	sdelay $0x3  }
0x37: {  	[smem:$0x3FA7] =	sst s10  }
0x38: {  	s10 =	sld [smem:$0x3FA8]  }
0x39: {  	_ = 	snop;
	(pc) =	sbr.ind lr, $3  }
0x3a: {  	_ = 	snop  }
0x3b: {  	_ = 	snop  }
0x3c: {  	p2 =	seq.s32 s10, $0x1;
	s10 =	sld [smem:$0x3FA7]  }
0x3d: {  	_ =	shalt  }
0x3e: {  	_ =	shalt  }
0x3f: {  	_ =	shalt  }
0x40: {  	_ =	shalt  }
0x41: {  	_ =	shalt  }
0x42: {  	_ =	shalt  }
0x43: {  	_ =	shalt  }
0x44: {  	_ =	shalt  }
0x45: {  	_ =	shalt  }
0x46: {  	_ =	shalt  }
0x47: {  	_ =	shalt  }
0x48: {  	_ =	shalt  }
0x49: {  	_ =	shalt  }
0x4a: {  	_ =	shalt  }
0x4b: {  	_ =	shalt  }
0x4c: {  	_ =	shalt  }
0x4d: {  	_ =	shalt  }
0x4e: {  	_ =	shalt  }
0x4f: {  	_ =	shalt  }
0x50: {  	_ =	shalt  }
0x51: {  	_ =	shalt  }
0x52: {  	_ =	shalt  }
0x53: {  	_ =	shalt  }
0x54: {  	_ =	shalt  }
0x55: {  	_ =	shalt  }
0x56: {  	_ =	shalt  }
0x57: {  	_ =	shalt  }
0x58: {  	_ =	shalt  }
0x59: {  	_ =	shalt  }
0x5a: {  	_ =	shalt  }
0x5b: {  	_ =	shalt  }
0x5c: {  	_ =	shalt  }
0x5d: {  	_ =	shalt  }
0x5e: {  	_ =	shalt  }
0x5f: {  	_ =	shalt  }
0x60: {  	_ =	shalt  }
0x61: {  	_ =	shalt  }
0x62: {  	_ =	shalt  }
0x63: {  	_ =	shalt  }
0x64: {  	_ =	shalt  }
0x65: {  	_ =	shalt  }
0x66: {  	_ =	shalt  }
0x67: {  	_ =	shalt  }
0x68: {  	_ =	shalt  }
0x69: {  	_ =	shalt  }
0x6a: {  	_ =	shalt  }
0x6b: {  	_ =	shalt  }
0x6c: {  	_ =	shalt  }
0x6d: {  	_ =	shalt  }
0x6e: {  	_ =	shalt  }
0x6f: {  	_ =	shalt  }
0x70: {  	_ =	shalt  }
0x71: {  	_ =	shalt  }
0x72: {  	_ =	shalt  }
0x73: {  	_ =	shalt  }
0x74: {  	_ =	shalt  }
0x75: {  	_ =	shalt  }
0x76: {  	_ =	shalt  }
0x77: {  	_ =	shalt  }
0x78: {  	_ =	shalt  }
0x79: {  	_ =	shalt  }
0x7a: {  	_ =	shalt  }
0x7b: {  	_ =	shalt  }
0x7c: {  	_ =	shalt  }
0x7d: {  	_ =	shalt  }
0x7e: {  	_ =	shalt  }
0x7f: {  	_ =	shalt  }
0x80: {  	_ =	shalt  }
0x81: {  	_ =	shalt  }
0x82: {  	_ =	shalt  }
0x83: {  	_ =	shalt  }
0x84: {  	_ =	shalt  }
0x85: {  	_ =	shalt  }
0x86: {  	_ =	shalt  }
0x87: {  	_ =	shalt  }
.Lfunc_end0:
.L_simem_size_0:
called_computation.1_lowered:
.L_overlay_start_0:
0x88: {  	s2 =	sld [smem:$0x3FD9]  }
0x89: {  	s3 =	sld [smem:$0x3FFE];
	_ =	sdelay $0x1  }
0x8a: {  	s1 =	srdreg.scid  }
0x8b: {  	s0 =	sand.u32 $0x1, s1  }
0x8c: {  	s14 =	sshll.u32 s0, $0xA;
	s2 =	sadd.s32 s3, s2  }
0x8d: {  	s2 =	sadd.s32 s2, s14  }
0x8e: {  	[smem:$0x3FB3] =	sst s2  }
0x8f: {  	_ = 	snop  }
0x90: {  	s2 =	sld [smem:$0x3FD0];
	_ =	sdelay $0x2  }
0x91: {  	s15 =	simm.s32 $0xB;
	s4 =	simm.s32 $0x10  }
0x92: {  	[smem:s4], [sflag:s15] =	dma.local [hbm:s2], $0x1  }
0x93: {  	_ =	swait.eq [sflag:s15], $0x1  }
0x94: {  	[sflag:s15] =	ssyncset.done $0x0  }
0x95: {  	[sflag:s15] =	ssyncadd.s32 $0xFFFFFFFF  }
0x96: {  	s16 =	sld [smem:$0x11];
	(tm) =	ssettm $0x1  }
0x97: {  	s17 =	sld [smem:$0x3FFB];
	_ =	sdelay $0x3  }
0x98: {  	_ =	strace s17  }
0x99: {  	s3 =	sld [smem:$0x3FFC];
	_ =	sdelay $0x3  }
0x9a: {  	_ =	strace s3  }
0x9b: {  	s3 =	sld [smem:$0x3FFD];
	_ =	sdelay $0x3  }
0x9c: {  	_ =	strace s3  }
0x9d: {  	_ =	strace $0x8FFFFFFF  }
0x9e: {  	s18 =	sld [smem:$0x3FDB];
	_ =	sdelay $0x1  }
0x9f: {  	s19 =	simm.s32 $_scs_section_size  }
0xa0: {  	s5 =	simm.s32 $_size__tile_overlayer_lowered;
	s6 =	simm.s32 $_tile_overlayer_lowered  }
0xa1: {  	s22 =	simm.s32 $0x1BFF;
	s21 =	sshll.u32 s6, $0x1;
	s3 =	sadd.s32 s19, s18  }
0xa2: {  	s7 =	simm.s32 $0x0;
	s20 =	sshll.u32 s5, $0x1;
	s5 =	sadd.s32 s21, s3  }
0xa3: {  	[timem:s7], [sflag:s22] =	dma.local [hbm:s5], s20  }
0xa4: {  	_ =	swait.ge [sflag:s22], s20  }
0xa5: {  	s4 =	ssub.s32 $0x0, s20;
	[sflag:s22] =	ssyncset.done $0x0  }
0xa6: {  	[sflag:s22] =	ssyncadd.s32 s4;
	_ =	sdelay $0x1  }
0xa7: {  	s23 =	simm.s32 $0x1B8B  }
0xa8: {  	_ =	swait.ge [sflag:s23], $0x1  }
0xa9: {  	[sflag:s23] =	ssyncset.done $0x0  }
0xaa: {  	s25 =	simm.s32 $0x1B8E;
	s24 =	sld [smem:$0x3FFE];
	[sflag:s23] =	ssyncadd.s32 $0xFFFFFFFF  }
0xab: {  	s26 =	simm.s32 $execute0_lowered;
	[smem:$0x3FD2] =	sst s25  }
0xac: {  	s5 =	sshll.u32 s26, $0x1;
	_ =	strace $0x80000046;
	[dreg:$0x1] =	wrdreg $0xFFFFFFFF  }
0xad: {  	s28 =	simm.s32 $_size_execute0_lowered;
	s3 =	sadd.s32 s3, s5;
	[dreg:$0x0] =	wrdreg $0x0  }
0xae: {  	s5 =	sshll.u32 s28, $0x1;
	[dreg:$0x2] =	wrdreg s3  }
0xaf: {  	[dreg:$0x3] =	wrdreg s5  }
0xb0: {  	[dreg:$0x4] =	wrdreg $0xC0  }
0xb1: {  	_ =	task [dreg:s7], $0x5FFFF  }
0xb2: {  	[dreg:$0x1] =	wrdreg $0xFFFFFFFF  }
0xb3: {  	[dreg:$0x0] =	wrdreg $0x60  }
0xb4: {  	[dreg:$0x2] =	wrdreg s24  }
0xb5: {  	[dreg:$0x3] =	wrdreg s16  }
0xb6: {  	[dreg:$0x4] =	wrdreg $0xA  }
0xb7: {  	_ =	task.clear_ibuf [dreg:s7], $0x5FFFF;
	_ =	strace $0x90000046  }
0xb8: {  	s29 =	simm.s32 $0xA;
	_ =	strace $0x80000048  }
0xb9: {  	_ =	swait.ge [sflag:s29], $0x1  }
0xba: {  	[sflag:s29] =	ssyncadd.s32 $0xFFFFFFFF  }
0xbb: {  	_ =	strace $0x90000048  }
0xbc: {  	_ =	sfence  }
0xbd: {  	s30 =	sld [smem:$0x0];
	_ =	sdelay $0x2  }
0xbe: {  	s31 =	sshll.u32 s1, $0xD;
	s1 =	sshrl.u32 s1, $0x2  }
0xbf: {  	s3 =	sand.u32 $0x4000, s31;
	s1 =	sadd.s32 s1, s30  }
0xc0: {  	s0 =	sor.u32 s3, s0;
	s1 =	sshll.u32 s1, $0x11  }
0xc1: {  	s0 =	sor.u32 s1, s0  }
0xc2: {  	s0 =	sadd.s32 $0x8F2B, s0  }
0xc3: {  	[sflag:s0] =	ssyncadd.remote.s32 $0x1  }
0xc4: {  	_ =	sfence.sel $0xFFFF  }
0xc5: {  	[dreg:$0x0] =	wrdreg $0xFFFFFFFF;
	(pc) =	sbr.abs _section_cstart, $3  }
0xc6: {  	[dreg:$0x1] =	wrdreg $0xFFFFFFFF  }
0xc7: {  	_ =	task.clear_ibuf [dreg:s7], $0x2FFFF;
	_ =	strace $0x9FFFFFFF  }
0xc8: {  	(tm) =	ssettm $0x7FFFFFFF  }
0xc9: {  	_ =	shalt  }
tec
execute0_lowered:
.L_overlay_start_1:
0x0: {  	(tag) =	ssettag $0x1  }
0x1: {  	s8 =	rddreg [dreg:$0x0]  }
0x2: {  	s1 =	rddreg [dreg:$0x1]  }
0x3: {  	s0 =	rddreg [dreg:$0x2];
	s2 =	simm.s32 $0x0;
	s3 =	srdreg.scid  }
0x4: {  	s12 =	simm.s32 $0x7580;
	s13 =	simm.s32 $0xEB00;
	s14 =	simm.s32 $0x16880  }
0x5: {  	s15 =	simm.s32 $0x0;
	[smem:$0x7FF] =	sst s2;
	s7 =	sand.u32 $0x1, s3  }
0x6: {  	v0 =	vlaneseq.u32;
	s4 =	sadd.s32 $0x7EA00, s8;
	s3 =	stileid.u32;
	s5 =	sadd.s32 $0x79A00, s8  }
0x7: {  	s6 =	sadd.s32 $0x81600, s8;
	v0 =	vmul.u32 $0x8, v0;
	s9 =	ssub.s32 $0x2, s7;
	s11 =	sshll.u32 s3, $0x1  }
0x8: {  	_ =	strace $0x80000047;
	s10 =	sshrl.u32 s9, $0x1;
	s31 =	sor.u32 s7, s11  }
0x9: {  	s7 =	sadd.s32 $0x7F8A6, s8;
	s8 =	sadd.s32 $0x8074C, s8;
	v1 =	vadd.s32 $0x1EC0, v0;
	s10 =	ssub.s32 s9, s10  }
0xa: {  	s11 =	simm.s32 $0x1;
	v2 =	vadd.s32 $0x1EC1, v0;
	v3 =	vadd.s32 $0x1EC2, v0;
	v4 =	vadd.s32 $0x1EC3, v0;
	s9 =	smul.u32 $0x5, s31;
	s10 =	smax.u32 s10, $0x1  }
.LBB2_1:
0xb: {  	[tilespmem:s2], [sflag:$0x1] =	stream.linear.gather [hbm4b:s4+s2], $0x7530, $0x38;
	[tilespmem:$0x18800] =	vst v63  }
0xc: {  	_ =	swait.ge [sflag:s11], $0x7530  }
0xd: {  	[sflag:s11] =	ssyncset.done $0x0  }
0xe: {  	[sflag:s11] =	ssyncadd.s32 $0xFFFF8AD0  }
0xf: {  	[tilespmem:s12], [sflag:$0x1] =	stream.linear.gather [hbm4b:s7+s2], $0x7530, $0x38;
	[tilespmem:$0x18800] =	vst v63  }
0x10: {  	_ =	swait.ge [sflag:s11], $0x7530  }
0x11: {  	[sflag:s11] =	ssyncset.done $0x0  }
0x12: {  	[sflag:s11] =	ssyncadd.s32 $0xFFFF8AD0  }
0x13: {  	[tilespmem:s13], [sflag:$0x1] =	stream.linear.gather [hbm4b:s8+s2], $0x7530, $0x38;
	[tilespmem:$0x18800] =	vst v63  }
0x14: {  	_ =	swait.ge [sflag:s11], $0x7530  }
0x15: {  	[sflag:s11] =	ssyncset.done $0x0  }
0x16: {  	s16 =	simm.s32 $0x0;
	[sflag:s11] =	ssyncadd.s32 $0xFFFF8AD0  }
.LBB2_2:
0x17: {  	s17 =	sadd.s32 s9, s16  }
0x18: {  	s19 =	smul.u32 $0x7D, s17;
	_ =	sdelay $0x1  }
0x19: {  	s21 =	simm.s32 $0x0;
	s18 =	simm.s32 $0x16080;
	s20 =	sadd.s32 s5, s19  }
0x1a: {  	[tilespmem:s18], [sflag:$0x1] =	stream.linear.gather [hbm4b:s20+s21], $0x3E8, $0x38;
	[tilespmem:$0x18800] =	vst v63  }
0x1b: {  	_ =	swait.ge [sflag:s11], $0x3E8  }
0x1c: {  	[sflag:s11] =	ssyncset.done $0x0  }
0x1d: {  	s31 =	sadd.s32 s1, s19;
	s19 =	simm.s32 $0x16480;
	[sflag:s11] =	ssyncadd.s32 $0xFFFFFC18  }
0x1e: {  	[tilespmem:s19], [sflag:$0x1] =	stream.linear.gather [hbm4b:s31+s21], $0x3E8, $0x38;
	[tilespmem:$0x18800] =	vst v63  }
0x1f: {  	_ =	swait.ge [sflag:s11], $0x3E8  }
0x20: {  	[sflag:s11] =	ssyncset.done $0x0  }
0x21: {  	[sflag:s11] =	ssyncadd.s32 $0xFFFFFC18  }
0x22: {  	v5 =	vld [tilespmem:s19+$0x0]  }
0x23: {  	v6 =	vld [tilespmem:s18+$0x0];
	_ =	sdelay $0x3  }
0x24: {  	v7 =	vmul.u32 $0x3, v5  }
0x25: {  	v8 =	vmul.u32 $0x3, v6;
	_ =	sdelay $0x1  }
0x26: {  	v6 =	vadd.s32 $0x1, v7  }
0x27: {  	v9 =	vadd.s32 $0x1, v8  }
0x28: {  	v5 =	vadd.s32 $0x2, v7  }
0x29: {  	v12 =	vadd.s32 $0x2, v8;
	v10 =	vld.idx.msk [tilespmem:v7+s2+$0x0], $0xffff  }
0x2a: {  	v13 =	vld.idx.msk [tilespmem:v8+s2+$0x0], $0xffff  }
0x2b: {  	v11 =	vld.idx.msk [tilespmem:v6+s2+$0x0], $0xffff  }
0x2c: {  	v14 =	vld.idx.msk [tilespmem:v9+s2+$0x0], $0xffff  }
0x2d: {  	v15 =	vld.idx.msk [tilespmem:v5+s2+$0x0], $0xffff  }
0x2e: {  	v16 =	vld.idx.msk [tilespmem:v12+s2+$0x0], $0xffff;
	_ =	sdelay $0x3  }
0x2f: {  	v5 =	vld.idx.msk [tilespmem:v5+s13+$0x0], $0xffff;
	v10 =	vsub.f32 v13, v10;
	v11 =	vsub.f32 v14, v11  }
0x30: {  	v6 =	vld.idx.msk [tilespmem:v6+s13+$0x0], $0xffff;
	v13 =	vmov s21;
	v14 =	vsub.f32 v16, v15  }
0x31: {  	v15 =	vmul.f32 v10, v10;
	v10 =	vld.idx.msk [tilespmem:v7+s13+$0x0], $0xffff;
	v16 =	vmul.f32 v11, v11;
	v11 =	vshll.u32 v13, $0x3  }
0x32: {  	v7 =	vadd.s32 v0, v11;
	v11 =	vld.idx.msk [tilespmem:v8+s12+$0x0], $0xffff  }
0x33: {  	v13 =	vadd.f32 v16, v15;
	v15 =	vmul.f32 v14, v14;
	v14 =	vld.idx.msk [tilespmem:v9+s12+$0x0], $0xffff  }
0x34: {  	v12 =	vld.idx.msk [tilespmem:v12+s12+$0x0], $0xffff;
	v8 =	vor.u32 $0x1, v7  }
0x35: {  	v9 =	vor.u32 $0x2, v7  }
0x36: {  	s20 =	simm.s32 $0x10;
	v15 =	vadd.f32 v15, v13;
	v13 =	vor.u32 $0x3, v7  }
.LBB2_3:
0x37: {  	p0 =	sne.s32 s20, $0x3D0;
	v10 =	vadd.f32 v10, v11;
	s19 =	sadd.s32 $0x10, s19;
	s18 =	sadd.s32 $0x10, s18  }
0x38: {  	v6 =	vadd.f32 v6, v14;
	s21 =	smov.u32 s20;
	s20 =	sadd.s32 $0x10, s20;
	[tilespmem:v7+s14+$0x0] =	vst.idx.msk $0xffff, v15  }
0x39: {  	v5 =	vadd.f32 v5, v12;
	[tilespmem:v8+s14+$0x0] =	vst.idx.msk $0xffff, v10  }
0x3a: {  	[tilespmem:v9+s14+$0x0] =	vst.idx.msk $0xffff, v6  }
0x3b: {  	[tilespmem:v13+s14+$0x0] =	vst.idx.msk $0xffff, v5  }
0x3c: {  	v5 =	vld [tilespmem:s19+$0x0]  }
0x3d: {  	v6 =	vld [tilespmem:s18+$0x0];
	_ =	sdelay $0x3  }
0x3e: {  	v7 =	vmul.u32 $0x3, v5  }
0x3f: {  	v8 =	vmul.u32 $0x3, v6  }
0x40: {  	v6 =	vadd.s32 $0x1, v7;
	v5 =	vadd.s32 $0x2, v7  }
0x41: {  	v12 =	vadd.s32 $0x1, v8;
	v13 =	vadd.s32 $0x2, v8;
	_ =	sdelay $0x2  }
0x42: {  	v9 =	vld.idx.msk [tilespmem:v7+s2+$0x0], $0xffff  }
0x43: {  	v10 =	vld.idx.msk [tilespmem:v6+s2+$0x0], $0xffff  }
0x44: {  	v11 =	vld.idx.msk [tilespmem:v8+s2+$0x0], $0xffff  }
0x45: {  	v14 =	vld.idx.msk [tilespmem:v12+s2+$0x0], $0xffff  }
0x46: {  	v15 =	vld.idx.msk [tilespmem:v5+s2+$0x0], $0xffff  }
0x47: {  	v16 =	vld.idx.msk [tilespmem:v13+s2+$0x0], $0xffff  }
0x48: {  	v17 =	vmov s21  }
0x49: {  	v5 =	vld.idx.msk [tilespmem:v5+s13+$0x0], $0xffff  }
0x4a: {  	v18 =	vsub.f32 v11, v9;
	v9 =	vshll.u32 v17, $0x3;
	v6 =	vld.idx.msk [tilespmem:v6+s13+$0x0], $0xffff  }
0x4b: {  	v14 =	vsub.f32 v14, v10;
	v10 =	vld.idx.msk [tilespmem:v7+s13+$0x0], $0xffff;
	v7 =	vadd.s32 v0, v9  }
0x4c: {  	v11 =	vld.idx.msk [tilespmem:v8+s12+$0x0], $0xffff;
	v8 =	vor.u32 $0x1, v7;
	v9 =	vor.u32 $0x2, v7  }
.Ltmp0:
0x4d: {  	v15 =	vsub.f32 v16, v15;
	v16 =	vmul.f32 v18, v18;
	v17 =	vmul.f32 v14, v14;
	v14 =	vld.idx.msk [tilespmem:v12+s12+$0x0], $0xffff;
	(pc) =	sbr.rel @p0 .LBB2_3-.Ltmp0, $3  }
0x4e: {  	v12 =	vld.idx.msk [tilespmem:v13+s12+$0x0], $0xffff  }
0x4f: {  	v13 =	vadd.f32 v17, v16;
	v15 =	vmul.f32 v15, v15;
	_ =	sdelay $0x1  }
0x50: {  	v15 =	vadd.f32 v15, v13;
	v13 =	vor.u32 $0x3, v7  }
0x51: {  	_ =	sdelay $0x2  }
0x52: {  	v10 =	vadd.f32 v10, v11  }
0x53: {  	v6 =	vadd.f32 v6, v14;
	[tilespmem:v7+s14+$0x0] =	vst.idx.msk $0xffff, v15  }
0x54: {  	v5 =	vadd.f32 v5, v12;
	[tilespmem:v8+s14+$0x0] =	vst.idx.msk $0xffff, v10  }
0x55: {  	[tilespmem:v9+s14+$0x0] =	vst.idx.msk $0xffff, v6  }
0x56: {  	[tilespmem:v13+s14+$0x0] =	vst.idx.msk $0xffff, v5  }
0x57: {  	v5 =	vld [tilespmem:$0x16458]  }
0x58: {  	v6 =	vld [tilespmem:$0x16858];
	_ =	sdelay $0x3  }
0x59: {  	v5 =	vmul.u32 $0x3, v5  }
0x5a: {  	v6 =	vmul.u32 $0x3, v6;
	_ =	sdelay $0x1  }
0x5b: {  	v7 =	vadd.s32 $0x1, v5  }
0x5c: {  	v56 =	vadd.s32 $0x1, v6  }
0x5d: {  	v57 =	vadd.s32 $0x2, v5  }
0x5e: {  	v58 =	vadd.s32 $0x2, v6;
	v10 =	vld.idx.msk [tilespmem:v5+s2+$0x0], $0xffff  }
0x5f: {  	v59 =	vld.idx.msk [tilespmem:v6+s2+$0x0], $0xffff  }
0x60: {  	v13 =	vld.idx.msk [tilespmem:v7+s2+$0x0], $0xffff  }
0x61: {  	v60 =	vld.idx.msk [tilespmem:v56+s2+$0x0], $0xffff  }
0x62: {  	v15 =	vld.idx.msk [tilespmem:v57+s2+$0x0], $0xffff  }
0x63: {  	v16 =	vld.idx.msk [tilespmem:v58+s2+$0x0], $0xffff;
	_ =	sdelay $0x1  }
0x64: {  	v5 =	vld.idx.msk [tilespmem:v5+s12+$0x0], $0xffff  }
0x65: {  	v6 =	vld.idx.msk [tilespmem:v6+s13+$0x0], $0xffff;
	v10 =	vsub.f32 v10, v59;
	v61 =	vsub.f32 v13, v60  }
0x66: {  	v7 =	vld.idx.msk [tilespmem:v7+s12+$0x0], $0xffff  }
0x67: {  	v8 =	vld.idx.msk [tilespmem:v56+s13+$0x0], $0xffff;
	v62 =	vsub.f32 v15, v16;
	v10 =	vmul.f32 v10, v10;
	v12 =	vmul.f32 v61, v61  }
0x68: {  	v9 =	vld.idx.msk [tilespmem:v57+s12+$0x0], $0xffff  }
0x69: {  	v11 =	vld.idx.msk [tilespmem:v58+s13+$0x0], $0xffff;
	v63 =	vmul.f32 v62, v62;
	v10 =	vadd.f32 v12, v10;
	_ =	sdelay $0x1  }
0x6a: {  	v10 =	vadd.f32 v63, v10  }
0x6b: {  	v5 =	vadd.f32 v6, v5  }
0x6c: {  	v6 =	vadd.f32 v8, v7;
	[tilespmem:v1+s14+$0x0] =	vst.idx.msk $0xffff, v10  }
0x6d: {  	s17 =	smul.u32 $0x3E8, s17;
	s16 =	sadd.s32 $0x1, s16;
	v7 =	vadd.f32 v11, v9;
	[tilespmem:v2+s14+$0x0] =	vst.idx.msk $0xffff, v5  }
0x6e: {  	p0 =	sne.s32 s16, $0x5;
	[tilespmem:v3+s14+$0x0] =	vst.idx.msk $0xffff, v6  }
.Ltmp1:
0x6f: {  	s17 =	sadd.s32 s6, s17;
	[tilespmem:v4+s14+$0x0] =	vst.idx.msk $0xffff, v7;
	(pc) =	sbr.rel @p0 .LBB2_2-.Ltmp1, $4  }
0x70: {  	[hbm4b:s17+s2] =	stream.linear.scatter [tilespmem:s14], [sflag:$0x1], $0x1F40, $0x38;
	[tilespmem:$0x18800] =	vst v63  }
0x71: {  	_ =	swait.ge [sflag:s11], $0x1F40  }
0x72: {  	[sflag:s11] =	ssyncset.done $0x0  }
0x73: {  	[sflag:s11] =	ssyncadd.s32 $0xFFFFE0C0  }
0x74: {  	s15 =	sadd.s32 $0x1, s15  }
0x75: {  	p0 =	sne.s32 s15, s10  }
.Ltmp2:
0x76: {  	_ = 	snop;
	(pc) =	sbr.rel @p0 .LBB2_1-.Ltmp2, $1  }
0x77: {  	_ =	sdelay $0x3  }
0x78: {  	_ =	sfence.sel $0x180000  }
0x79: {  	[bflag:$0x0] =	sbarrier.arrive $0xFFFF  }
0x7a: {  	p0 =	sne.s32 s3, $0x0;
	_ =	strace $0x90000047  }
0x7b: {  	s0 =	sadd.s32 @!p0 $0x100000, s0;
	[bflag:$0x2] =	sbarrier.arrive $0xFFFF  }
0x7c: {  	[sflag:s0] =	ssyncadd.tile.s32 @!p0 $0x1;
	_ =	shalt  }
.Lfunc_end2:
_tile_overlayer_lowered:
.L_overlay_start_2:
0x7d: {  	(tag) =	ssettag $0x2  }
0x7e: {  	s0 =	rddreg [dreg:$0x0];
	s2 =	stileid.u32  }
0x7f: {  	s1 =	rddreg [dreg:$0x1];
	p0 =	sne.s32 s2, $0x0  }
0x80: {  	s3 =	rddreg [dreg:$0x2];
	[bflag:$0x3] =	sbarrier.arrive $0xFFFF;
	s2 =	simm.s32 @!p0 $0x1C01  }
0x81: {  	[timem:s3], [sflag:s2] =	dma.local @!p0 [hbm:s0], s1  }
0x82: {  	s0 =	simm.s32 @!p0 $0x1  }
0x83: {  	_ =	swait.ge @!p0 [sflag:s0], s1  }
0x84: {  	s1 =	ssub.s32 @!p0 $0x0, s1;
	[sflag:s0] =	ssyncset.done @!p0 $0x0  }
0x85: {  	[sflag:s0] =	ssyncadd.s32 @!p0 s1  }
0x86: {  	[bflag:$0x3] =	sbarrier.arrive $0xFFFF  }
0x87: {  	_ =	shalt  }

// kernel: kernel.14.cloned.1.call-start
scs
__scs_entry_jumppad:
0x0: {  	(pc) =	sbr.rel $0x88, $3  }
0x1: {  	(tag) =	ssettag $0x0;
	lr =	simm.s32 $0x1  }
0x2: {  	[smem:$0x3F8C] =	sst lr;
	_ =	strace $0xD0000000  }
0x3: {  	_ = 	snop  }
0x4: {  	_ = 	snop  }
0x5: {  	_ = 	snop  }
0x6: {  	_ = 	snop  }
0x7: {  	_ = 	snop  }
__scs_overlays_trampoline_lowered:
0x8: {  	[smem:$0x3F9B] =	sst s0  }
0x9: {  	[smem:$0x3F9C] =	sst s1  }
0xa: {  	[smem:$0x3F9D] =	sst s2  }
0xb: {  	[smem:$0x3F9E] =	sst s3  }
0xc: {  	[smem:$0x3F9F] =	sst s4  }
0xd: {  	[smem:$0x3FA0] =	sst s5  }
0xe: {  	[smem:$0x3FA1] =	sst s6  }
0xf: {  	[smem:$0x3FA2] =	sst s7  }
0x10: {  	[smem:$0x3FA3] =	sst s8  }
0x11: {  	[smem:$0x3FA4] =	sst s9;
	s0 =	simm.s32 @!p0 $0x0  }
0x12: {  	s1 =	sld [smem:$0x3F8A];
	s0 =	simm.s32 @p0 $0x1  }
0x13: {  	[smem:$0x3FA5] =	sst s0;
	s0 =	simm.s32 @!p1 $0x0  }
0x14: {  	s2 =	sld [smem:$0x3F89];
	s0 =	simm.s32 @p1 $0x1  }
0x15: {  	[smem:$0x3FA6] =	sst s0;
	s0 =	simm.s32 @!p2 $0x0  }
0x16: {  	s3 =	sld [smem:$0x3FDB];
	s0 =	simm.s32 @p2 $0x1  }
0x17: {  	s4 =	simm.s32 $0x1BF5;
	[smem:$0x3FA8] =	sst s0  }
0x18: {  	s0 =	sld [smem:$0x3F8B];
	_ =	swait.ge [sflag:s4], $0x0  }
0x19: {  	s7 =	sld [smem:$0x3F8C]  }
0x1a: {  	s8 =	sadd.s32 $0xFFFFE003, lr  }
0x1b: {  	s9 =	sadd.s32 $0xFFFFFEF7, lr;
	s5 =	simm.s32 $0xFFFFFFFF;
	p2 =	slt.u32 s8, $0xFFFFF086  }
0x1c: {  	p1 =	slt.u32 s9, $0xF7A;
	s5 =	simm.s32 @!p2 $0x0  }
0x1d: {  	s5 =	simm.s32 @p1 $0x1;
	p0 =	seq.s32 s7, s2  }
0x1e: {  	s7 =	smul.u32 @!p0 $0xF7A, s2;
	p2 =	seq.s32 @!p0 s5, $0x0  }
0x1f: {  	s9 =	smul.u32 $0xF7A, s1;
	s8 =	simm.s32 @!p0 $0x1BF5;
	p2 =	por !p2, p0  }
0x20: {  	[sflag:s8] =	ssyncset.s32 @!p0 $0xFFFFF086;
	s6 =	sadd.s32 @!p0 s3, s7;
	s7 =	simm.s32 @!p0 $0x108  }
0x21: {  	s3 =	sadd.s32 s3, s9;
	s6 =	sadd.s32 @!p0 $0x88, s6;
	s7 =	simm.s32 @p2 $0x1082  }
0x22: {  	[simem:s7], [sflag:s8] =	dma.local @!p0 [hbm:s6], $0xF7A  }
0x23: {  	s9 =	sor.u32 $0xD0000000, s2;
	s6 =	simm.s32 $0x108;
	_ =	swait.ge @!p0 [sflag:s8], $0x0  }
0x24: {  	s3 =	sadd.s32 $0x88, s3;
	s6 =	simm.s32 @!p1 $0x1082;
	[sflag:s4] =	ssyncset.s32 $0xFFFFF086  }
0x25: {  	[simem:s6], [sflag:s4] =	dma.local [hbm:s3], $0xF7A  }
0x26: {  	[smem:$0x3F8C] =	sst s1;
	(tag) =	ssettag s2;
	_ =	strace s9  }
0x27: {  	s1 =	sld [smem:$0x3F9C]  }
0x28: {  	s2 =	sld [smem:$0x3F9D]  }
0x29: {  	s4 =	sld [smem:$0x3F9F]  }
0x2a: {  	p0 =	seq.s32 s5, $0x0;
	s5 =	sld [smem:$0x3FA0]  }
0x2b: {  	s6 =	sld [smem:$0x3FA1]  }
0x2c: {  	s7 =	sld [smem:$0x3FA2]  }
0x2d: {  	s3 =	simm.s32 $0x108;
	s8 =	sld [smem:$0x3FA3]  }
0x2e: {  	s3 =	simm.s32 @!p0 $0x1082;
	s9 =	sld [smem:$0x3FA4]  }
0x2f: {  	lr =	sadd.s32 s0, s3;
	s0 =	sld [smem:$0x3F9B]  }
0x30: {  	s3 =	sld [smem:$0x3F9E]  }
0x31: {  	[smem:$0x3FA7] =	sst s10  }
0x32: {  	s10 =	sld [smem:$0x3FA5];
	_ =	sdelay $0x3  }
0x33: {  	p0 =	seq.s32 s10, $0x1;
	s10 =	sld [smem:$0x3FA7];
	_ =	sdelay $0x3  }
0x34: {  	[smem:$0x3FA7] =	sst s10  }
0x35: {  	s10 =	sld [smem:$0x3FA6];
	_ =	sdelay $0x3  }
0x36: {  	p1 =	seq.s32 s10, $0x1;
	s10 =	sld [smem:$0x3FA7];
	_ =	sdelay $0x3  }
0x37: {  	[smem:$0x3FA7] =	sst s10  }
0x38: {  	s10 =	sld [smem:$0x3FA8]  }
0x39: {  	_ = 	snop;
	(pc) =	sbr.ind lr, $3  }
0x3a: {  	_ = 	snop  }
0x3b: {  	_ = 	snop  }
0x3c: {  	p2 =	seq.s32 s10, $0x1;
	s10 =	sld [smem:$0x3FA7]  }
0x3d: {  	_ =	shalt  }
0x3e: {  	_ =	shalt  }
0x3f: {  	_ =	shalt  }
0x40: {  	_ =	shalt  }
0x41: {  	_ =	shalt  }
0x42: {  	_ =	shalt  }
0x43: {  	_ =	shalt  }
0x44: {  	_ =	shalt  }
0x45: {  	_ =	shalt  }
0x46: {  	_ =	shalt  }
0x47: {  	_ =	shalt  }
0x48: {  	_ =	shalt  }
0x49: {  	_ =	shalt  }
0x4a: {  	_ =	shalt  }
0x4b: {  	_ =	shalt  }
0x4c: {  	_ =	shalt  }
0x4d: {  	_ =	shalt  }
0x4e: {  	_ =	shalt  }
0x4f: {  	_ =	shalt  }
0x50: {  	_ =	shalt  }
0x51: {  	_ =	shalt  }
0x52: {  	_ =	shalt  }
0x53: {  	_ =	shalt  }
0x54: {  	_ =	shalt  }
0x55: {  	_ =	shalt  }
0x56: {  	_ =	shalt  }
0x57: {  	_ =	shalt  }
0x58: {  	_ =	shalt  }
0x59: {  	_ =	shalt  }
0x5a: {  	_ =	shalt  }
0x5b: {  	_ =	shalt  }
0x5c: {  	_ =	shalt  }
0x5d: {  	_ =	shalt  }
0x5e: {  	_ =	shalt  }
0x5f: {  	_ =	shalt  }
0x60: {  	_ =	shalt  }
0x61: {  	_ =	shalt  }
0x62: {  	_ =	shalt  }
0x63: {  	_ =	shalt  }
0x64: {  	_ =	shalt  }
0x65: {  	_ =	shalt  }
0x66: {  	_ =	shalt  }
0x67: {  	_ =	shalt  }
0x68: {  	_ =	shalt  }
0x69: {  	_ =	shalt  }
0x6a: {  	_ =	shalt  }
0x6b: {  	_ =	shalt  }
0x6c: {  	_ =	shalt  }
0x6d: {  	_ =	shalt  }
0x6e: {  	_ =	shalt  }
0x6f: {  	_ =	shalt  }
0x70: {  	_ =	shalt  }
0x71: {  	_ =	shalt  }
0x72: {  	_ =	shalt  }
0x73: {  	_ =	shalt  }
0x74: {  	_ =	shalt  }
0x75: {  	_ =	shalt  }
0x76: {  	_ =	shalt  }
0x77: {  	_ =	shalt  }
0x78: {  	_ =	shalt  }
0x79: {  	_ =	shalt  }
0x7a: {  	_ =	shalt  }
0x7b: {  	_ =	shalt  }
0x7c: {  	_ =	shalt  }
0x7d: {  	_ =	shalt  }
0x7e: {  	_ =	shalt  }
0x7f: {  	_ =	shalt  }
0x80: {  	_ =	shalt  }
0x81: {  	_ =	shalt  }
0x82: {  	_ =	shalt  }
0x83: {  	_ =	shalt  }
0x84: {  	_ =	shalt  }
0x85: {  	_ =	shalt  }
0x86: {  	_ =	shalt  }
0x87: {  	_ =	shalt  }
.Lfunc_end0:
.L_simem_size_0:
called_computation.2_lowered:
.L_overlay_start_0:
0x88: {  	s2 =	sld [smem:$0x3FD9]  }
0x89: {  	s3 =	sld [smem:$0x3FFE];
	_ =	sdelay $0x1  }
0x8a: {  	s1 =	srdreg.scid  }
0x8b: {  	s0 =	sand.u32 $0x1, s1  }
0x8c: {  	s14 =	sshll.u32 s0, $0xA;
	s2 =	sadd.s32 s3, s2  }
0x8d: {  	s2 =	sadd.s32 s2, s14  }
0x8e: {  	[smem:$0x3FB3] =	sst s2  }
0x8f: {  	_ = 	snop  }
0x90: {  	s2 =	sld [smem:$0x3FD0];
	_ =	sdelay $0x2  }
0x91: {  	s15 =	simm.s32 $0xB;
	s4 =	simm.s32 $0x10  }
0x92: {  	[smem:s4], [sflag:s15] =	dma.local [hbm:s2], $0x1  }
0x93: {  	_ =	swait.eq [sflag:s15], $0x1  }
0x94: {  	[sflag:s15] =	ssyncset.done $0x0  }
0x95: {  	[sflag:s15] =	ssyncadd.s32 $0xFFFFFFFF  }
0x96: {  	s16 =	sld [smem:$0x10];
	(tm) =	ssettm $0x1  }
0x97: {  	s17 =	sld [smem:$0x3FFB];
	_ =	sdelay $0x3  }
0x98: {  	_ =	strace s17  }
0x99: {  	s3 =	sld [smem:$0x3FFC];
	_ =	sdelay $0x3  }
0x9a: {  	_ =	strace s3  }
0x9b: {  	s3 =	sld [smem:$0x3FFD];
	_ =	sdelay $0x3  }
0x9c: {  	_ =	strace s3  }
0x9d: {  	_ =	strace $0x8FFFFFFF  }
0x9e: {  	s18 =	sld [smem:$0x3FDB];
	_ =	sdelay $0x1  }
0x9f: {  	s19 =	simm.s32 $_scs_section_size  }
0xa0: {  	s5 =	simm.s32 $_size__tile_overlayer_lowered;
	s6 =	simm.s32 $_tile_overlayer_lowered  }
0xa1: {  	s22 =	simm.s32 $0x1BFF;
	s21 =	sshll.u32 s6, $0x1;
	s3 =	sadd.s32 s19, s18  }
0xa2: {  	s7 =	simm.s32 $0x0;
	s20 =	sshll.u32 s5, $0x1;
	s5 =	sadd.s32 s21, s3  }
0xa3: {  	[timem:s7], [sflag:s22] =	dma.local [hbm:s5], s20  }
0xa4: {  	_ =	swait.ge [sflag:s22], s20  }
0xa5: {  	s4 =	ssub.s32 $0x0, s20;
	[sflag:s22] =	ssyncset.done $0x0  }
0xa6: {  	[sflag:s22] =	ssyncadd.s32 s4;
	_ =	sdelay $0x1  }
0xa7: {  	s23 =	simm.s32 $0x1B8B  }
0xa8: {  	_ =	swait.ge [sflag:s23], $0x1  }
0xa9: {  	[sflag:s23] =	ssyncset.done $0x0  }
0xaa: {  	s25 =	simm.s32 $0x1B8E;
	s24 =	sld [smem:$0x3FFE];
	[sflag:s23] =	ssyncadd.s32 $0xFFFFFFFF  }
0xab: {  	s26 =	simm.s32 $execute0_lowered;
	[smem:$0x3FD2] =	sst s25  }
0xac: {  	s5 =	sshll.u32 s26, $0x1;
	_ =	strace $0x8000004C;
	[dreg:$0x1] =	wrdreg $0xFFFFFFFF  }
0xad: {  	s28 =	simm.s32 $_size_execute0_lowered;
	s3 =	sadd.s32 s3, s5;
	[dreg:$0x0] =	wrdreg $0x0  }
0xae: {  	s5 =	sshll.u32 s28, $0x1;
	[dreg:$0x2] =	wrdreg s3  }
0xaf: {  	[dreg:$0x3] =	wrdreg s5  }
0xb0: {  	[dreg:$0x4] =	wrdreg $0xC0  }
0xb1: {  	_ =	task [dreg:s7], $0x5FFFF  }
0xb2: {  	[dreg:$0x1] =	wrdreg $0xFFFFFFFF  }
0xb3: {  	[dreg:$0x0] =	wrdreg $0x60  }
0xb4: {  	[dreg:$0x2] =	wrdreg s24  }
0xb5: {  	[dreg:$0x3] =	wrdreg s16  }
0xb6: {  	[dreg:$0x4] =	wrdreg $0x81000  }
0xb7: {  	[dreg:$0x5] =	wrdreg $0x121000  }
0xb8: {  	[dreg:$0x6] =	wrdreg $0x9  }
0xb9: {  	_ =	task.clear_ibuf [dreg:s7], $0x7FFFF;
	_ =	strace $0x9000004C  }
0xba: {  	s29 =	simm.s32 $0x9;
	_ =	strace $0x8000004E  }
0xbb: {  	_ =	swait.ge [sflag:s29], $0x1  }
0xbc: {  	[sflag:s29] =	ssyncadd.s32 $0xFFFFFFFF  }
0xbd: {  	_ =	strace $0x9000004E  }
0xbe: {  	_ =	sfence  }
0xbf: {  	s30 =	sld [smem:$0x0];
	_ =	sdelay $0x2  }
0xc0: {  	s31 =	sshll.u32 s1, $0xD;
	s1 =	sshrl.u32 s1, $0x2  }
0xc1: {  	s3 =	sand.u32 $0x4000, s31;
	s1 =	sadd.s32 s1, s30  }
0xc2: {  	s0 =	sor.u32 s3, s0;
	s1 =	sshll.u32 s1, $0x11  }
0xc3: {  	s0 =	sor.u32 s1, s0  }
0xc4: {  	s0 =	sadd.s32 $0x8F2B, s0  }
0xc5: {  	[sflag:s0] =	ssyncadd.remote.s32 $0x1  }
0xc6: {  	_ =	sfence.sel $0xFFFF  }
0xc7: {  	[dreg:$0x0] =	wrdreg $0xFFFFFFFF;
	(pc) =	sbr.abs _section_cstart, $3  }
0xc8: {  	[dreg:$0x1] =	wrdreg $0xFFFFFFFF  }
0xc9: {  	_ =	task.clear_ibuf [dreg:s7], $0x2FFFF;
	_ =	strace $0x9FFFFFFF  }
0xca: {  	(tm) =	ssettm $0x7FFFFFFF  }
0xcb: {  	_ =	shalt  }
tec
execute0_lowered:
.L_overlay_start_1:
0x0: {  	(tag) =	ssettag $0x1  }
0x1: {  	s0 =	rddreg [dreg:$0x0]  }
0x2: {  	s2 =	rddreg [dreg:$0x2]  }
0x3: {  	s3 =	rddreg [dreg:$0x3];
	s4 =	simm.s32 $0x0;
	s9 =	stileid.u32  }
0x4: {  	s6 =	srdreg.scid;
	s24 =	simm.s32 $0x100;
	s28 =	simm.s32 $0x4100  }
0x5: {  	[smem:$0x7FF] =	sst s4;
	s1 =	smul.u32 $0x4E0, s9;
	s5 =	sadd.s32 $0x7FB800, s0  }
0x6: {  	s7 =	smul.u32 $0x1400, s9;
	s15 =	sand.u32 $0x1, s6;
	s19 =	sadd.s32 $0xA6C800, s0  }
0x7: {  	s6 =	sadd.s32 $0xCDD800, s0;
	s30 =	sadd.s32 $0x7EA00, s0;
	s13 =	smul.u32 $0xA000, s9  }
0x8: {  	s8 =	sadd.s32 $0xA5C00, s0;
	p0 =	slt.u32 s9, $0x2;
	s16 =	smul.u32 $0x27000, s9  }
0x9: {  	s11 =	sshll.u32 s9, $0x6;
	s21 =	smin.u32 s9, $0x2;
	s14 =	smul.u32 $0x138, s9  }
0xa: {  	s25 =	sadd.s32 $0x9C000, s3;
	_ =	strace $0x8000004D;
	s10 =	ssub.s32 $0x2, s15  }
0xb: {  	[dreg:$0x5] =	wrdreg s30;
	s11 =	sor.u32 $0x1C01, s11;
	s23 =	sshll.u32 s21, $0xB  }
0xc: {  	s21 =	sshll.u32 s21, $0x4;
	p1 =	sne.s32 s15, $0x0;
	s18 =	sadd.s32 s1, s0  }
0xd: {  	s12 =	sadd.s32 s7, s0;
	s26 =	sshrl.u32 s10, $0x1;
	s1 =	simm.s32 $0x4E  }
0xe: {  	s20 =	sadd.s32 s13, s2;
	s22 =	sadd.s32 s13, s3;
	s17 =	sshrl.u32 s16, $0x2  }
0xf: {  	s29 =	sadd.s32 s23, s16;
	s16 =	sadd.s32 $0x9C000, s2;
	s23 =	simm.s32 $0x2  }
0x10: {  	s6 =	smov.u32 @p1 s19;
	s31 =	ssub.s32 s10, s26;
	s1 =	simm.s32 @!p0 $0x4D  }
0x11: {  	s10 =	sadd.s32 $0x18600, s12;
	s12 =	sadd.s32 $0x4600, s12;
	s13 =	sadd.s32 s17, s2  }
.Ltmp0:
0x12: {  	s17 =	sadd.s32 s17, s3;
	s18 =	sadd.s32 s21, s18;
	(pc) =	sbr.rel .LBB2_1-.Ltmp0, $4  }
0x13: {  	s20 =	sshrl.u32 s20, $0x3;
	s21 =	simm.s32 $0x1;
	s22 =	sshrl.u32 s22, $0x3  }
0x14: {  	p0 =	sne.s32 s9, $0x0;
	[dreg:$0x6] =	wrdreg s1;
	s0 =	smax.u32 s31, $0x1  }
0x15: {  	v0 =	vlaneseq.u32;
	s26 =	simm.s32 $0x80;
	[dreg:$0x7] =	wrdreg s0;
	s0 =	sshrl.u32 @!p0 s25, $0x3  }
0x16: {  	v0 =	vadd.s32 $0x1388, v0;
	s18 =	sadd.s32 $0x79A00, s18;
	s1 =	simm.s32 $0x0;
	[dreg:$0x8] =	wrdreg s0  }
.LBB2_12:
0x17: {  	s1 =	rddreg [dreg:$0x9]  }
0x18: {  	s0 =	rddreg [dreg:$0x7];
	s1 =	sadd.s32 $0x1, s1  }
0x19: {  	p2 =	sne.s32 s1, s0  }
.Ltmp1:
0x1a: {  	_ = 	snop;
	(pc) =	sbr.rel @!p2 .LBB2_13-.Ltmp1, $1  }
0x1b: {  	_ =	sdelay $0x3  }
.LBB2_1:
.Ltmp2:
0x1c: {  	(pc) =	sbr.rel .LBB2_2-.Ltmp2, $2  }
0x1d: {  	_ =	sdelay $0x2  }
0x1e: {  	[dreg:$0x9] =	wrdreg s1;
	p3 =	por $0x1, $0x1;
	s30 =	simm.s32 $0x0  }
.LBB2_10:
0x1f: {  	s0 =	sadd.s32 s14, s31;
	[bflag:$0x0] =	sbarrier.arrive $0xFFFF  }
0x20: {  	s0 =	sshll.u32 s0, $0x4;
	s9 =	rddreg [dreg:$0x5]  }
0x21: {  	s1 =	sshrl.u32 s13, $0x3;
	s7 =	smul.u32 @!p0 $0x9C400, s30;
	s0 =	sadd.s32 s9, s0  }
0x22: {  	[hbm:s0], [sflag:s11] =	dma.local [spmem:s1], $0x1380  }
0x23: {  	s0 =	sshrl.u32 @!p0 s7, $0x3;
	_ =	swait.ge [sflag:s21], $0x1380  }
0x24: {  	s0 =	sadd.s32 @!p0 s9, s0;
	[sflag:s21] =	ssyncset.done $0x0  }
0x25: {  	s1 =	sshrl.u32 @!p0 s16, $0x3;
	s0 =	sadd.s32 @!p0 $0x13800, s0;
	[sflag:s21] =	ssyncadd.s32 $0xFFFFEC80  }
0x26: {  	[hbm:s0], [sflag:s11] =	dma.local @!p0 [spmem:s1], $0x80  }
0x27: {  	s0 =	simm.s32 @!p0 $0x1  }
0x28: {  	_ =	swait.ge @!p0 [sflag:s0], $0x80  }
0x29: {  	[sflag:s0] =	ssyncset.done @!p0 $0x0  }
0x2a: {  	[sflag:s0] =	ssyncadd.s32 @!p0 $0xFFFFFF80  }
.LBB2_11:
.Ltmp3:
0x2b: {  	(pc) =	sbr.rel @!p2 .LBB2_12-.Ltmp3, $3  }
0x2c: {  	_ =	sdelay $0x1  }
0x2d: {  	[bflag:$0x0] =	sbarrier.arrive $0xFFFF  }
0x2e: {  	s30 =	simm.s32 $0x1;
	p3 =	por $0x0, $0x0  }
.LBB2_2:
0x2f: {  	[spmem:s20], [sflag:s11] =	dma.local [hbm:s10], $0x1400  }
0x30: {  	_ =	swait.ge [sflag:s21], $0x1400  }
0x31: {  	[sflag:s21] =	ssyncset.done $0x0  }
0x32: {  	[sflag:s21] =	ssyncadd.s32 $0xFFFFEC00  }
0x33: {  	[spmem:s22], [sflag:s11] =	dma.local [hbm:s12], $0x1400  }
.Ltmp4:
0x34: {  	_ =	swait.ge [sflag:s21], $0x1400;
	(pc) =	sbr.rel .LBB2_3-.Ltmp4, $4  }
0x35: {  	[sflag:s21] =	ssyncset.done $0x0  }
0x36: {  	s31 =	smul.u32 $0x1388, s30;
	[sflag:s21] =	ssyncadd.s32 $0xFFFFEC00  }
0x37: {  	p2 =	por p3, p3;
	s0 =	simm.s32 $0x0;
	[bflag:$0x0] =	sbarrier.arrive $0xFFFF  }
0x38: {  	s19 =	smov.u32 s18;
	s15 =	smov.u32 s29;
	v1 =	vmov s31;
	s9 =	rddreg [dreg:$0x6]  }
.LBB2_6:
0x39: {  	s9 =	sadd.s32 $0xFFFFFFFF, s9;
	s15 =	sadd.s32 $0x800, s15;
	s19 =	sadd.s32 $0x10, s19  }
.LBB2_3:
0x3a: {  	[tilespmem:s4], [sflag:$0x2] =	stream.linear.gather [hbm4b:s19+s4], $0x80, $0x38;
	[tilespmem:$0x12B00] =	vst v63  }
0x3b: {  	_ =	swait.ge [sflag:s23], $0x80  }
0x3c: {  	s25 =	sadd.s32 @!p1 s15, s5;
	[sflag:s23] =	ssyncset.done $0x0  }
0x3d: {  	s7 =	simm.s32 @!p1 $0x0;
	s1 =	simm.s32 @!p1 $0x100;
	[sflag:s23] =	ssyncadd.s32 $0xFFFFFF80  }
0x3e: {  	[tilespmem:s1], [sflag:$0x2] =	stream.linear.gather @!p1 [hbm4b:s25+s7], $0x4000, $0x38;
	[tilespmem:$0x12B00] =	vst v63  }
0x3f: {  	s1 =	simm.s32 @!p1 $0x2  }
0x40: {  	_ =	swait.ge @!p1 [sflag:s1], $0x4000  }
0x41: {  	s7 =	simm.s32 @!p1 $0x4100;
	[sflag:s1] =	ssyncset.done @!p1 $0x0  }
0x42: {  	s25 =	sadd.s32 s15, s6;
	s7 =	simm.s32 @p1 $0x100;
	[sflag:s1] =	ssyncadd.s32 @!p1 $0xFFFFC000  }
0x43: {  	[tilespmem:s7], [sflag:$0x2] =	stream.linear.gather [hbm4b:s25+s4], $0x4000, $0x38;
	[tilespmem:$0x12B00] =	vst v63  }
0x44: {  	_ =	swait.ge [sflag:s23], $0x4000  }
0x45: {  	[sflag:s23] =	ssyncset.done $0x0  }
0x46: {  	[sflag:s23] =	ssyncadd.s32 $0xFFFFC000  }
0x47: {  	v2 =	vld [tilespmem:$0x0]  }
0x48: {  	v3 =	vld [tilespmem:$0x10]  }
0x49: {  	v4 =	vld [tilespmem:$0x20]  }
0x4a: {  	v5 =	vld [tilespmem:$0x30]  }
0x4b: {  	v6 =	vld [tilespmem:$0x40]  }
0x4c: {  	v7 =	vld [tilespmem:$0x50];
	v2 =	vsub.s32 v2, v1  }
0x4d: {  	v8 =	vld [tilespmem:$0x60];
	v3 =	vsub.s32 v3, v1;
	vm0 =	vlt.u32 v2, $0x1388  }
0x4e: {  	v9 =	vld [tilespmem:$0x70];
	v4 =	vsub.s32 v4, v1;
	vm9 =	vlt.u32 v3, $0x1388;
	v2 =	vsel vm0, v2, v0  }
0x4f: {  	vm10 =	vlt.u32 v4, $0x1388;
	[tilespmem:$0x80] =	vst v2;
	v2 =	vsel vm9, v3, v0;
	v3 =	vsub.s32 v5, v1  }
0x50: {  	v62 =	vsub.s32 v6, v1;
	[tilespmem:$0x90] =	vst v2;
	v2 =	vsel vm10, v4, v0;
	vm11 =	vlt.u32 v3, $0x1388  }
0x51: {  	vm12 =	vlt.u32 v62, $0x1388;
	[tilespmem:$0xA0] =	vst v2;
	v2 =	vsel vm11, v3, v0;
	v3 =	vsub.s32 v7, v1  }
0x52: {  	v63 =	vsub.s32 v8, v1;
	[tilespmem:$0xB0] =	vst v2;
	v2 =	vsel vm12, v62, v0;
	vm13 =	vlt.u32 v3, $0x1388  }
0x53: {  	vm14 =	vlt.u32 v63, $0x1388;
	[tilespmem:$0xC0] =	vst v2;
	v2 =	vsel vm13, v3, v0;
	v3 =	vsub.s32 v9, v1  }
0x54: {  	[tilespmem:$0xD0] =	vst v2;
	v2 =	vsel vm14, v63, v0;
	vm15 =	vlt.u32 v3, $0x1388  }
0x55: {  	[tilespmem:$0xE0] =	vst v2;
	v2 =	vsel vm15, v3, v0  }
.Ltmp5:
0x56: {  	[tilespmem:$0xF0] =	vst v2;
	(pc) =	sbr.rel @p1 .LBB2_7-.Ltmp5, $4  }
0x57: {  	[spmem:s2] =	stream.indirect.scatter.add.f32 [tilespmem:s24], [sflag:$0x2], $0x80, s26, s26, $0xb8;
	[tilespmem:$0x12B00] =	vst v63  }
0x58: {  	_ =	swait.ge [sflag:s23], $0x4000  }
0x59: {  	[sflag:s23] =	ssyncset.done $0x0  }
0x5a: {  	[sflag:s23] =	ssyncadd.s32 $0xFFFFC000  }
0x5b: {  	p3 =	seq.s32 s9, $0x0  }
.Ltmp6:
0x5c: {  	_ = 	snop;
	(pc) =	sbr.rel @p3 .LBB2_9-.Ltmp6, $4  }
0x5d: {  	[spmem:s3] =	stream.indirect.scatter.add.f32 [tilespmem:s28], [sflag:$0x1], $0x8, s26, s26, $0xb8;
	[tilespmem:$0x12B00] =	vst v63  }
0x5e: {  	_ =	swait.ge [sflag:s21], $0x400  }
0x5f: {  	[sflag:s21] =	ssyncset.done $0x0  }
0x60: {  	[sflag:s21] =	ssyncadd.s32 $0xFFFFFC00  }
.Ltmp7:
0x61: {  	(pc) =	sbr.rel .LBB2_6-.Ltmp7, $2  }
0x62: {  	_ =	sdelay $0x2  }
0x63: {  	s0 =	sadd.s32 $0x1, s0  }
.LBB2_7:
0x64: {  	p3 =	seq.s32 s9, $0x0  }
.Ltmp8:
0x65: {  	_ = 	snop;
	(pc) =	sbr.rel @p3 .LBB2_10-.Ltmp8, $1  }
0x66: {  	_ =	sdelay $0x3  }
.Ltmp9:
0x67: {  	(pc) =	sbr.rel .LBB2_6-.Ltmp9, $2  }
0x68: {  	_ =	sdelay $0x2  }
0x69: {  	s0 =	sadd.s32 $0x1, s0  }
.LBB2_9:
0x6a: {  	s0 =	sadd.s32 s14, s31;
	[bflag:$0x0] =	sbarrier.arrive $0xFFFF  }
0x6b: {  	s0 =	sshll.u32 s0, $0x4;
	s9 =	rddreg [dreg:$0x1]  }
0x6c: {  	s7 =	sshrl.u32 s13, $0x3;
	s1 =	sadd.s32 s9, s0  }
0x6d: {  	[hbm:s1], [sflag:s11] =	dma.local [spmem:s7], $0x1380  }
0x6e: {  	_ =	swait.ge [sflag:s21], $0x1380  }
0x6f: {  	[sflag:s21] =	ssyncset.done $0x0  }
0x70: {  	s1 =	sadd.s32 @p0 s8, s0;
	s7 =	sshrl.u32 @p0 s17, $0x3;
	[sflag:s21] =	ssyncadd.s32 $0xFFFFEC80  }
0x71: {  	[hbm:s1], [sflag:s11] =	dma.local @p0 [spmem:s7], $0x1380  }
0x72: {  	s1 =	smul.u32 @!p0 $0x9C400, s30  }
0x73: {  	s7 =	simm.s32 @p0 $0x1  }
0x74: {  	_ =	swait.ge @p0 [sflag:s7], $0x1380;
	s1 =	sshrl.u32 @!p0 s1, $0x3  }
0x75: {  	[sflag:s7] =	ssyncset.done @p0 $0x0;
	s1 =	sadd.s32 @!p0 $0x13800, s1  }
0x76: {  	[sflag:s7] =	ssyncadd.s32 @p0 $0xFFFFEC80;
	s7 =	sadd.s32 @!p0 s9, s1;
	s9 =	sshrl.u32 @!p0 s16, $0x3  }
0x77: {  	[hbm:s7], [sflag:s11] =	dma.local @!p0 [spmem:s9], $0x80  }
0x78: {  	s7 =	simm.s32 @!p0 $0x1  }
0x79: {  	_ =	swait.ge @!p0 [sflag:s7], $0x80  }
0x7a: {  	[sflag:s7] =	ssyncset.done @!p0 $0x0  }
0x7b: {  	s0 =	sadd.s32 @!p0 s8, s0;
	s9 =	sshrl.u32 @!p0 s17, $0x3;
	[sflag:s7] =	ssyncadd.s32 @!p0 $0xFFFFFF80  }
0x7c: {  	[hbm:s0], [sflag:s11] =	dma.local @!p0 [spmem:s9], $0x1380  }
0x7d: {  	_ =	swait.ge @!p0 [sflag:s7], $0x1380  }
0x7e: {  	s0 =	sadd.s32 @!p0 s8, s1;
	[sflag:s7] =	ssyncset.done @!p0 $0x0  }
.Ltmp10:
0x7f: {  	s1 =	rddreg [dreg:$0x8];
	[sflag:s7] =	ssyncadd.s32 @!p0 $0xFFFFEC80;
	(pc) =	sbr.rel .LBB2_11-.Ltmp10, $4  }
0x80: {  	[hbm:s0], [sflag:s11] =	dma.local @!p0 [spmem:s1], $0x80  }
0x81: {  	_ =	swait.ge @!p0 [sflag:s7], $0x80  }
0x82: {  	[sflag:s7] =	ssyncset.done @!p0 $0x0  }
0x83: {  	[sflag:s7] =	ssyncadd.s32 @!p0 $0xFFFFFF80  }
.LBB2_13:
0x84: {  	_ =	sfence.sel $0x180000  }
0x85: {  	[bflag:$0x0] =	sbarrier.arrive $0xFFFF  }
0x86: {  	_ =	strace $0x9000004D  }
0x87: {  	[bflag:$0x2] =	sbarrier.arrive $0xFFFF  }
0x88: {  	s0 =	rddreg [dreg:$0x4]  }
0x89: {  	s0 =	sadd.s32 @!p0 $0x100000, s0  }
0x8a: {  	[sflag:s0] =	ssyncadd.tile.s32 @!p0 $0x1;
	_ =	shalt  }
.Lfunc_end2:
_tile_overlayer_lowered:
.L_overlay_start_2:
0x8b: {  	(tag) =	ssettag $0x2  }
0x8c: {  	s0 =	rddreg [dreg:$0x0];
	s2 =	stileid.u32  }
0x8d: {  	s1 =	rddreg [dreg:$0x1];
	p0 =	sne.s32 s2, $0x0  }
0x8e: {  	s3 =	rddreg [dreg:$0x2];
	[bflag:$0x3] =	sbarrier.arrive $0xFFFF;
	s2 =	simm.s32 @!p0 $0x1C01  }
0x8f: {  	[timem:s3], [sflag:s2] =	dma.local @!p0 [hbm:s0], s1  }
0x90: {  	s0 =	simm.s32 @!p0 $0x1  }
0x91: {  	_ =	swait.ge @!p0 [sflag:s0], s1  }
0x92: {  	s1 =	ssub.s32 @!p0 $0x0, s1;
	[sflag:s0] =	ssyncset.done @!p0 $0x0  }
0x93: {  	[sflag:s0] =	ssyncadd.s32 @!p0 s1  }
0x94: {  	[bflag:$0x3] =	sbarrier.arrive $0xFFFF  }
0x95: {  	_ =	shalt  }

// kernel: kernel.8.cloned.1.call-start
scs
__scs_entry_jumppad:
0x0: {  	(pc) =	sbr.rel $0x88, $3  }
0x1: {  	(tag) =	ssettag $0x0;
	lr =	simm.s32 $0x1  }
0x2: {  	[smem:$0x3F8C] =	sst lr;
	_ =	strace $0xD0000000  }
0x3: {  	_ = 	snop  }
0x4: {  	_ = 	snop  }
0x5: {  	_ = 	snop  }
0x6: {  	_ = 	snop  }
0x7: {  	_ = 	snop  }
__scs_overlays_trampoline_lowered:
0x8: {  	[smem:$0x3F9B] =	sst s0  }
0x9: {  	[smem:$0x3F9C] =	sst s1  }
0xa: {  	[smem:$0x3F9D] =	sst s2  }
0xb: {  	[smem:$0x3F9E] =	sst s3  }
0xc: {  	[smem:$0x3F9F] =	sst s4  }
0xd: {  	[smem:$0x3FA0] =	sst s5  }
0xe: {  	[smem:$0x3FA1] =	sst s6  }
0xf: {  	[smem:$0x3FA2] =	sst s7  }
0x10: {  	[smem:$0x3FA3] =	sst s8  }
0x11: {  	[smem:$0x3FA4] =	sst s9;
	s0 =	simm.s32 @!p0 $0x0  }
0x12: {  	s1 =	sld [smem:$0x3F8A];
	s0 =	simm.s32 @p0 $0x1  }
0x13: {  	[smem:$0x3FA5] =	sst s0;
	s0 =	simm.s32 @!p1 $0x0  }
0x14: {  	s2 =	sld [smem:$0x3F89];
	s0 =	simm.s32 @p1 $0x1  }
0x15: {  	[smem:$0x3FA6] =	sst s0;
	s0 =	simm.s32 @!p2 $0x0  }
0x16: {  	s3 =	sld [smem:$0x3FDB];
	s0 =	simm.s32 @p2 $0x1  }
0x17: {  	s4 =	simm.s32 $0x1BF5;
	[smem:$0x3FA8] =	sst s0  }
0x18: {  	s0 =	sld [smem:$0x3F8B];
	_ =	swait.ge [sflag:s4], $0x0  }
0x19: {  	s7 =	sld [smem:$0x3F8C]  }
0x1a: {  	s8 =	sadd.s32 $0xFFFFE003, lr  }
0x1b: {  	s9 =	sadd.s32 $0xFFFFFEF7, lr;
	s5 =	simm.s32 $0xFFFFFFFF;
	p2 =	slt.u32 s8, $0xFFFFF086  }
0x1c: {  	p1 =	slt.u32 s9, $0xF7A;
	s5 =	simm.s32 @!p2 $0x0  }
0x1d: {  	s5 =	simm.s32 @p1 $0x1;
	p0 =	seq.s32 s7, s2  }
0x1e: {  	s7 =	smul.u32 @!p0 $0xF7A, s2;
	p2 =	seq.s32 @!p0 s5, $0x0  }
0x1f: {  	s9 =	smul.u32 $0xF7A, s1;
	s8 =	simm.s32 @!p0 $0x1BF5;
	p2 =	por !p2, p0  }
0x20: {  	[sflag:s8] =	ssyncset.s32 @!p0 $0xFFFFF086;
	s6 =	sadd.s32 @!p0 s3, s7;
	s7 =	simm.s32 @!p0 $0x108  }
0x21: {  	s3 =	sadd.s32 s3, s9;
	s6 =	sadd.s32 @!p0 $0x88, s6;
	s7 =	simm.s32 @p2 $0x1082  }
0x22: {  	[simem:s7], [sflag:s8] =	dma.local @!p0 [hbm:s6], $0xF7A  }
0x23: {  	s9 =	sor.u32 $0xD0000000, s2;
	s6 =	simm.s32 $0x108;
	_ =	swait.ge @!p0 [sflag:s8], $0x0  }
0x24: {  	s3 =	sadd.s32 $0x88, s3;
	s6 =	simm.s32 @!p1 $0x1082;
	[sflag:s4] =	ssyncset.s32 $0xFFFFF086  }
0x25: {  	[simem:s6], [sflag:s4] =	dma.local [hbm:s3], $0xF7A  }
0x26: {  	[smem:$0x3F8C] =	sst s1;
	(tag) =	ssettag s2;
	_ =	strace s9  }
0x27: {  	s1 =	sld [smem:$0x3F9C]  }
0x28: {  	s2 =	sld [smem:$0x3F9D]  }
0x29: {  	s4 =	sld [smem:$0x3F9F]  }
0x2a: {  	p0 =	seq.s32 s5, $0x0;
	s5 =	sld [smem:$0x3FA0]  }
0x2b: {  	s6 =	sld [smem:$0x3FA1]  }
0x2c: {  	s7 =	sld [smem:$0x3FA2]  }
0x2d: {  	s3 =	simm.s32 $0x108;
	s8 =	sld [smem:$0x3FA3]  }
0x2e: {  	s3 =	simm.s32 @!p0 $0x1082;
	s9 =	sld [smem:$0x3FA4]  }
0x2f: {  	lr =	sadd.s32 s0, s3;
	s0 =	sld [smem:$0x3F9B]  }
0x30: {  	s3 =	sld [smem:$0x3F9E]  }
0x31: {  	[smem:$0x3FA7] =	sst s10  }
0x32: {  	s10 =	sld [smem:$0x3FA5];
	_ =	sdelay $0x3  }
0x33: {  	p0 =	seq.s32 s10, $0x1;
	s10 =	sld [smem:$0x3FA7];
	_ =	sdelay $0x3  }
0x34: {  	[smem:$0x3FA7] =	sst s10  }
0x35: {  	s10 =	sld [smem:$0x3FA6];
	_ =	sdelay $0x3  }
0x36: {  	p1 =	seq.s32 s10, $0x1;
	s10 =	sld [smem:$0x3FA7];
	_ =	sdelay $0x3  }
0x37: {  	[smem:$0x3FA7] =	sst s10  }
0x38: {  	s10 =	sld [smem:$0x3FA8]  }
0x39: {  	_ = 	snop;
	(pc) =	sbr.ind lr, $3  }
0x3a: {  	_ = 	snop  }
0x3b: {  	_ = 	snop  }
0x3c: {  	p2 =	seq.s32 s10, $0x1;
	s10 =	sld [smem:$0x3FA7]  }
0x3d: {  	_ =	shalt  }
0x3e: {  	_ =	shalt  }
0x3f: {  	_ =	shalt  }
0x40: {  	_ =	shalt  }
0x41: {  	_ =	shalt  }
0x42: {  	_ =	shalt  }
0x43: {  	_ =	shalt  }
0x44: {  	_ =	shalt  }
0x45: {  	_ =	shalt  }
0x46: {  	_ =	shalt  }
0x47: {  	_ =	shalt  }
0x48: {  	_ =	shalt  }
0x49: {  	_ =	shalt  }
0x4a: {  	_ =	shalt  }
0x4b: {  	_ =	shalt  }
0x4c: {  	_ =	shalt  }
0x4d: {  	_ =	shalt  }
0x4e: {  	_ =	shalt  }
0x4f: {  	_ =	shalt  }
0x50: {  	_ =	shalt  }
0x51: {  	_ =	shalt  }
0x52: {  	_ =	shalt  }
0x53: {  	_ =	shalt  }
0x54: {  	_ =	shalt  }
0x55: {  	_ =	shalt  }
0x56: {  	_ =	shalt  }
0x57: {  	_ =	shalt  }
0x58: {  	_ =	shalt  }
0x59: {  	_ =	shalt  }
0x5a: {  	_ =	shalt  }
0x5b: {  	_ =	shalt  }
0x5c: {  	_ =	shalt  }
0x5d: {  	_ =	shalt  }
0x5e: {  	_ =	shalt  }
0x5f: {  	_ =	shalt  }
0x60: {  	_ =	shalt  }
0x61: {  	_ =	shalt  }
0x62: {  	_ =	shalt  }
0x63: {  	_ =	shalt  }
0x64: {  	_ =	shalt  }
0x65: {  	_ =	shalt  }
0x66: {  	_ =	shalt  }
0x67: {  	_ =	shalt  }
0x68: {  	_ =	shalt  }
0x69: {  	_ =	shalt  }
0x6a: {  	_ =	shalt  }
0x6b: {  	_ =	shalt  }
0x6c: {  	_ =	shalt  }
0x6d: {  	_ =	shalt  }
0x6e: {  	_ =	shalt  }
0x6f: {  	_ =	shalt  }
0x70: {  	_ =	shalt  }
0x71: {  	_ =	shalt  }
0x72: {  	_ =	shalt  }
0x73: {  	_ =	shalt  }
0x74: {  	_ =	shalt  }
0x75: {  	_ =	shalt  }
0x76: {  	_ =	shalt  }
0x77: {  	_ =	shalt  }
0x78: {  	_ =	shalt  }
0x79: {  	_ =	shalt  }
0x7a: {  	_ =	shalt  }
0x7b: {  	_ =	shalt  }
0x7c: {  	_ =	shalt  }
0x7d: {  	_ =	shalt  }
0x7e: {  	_ =	shalt  }
0x7f: {  	_ =	shalt  }
0x80: {  	_ =	shalt  }
0x81: {  	_ =	shalt  }
0x82: {  	_ =	shalt  }
0x83: {  	_ =	shalt  }
0x84: {  	_ =	shalt  }
0x85: {  	_ =	shalt  }
0x86: {  	_ =	shalt  }
0x87: {  	_ =	shalt  }
.Lfunc_end0:
.L_simem_size_0:
called_computation_lowered:
.L_overlay_start_0:
0x88: {  	s2 =	sld [smem:$0x3FD9]  }
0x89: {  	s3 =	sld [smem:$0x3FFE];
	_ =	sdelay $0x1  }
0x8a: {  	s1 =	srdreg.scid  }
0x8b: {  	s0 =	sand.u32 $0x1, s1  }
0x8c: {  	s15 =	sshll.u32 s0, $0xA;
	s2 =	sadd.s32 s3, s2  }
0x8d: {  	s2 =	sadd.s32 s2, s15  }
0x8e: {  	[smem:$0x3FB3] =	sst s2  }
0x8f: {  	_ = 	snop  }
0x90: {  	s2 =	sld [smem:$0x3FD0];
	_ =	sdelay $0x2  }
0x91: {  	s4 =	simm.s32 $0xB;
	s16 =	simm.s32 $0x10  }
0x92: {  	[smem:s16], [sflag:s4] =	dma.local [hbm:s2], $0x1  }
0x93: {  	_ =	swait.eq [sflag:s4], $0x1  }
0x94: {  	[sflag:s4] =	ssyncset.done $0x0  }
0x95: {  	s17 =	sld [smem:$0x10];
	[sflag:s4] =	ssyncadd.s32 $0xFFFFFFFF  }
0x96: {  	s18 =	sld [smem:$0x11];
	(tm) =	ssettm $0x1  }
0x97: {  	s19 =	sld [smem:$0x3FFB];
	_ =	sdelay $0x3  }
0x98: {  	_ =	strace s19  }
0x99: {  	s2 =	sld [smem:$0x3FFC];
	_ =	sdelay $0x3  }
0x9a: {  	_ =	strace s2  }
0x9b: {  	s2 =	sld [smem:$0x3FFD];
	_ =	sdelay $0x3  }
0x9c: {  	_ =	strace s2  }
0x9d: {  	_ =	strace $0x8FFFFFFF  }
0x9e: {  	s20 =	sld [smem:$0x3FDB];
	_ =	sdelay $0x1  }
0x9f: {  	s5 =	simm.s32 $_scs_section_size  }
0xa0: {  	s6 =	simm.s32 $_size__tile_overlayer_lowered;
	s7 =	simm.s32 $_tile_overlayer_lowered  }
0xa1: {  	s8 =	simm.s32 $0x1BFF;
	s21 =	sshll.u32 s7, $0x1;
	s5 =	sadd.s32 s5, s20  }
0xa2: {  	s22 =	simm.s32 $0x0;
	s6 =	sshll.u32 s6, $0x1;
	s7 =	sadd.s32 s21, s5  }
0xa3: {  	[timem:s22], [sflag:s8] =	dma.local [hbm:s7], s6  }
0xa4: {  	_ =	swait.ge [sflag:s8], s6  }
0xa5: {  	s6 =	ssub.s32 $0x0, s6;
	[sflag:s8] =	ssyncset.done $0x0  }
0xa6: {  	[sflag:s8] =	ssyncadd.s32 s6;
	_ =	sdelay $0x1  }
0xa7: {  	s23 =	simm.s32 $0x1B8B  }
0xa8: {  	_ =	swait.ge [sflag:s23], $0x1  }
0xa9: {  	[sflag:s23] =	ssyncset.done $0x0  }
0xaa: {  	[sflag:s23] =	ssyncadd.s32 $0xFFFFFFFF  }
0xab: {  	s6 =	sld [smem:$0x0]  }
0xac: {  	s7 =	sand.u32 $0xFFFFFFFE, s1  }
0xad: {  	p0 =	sne.s32 s1, s7  }
0xae: {  	s7 =	sshll.u32 @p0 s7, $0xE  }
0xaf: {  	s7 =	sadd.s32 @p0 $0x11B8D, s7;
	s8 =	sshll.u32 @p0 s6, $0x11  }
0xb0: {  	s7 =	sor.u32 @p0 s8, s7  }
0xb1: {  	[sflag:s7] =	ssyncadd.remote.s32 @p0 $0x1;
	_ =	sdelay $0x1  }
0xb2: {  	s7 =	simm.s32 @p0 $0x1B8D  }
0xb3: {  	_ =	swait.eq @p0 [sflag:s7], $0x1  }
0xb4: {  	[sflag:s7] =	ssyncadd.s32 @p0 $0xFFFFFFFF  }
0xb5: {  	s8 =	sshll.u32 @!p0 s1, $0xE  }
0xb6: {  	s8 =	sor.u32 @!p0 $0x4000, s8;
	s7 =	simm.s32 @!p0 $0x1B8D  }
0xb7: {  	s6 =	sshll.u32 @!p0 s6, $0x11;
	s8 =	sadd.s32 @!p0 $0x11B8D, s8;
	_ =	swait.eq @!p0 [sflag:s7], $0x1  }
0xb8: {  	s6 =	sor.u32 @!p0 s6, s8;
	[sflag:s7] =	ssyncadd.s32 @!p0 $0xFFFFFFFF  }
0xb9: {  	s25 =	simm.s32 $0x1B8E;
	s24 =	sld [smem:$0x3FFE];
	[sflag:s6] =	ssyncadd.remote.s32 @!p0 $0x1  }
0xba: {  	s26 =	simm.s32 $execute0_lowered;
	[smem:$0x3FD2] =	sst s25  }
0xbb: {  	s7 =	sshll.u32 s26, $0x1;
	_ =	strace $0x80000049;
	[dreg:$0x1] =	wrdreg $0xFFFFFFFF  }
0xbc: {  	s28 =	simm.s32 $_size_execute0_lowered;
	s5 =	sadd.s32 s5, s7;
	[dreg:$0x0] =	wrdreg $0x0  }
0xbd: {  	s7 =	sshll.u32 s28, $0x1;
	[dreg:$0x2] =	wrdreg s5  }
0xbe: {  	[dreg:$0x3] =	wrdreg s7  }
0xbf: {  	[dreg:$0x4] =	wrdreg $0xC0  }
0xc0: {  	_ =	task [dreg:s22], $0x5FFFF  }
0xc1: {  	[dreg:$0x1] =	wrdreg $0xFFFFFFFF  }
0xc2: {  	[dreg:$0x0] =	wrdreg $0x60  }
0xc3: {  	[dreg:$0x2] =	wrdreg s24  }
0xc4: {  	[dreg:$0x3] =	wrdreg s17  }
0xc5: {  	[dreg:$0x4] =	wrdreg s18  }
0xc6: {  	[dreg:$0x5] =	wrdreg $0x9  }
0xc7: {  	_ =	task.clear_ibuf [dreg:s22], $0x6FFFF;
	_ =	strace $0x90000049  }
0xc8: {  	s29 =	simm.s32 $0x9;
	_ =	strace $0x8000004B  }
0xc9: {  	_ =	swait.ge [sflag:s29], $0x1  }
0xca: {  	[sflag:s29] =	ssyncadd.s32 $0xFFFFFFFF  }
0xcb: {  	_ =	strace $0x9000004B  }
0xcc: {  	_ =	sfence  }
0xcd: {  	s30 =	sld [smem:$0x0];
	_ =	sdelay $0x2  }
0xce: {  	s31 =	sshll.u32 s1, $0xD;
	s1 =	sshrl.u32 s1, $0x2  }
0xcf: {  	s4 =	sand.u32 $0x4000, s31;
	s1 =	sadd.s32 s1, s30  }
0xd0: {  	s0 =	sor.u32 s4, s0;
	s1 =	sshll.u32 s1, $0x11  }
0xd1: {  	s0 =	sor.u32 s1, s0  }
0xd2: {  	s0 =	sadd.s32 $0x8F2B, s0  }
0xd3: {  	[sflag:s0] =	ssyncadd.remote.s32 $0x1  }
0xd4: {  	_ =	sfence.sel $0xFFFF  }
0xd5: {  	[dreg:$0x0] =	wrdreg $0xFFFFFFFF;
	(pc) =	sbr.abs _section_cstart, $3  }
0xd6: {  	[dreg:$0x1] =	wrdreg $0xFFFFFFFF  }
0xd7: {  	_ =	task.clear_ibuf [dreg:s22], $0x2FFFF;
	_ =	strace $0x9FFFFFFF  }
0xd8: {  	(tm) =	ssettm $0x7FFFFFFF  }
0xd9: {  	_ =	shalt  }
tec
execute0_lowered:
.L_overlay_start_1:
0x0: {  	(tag) =	ssettag $0x1  }
0x1: {  	s0 =	rddreg [dreg:$0x0]  }
0x2: {  	s1 =	rddreg [dreg:$0x1]  }
0x3: {  	s2 =	simm.s32 $0x0;
	s28 =	srdreg.scid;
	s8 =	stileid.u32  }
0x4: {  	s11 =	simm.s32 $0x2;
	s13 =	simm.s32 $0x100;
	s31 =	simm.s32 $0x8900  }
0x5: {  	s10 =	simm.s32 $0xA100;
	s12 =	simm.s32 $0xB900;
	s14 =	simm.s32 $0xC100  }
0x6: {  	s15 =	simm.s32 $0xC900;
	s16 =	simm.s32 $0xD100;
	s17 =	simm.s32 $0xD900  }
0x7: {  	s18 =	simm.s32 $0xE100;
	s19 =	simm.s32 $0xE900;
	s20 =	simm.s32 $0xF100  }
0x8: {  	s21 =	simm.s32 $0xF900;
	s22 =	simm.s32 $0x1;
	s24 =	simm.s32 $0x0  }
0x9: {  	[smem:$0x7FF] =	sst s2;
	s2 =	sand.u32 $0x1, s28;
	s3 =	sshll.u32 s8, $0x1  }
0xa: {  	s5 =	sadd.s32 $0x4600, s0;
	s6 =	sadd.s32 $0x79A00, s0;
	s7 =	sadd.s32 $0xA8800, s0  }
0xb: {  	p0 =	seq.s32 s8, $0x0;
	s4 =	ssub.s32 $0x2, s2;
	s2 =	sor.u32 s2, s3  }
0xc: {  	s8 =	simm.s32 $0x28;
	_ =	strace $0x8000004A;
	s9 =	smul.u32 $0x27, s2  }
0xd: {  	s8 =	simm.s32 @!p0 $0x27;
	s29 =	sshrl.u32 s4, $0x1;
	s2 =	smul.u32 $0x28, s2  }
0xe: {  	v2 =	vlaneseq.u32;
	s3 =	simm.s32 $0x9900;
	s30 =	ssub.s32 s4, s29;
	s9 =	sadd.s32 $0x2, s9  }
0xf: {  	vm0 =	vmmov $0xffff;
	v1 =	vshrl.u32 v2, $0x3;
	s4 =	simm.s32 $0xB100;
	s0 =	smax.u32 s30, $0x1;
	s9 =	smov.u32 @p0 s2  }
0x10: {  	v0 =	vand.u32 $0x7, v2;
	v2 =	vor.u32 $0x8, v2;
	v1 =	vmul.u32 $0x8, v1;
	[dreg:$0x4] =	wrdreg s0;
	s0 =	simm.s32 $0x9100;
	s2 =	simm.s32 $0xA900  }
.LBB2_1:
0x11: {  	[dreg:$0x5] =	wrdreg s24;
	s23 =	simm.s32 $0x0  }
.LBB2_2:
0x12: {  	s24 =	sadd.s32 s9, s23  }
0x13: {  	s26 =	sshll.u32 s24, $0x4  }
0x14: {  	s25 =	simm.s32 $0x0;
	s28 =	sadd.s32 s6, s26  }
0x15: {  	[tilespmem:s25], [sflag:$0x2] =	stream.linear.gather [hbm4b:s28+s25], $0x80, $0x38;
	[tilespmem:$0x10100] =	vst v63  }
0x16: {  	_ =	swait.ge [sflag:s11], $0x80  }
0x17: {  	[sflag:s11] =	ssyncset.done $0x0  }
0x18: {  	[sflag:s11] =	ssyncadd.s32 $0xFFFFFF80  }
0x19: {  	s28 =	rddreg [dreg:$0x2]  }
0x1a: {  	s26 =	sadd.s32 s28, s26;
	s28 =	simm.s32 $0x80  }
0x1b: {  	[tilespmem:s28], [sflag:$0x2] =	stream.linear.gather [hbm4b:s26+s25], $0x80, $0x38;
	[tilespmem:$0x10100] =	vst v63  }
0x1c: {  	_ =	swait.ge [sflag:s11], $0x80  }
0x1d: {  	[sflag:s11] =	ssyncset.done $0x0  }
0x1e: {  	[sflag:s11] =	ssyncadd.s32 $0xFFFFFF80  }
0x1f: {  	v3 =	vld [tilespmem:$0x0];
	_ =	sdelay $0x4  }
0x20: {  	v4 =	vshll.u32 v3, $0x1  }
0x21: {  	v3 =	vand.u32 $0x7, v3;
	v4 =	vand.u32 $0xFFFFFFF0, v4  }
0x22: {  	v3 =	vor.u32 v3, v4  }
0x23: {  	v4 =	vperm.xlane v3, v0;
	_ =	sdelay $0x1  }
0x24: {  	v3 =	vperm.xlane v3, v2;
	v4 =	vadd.s32 v1, v4;
	_ =	sdelay $0x1  }
0x25: {  	v3 =	vadd.s32 v1, v3;
	_ =	sdelay $0x2  }
0x26: {  	[tilespmem:s13], [sflag:$0x1] =	stream.indirect_vreg.gather [hbm4b:s5+s25], $0x80, v4, vm0, $0xb8;
	[tilespmem:$0x10100] =	vst v63  }
0x27: {  	s26 =	simm.s32 $0x900  }
0x28: {  	[tilespmem:s26], [sflag:$0x1] =	stream.indirect_vreg.gather [hbm4b:s5+s25], $0x80, v3, vm0, $0xb8;
	[tilespmem:$0x10100] =	vst v63  }
0x29: {  	v3 =	vld [tilespmem:$0x10];
	_ =	sdelay $0x4  }
0x2a: {  	v4 =	vshll.u32 v3, $0x1  }
0x2b: {  	v3 =	vand.u32 $0x7, v3;
	v4 =	vand.u32 $0xFFFFFFF0, v4  }
0x2c: {  	v3 =	vor.u32 v3, v4  }
0x2d: {  	v4 =	vperm.xlane v3, v0;
	_ =	sdelay $0x1  }
0x2e: {  	v3 =	vperm.xlane v3, v2;
	v4 =	vadd.s32 v1, v4;
	_ =	sdelay $0x1  }
0x2f: {  	v3 =	vadd.s32 v1, v3;
	_ =	sdelay $0x1  }
0x30: {  	s26 =	simm.s32 $0x1100  }
0x31: {  	[tilespmem:s26], [sflag:$0x1] =	stream.indirect_vreg.gather [hbm4b:s5+s25], $0x80, v4, vm0, $0xb8;
	[tilespmem:$0x10100] =	vst v63  }
0x32: {  	s26 =	simm.s32 $0x1900  }
0x33: {  	[tilespmem:s26], [sflag:$0x1] =	stream.indirect_vreg.gather [hbm4b:s5+s25], $0x80, v3, vm0, $0xb8;
	[tilespmem:$0x10100] =	vst v63  }
0x34: {  	v3 =	vld [tilespmem:$0x20];
	_ =	sdelay $0x4  }
0x35: {  	v4 =	vshll.u32 v3, $0x1  }
0x36: {  	v3 =	vand.u32 $0x7, v3;
	v4 =	vand.u32 $0xFFFFFFF0, v4  }
0x37: {  	v3 =	vor.u32 v3, v4  }
0x38: {  	v4 =	vperm.xlane v3, v0;
	_ =	sdelay $0x1  }
0x39: {  	v3 =	vperm.xlane v3, v2;
	v4 =	vadd.s32 v1, v4;
	_ =	sdelay $0x1  }
0x3a: {  	v3 =	vadd.s32 v1, v3;
	_ =	sdelay $0x1  }
0x3b: {  	s26 =	simm.s32 $0x2100  }
0x3c: {  	[tilespmem:s26], [sflag:$0x1] =	stream.indirect_vreg.gather [hbm4b:s5+s25], $0x80, v4, vm0, $0xb8;
	[tilespmem:$0x10100] =	vst v63  }
0x3d: {  	s26 =	simm.s32 $0x2900  }
0x3e: {  	[tilespmem:s26], [sflag:$0x1] =	stream.indirect_vreg.gather [hbm4b:s5+s25], $0x80, v3, vm0, $0xb8;
	[tilespmem:$0x10100] =	vst v63  }
0x3f: {  	v3 =	vld [tilespmem:$0x30];
	_ =	sdelay $0x4  }
0x40: {  	v4 =	vshll.u32 v3, $0x1  }
0x41: {  	v3 =	vand.u32 $0x7, v3;
	v4 =	vand.u32 $0xFFFFFFF0, v4  }
0x42: {  	v3 =	vor.u32 v3, v4  }
0x43: {  	v4 =	vperm.xlane v3, v0;
	_ =	sdelay $0x1  }
0x44: {  	v3 =	vperm.xlane v3, v2;
	v4 =	vadd.s32 v1, v4;
	_ =	sdelay $0x1  }
0x45: {  	v3 =	vadd.s32 v1, v3;
	_ =	sdelay $0x1  }
0x46: {  	s26 =	simm.s32 $0x3100  }
0x47: {  	[tilespmem:s26], [sflag:$0x1] =	stream.indirect_vreg.gather [hbm4b:s5+s25], $0x80, v4, vm0, $0xb8;
	[tilespmem:$0x10100] =	vst v63  }
0x48: {  	s26 =	simm.s32 $0x3900  }
0x49: {  	[tilespmem:s26], [sflag:$0x1] =	stream.indirect_vreg.gather [hbm4b:s5+s25], $0x80, v3, vm0, $0xb8;
	[tilespmem:$0x10100] =	vst v63  }
0x4a: {  	v3 =	vld [tilespmem:$0x40];
	_ =	sdelay $0x4  }
0x4b: {  	v4 =	vshll.u32 v3, $0x1  }
0x4c: {  	v3 =	vand.u32 $0x7, v3;
	v4 =	vand.u32 $0xFFFFFFF0, v4  }
0x4d: {  	v3 =	vor.u32 v3, v4  }
0x4e: {  	v4 =	vperm.xlane v3, v0;
	_ =	sdelay $0x1  }
0x4f: {  	v3 =	vperm.xlane v3, v2;
	v4 =	vadd.s32 v1, v4;
	_ =	sdelay $0x1  }
0x50: {  	v3 =	vadd.s32 v1, v3;
	_ =	sdelay $0x1  }
0x51: {  	s26 =	simm.s32 $0x4100  }
0x52: {  	[tilespmem:s26], [sflag:$0x1] =	stream.indirect_vreg.gather [hbm4b:s5+s25], $0x80, v4, vm0, $0xb8;
	[tilespmem:$0x10100] =	vst v63  }
0x53: {  	s26 =	simm.s32 $0x4900  }
0x54: {  	[tilespmem:s26], [sflag:$0x1] =	stream.indirect_vreg.gather [hbm4b:s5+s25], $0x80, v3, vm0, $0xb8;
	[tilespmem:$0x10100] =	vst v63  }
0x55: {  	v3 =	vld [tilespmem:$0x50];
	_ =	sdelay $0x4  }
0x56: {  	v4 =	vshll.u32 v3, $0x1  }
0x57: {  	v3 =	vand.u32 $0x7, v3;
	v4 =	vand.u32 $0xFFFFFFF0, v4  }
0x58: {  	v3 =	vor.u32 v3, v4  }
0x59: {  	v4 =	vperm.xlane v3, v0;
	_ =	sdelay $0x1  }
0x5a: {  	v3 =	vperm.xlane v3, v2;
	v4 =	vadd.s32 v1, v4;
	_ =	sdelay $0x1  }
0x5b: {  	v3 =	vadd.s32 v1, v3;
	_ =	sdelay $0x1  }
0x5c: {  	s26 =	simm.s32 $0x5100  }
0x5d: {  	[tilespmem:s26], [sflag:$0x1] =	stream.indirect_vreg.gather [hbm4b:s5+s25], $0x80, v4, vm0, $0xb8;
	[tilespmem:$0x10100] =	vst v63  }
0x5e: {  	s26 =	simm.s32 $0x5900  }
0x5f: {  	[tilespmem:s26], [sflag:$0x1] =	stream.indirect_vreg.gather [hbm4b:s5+s25], $0x80, v3, vm0, $0xb8;
	[tilespmem:$0x10100] =	vst v63  }
0x60: {  	v3 =	vld [tilespmem:$0x60];
	_ =	sdelay $0x4  }
0x61: {  	v4 =	vshll.u32 v3, $0x1  }
0x62: {  	v3 =	vand.u32 $0x7, v3;
	v4 =	vand.u32 $0xFFFFFFF0, v4  }
0x63: {  	v3 =	vor.u32 v3, v4  }
0x64: {  	v4 =	vperm.xlane v3, v0;
	_ =	sdelay $0x1  }
0x65: {  	v3 =	vperm.xlane v3, v2;
	v4 =	vadd.s32 v1, v4;
	_ =	sdelay $0x1  }
0x66: {  	v3 =	vadd.s32 v1, v3;
	_ =	sdelay $0x1  }
0x67: {  	s26 =	simm.s32 $0x6100  }
0x68: {  	[tilespmem:s26], [sflag:$0x1] =	stream.indirect_vreg.gather [hbm4b:s5+s25], $0x80, v4, vm0, $0xb8;
	[tilespmem:$0x10100] =	vst v63  }
0x69: {  	s26 =	simm.s32 $0x6900  }
0x6a: {  	[tilespmem:s26], [sflag:$0x1] =	stream.indirect_vreg.gather [hbm4b:s5+s25], $0x80, v3, vm0, $0xb8;
	[tilespmem:$0x10100] =	vst v63  }
0x6b: {  	v3 =	vld [tilespmem:$0x70];
	_ =	sdelay $0x4  }
0x6c: {  	v4 =	vshll.u32 v3, $0x1  }
0x6d: {  	v3 =	vand.u32 $0x7, v3;
	v4 =	vand.u32 $0xFFFFFFF0, v4  }
0x6e: {  	v3 =	vor.u32 v3, v4  }
0x6f: {  	v4 =	vperm.xlane v3, v0;
	_ =	sdelay $0x1  }
0x70: {  	v3 =	vperm.xlane v3, v2;
	v4 =	vadd.s32 v1, v4;
	_ =	sdelay $0x1  }
0x71: {  	v3 =	vadd.s32 v1, v3;
	_ =	sdelay $0x1  }
0x72: {  	s26 =	simm.s32 $0x7100  }
0x73: {  	[tilespmem:s26], [sflag:$0x1] =	stream.indirect_vreg.gather [hbm4b:s5+s25], $0x80, v4, vm0, $0xb8;
	[tilespmem:$0x10100] =	vst v63  }
0x74: {  	s26 =	simm.s32 $0x7900  }
0x75: {  	[tilespmem:s26], [sflag:$0x1] =	stream.indirect_vreg.gather [hbm4b:s5+s25], $0x80, v3, vm0, $0xb8;
	[tilespmem:$0x10100] =	vst v63  }
0x76: {  	v3 =	vld [tilespmem:$0x80];
	_ =	sdelay $0x4  }
0x77: {  	v4 =	vshll.u32 v3, $0x1  }
0x78: {  	v3 =	vand.u32 $0x7, v3;
	v4 =	vand.u32 $0xFFFFFFF0, v4  }
0x79: {  	v3 =	vor.u32 v3, v4  }
0x7a: {  	v4 =	vperm.xlane v3, v0;
	_ =	sdelay $0x1  }
0x7b: {  	v3 =	vperm.xlane v3, v2;
	v4 =	vadd.s32 v1, v4;
	_ =	sdelay $0x1  }
0x7c: {  	v3 =	vadd.s32 v1, v3;
	_ =	sdelay $0x1  }
0x7d: {  	s26 =	simm.s32 $0x8100  }
0x7e: {  	[tilespmem:s26], [sflag:$0x1] =	stream.indirect_vreg.gather [hbm4b:s1+s25], $0x80, v4, vm0, $0xb8;
	[tilespmem:$0x10100] =	vst v63  }
0x7f: {  	_ = 	snop  }
0x80: {  	[tilespmem:s31], [sflag:$0x1] =	stream.indirect_vreg.gather [hbm4b:s1+s25], $0x80, v3, vm0, $0xb8;
	[tilespmem:$0x10100] =	vst v63  }
0x81: {  	v3 =	vld [tilespmem:$0x90];
	_ =	sdelay $0x4  }
0x82: {  	v4 =	vshll.u32 v3, $0x1  }
0x83: {  	v3 =	vand.u32 $0x7, v3;
	v4 =	vand.u32 $0xFFFFFFF0, v4  }
0x84: {  	v3 =	vor.u32 v3, v4  }
0x85: {  	v4 =	vperm.xlane v3, v0;
	_ =	sdelay $0x1  }
0x86: {  	v3 =	vperm.xlane v3, v2;
	v4 =	vadd.s32 v1, v4;
	_ =	sdelay $0x1  }
0x87: {  	v3 =	vadd.s32 v1, v3;
	_ =	sdelay $0x2  }
0x88: {  	[tilespmem:s0], [sflag:$0x1] =	stream.indirect_vreg.gather [hbm4b:s1+s25], $0x80, v4, vm0, $0xb8;
	[tilespmem:$0x10100] =	vst v63  }
0x89: {  	_ = 	snop  }
0x8a: {  	[tilespmem:s3], [sflag:$0x1] =	stream.indirect_vreg.gather [hbm4b:s1+s25], $0x80, v3, vm0, $0xb8;
	[tilespmem:$0x10100] =	vst v63  }
0x8b: {  	v3 =	vld [tilespmem:$0xA0];
	_ =	sdelay $0x4  }
0x8c: {  	v4 =	vshll.u32 v3, $0x1  }
0x8d: {  	v3 =	vand.u32 $0x7, v3;
	v4 =	vand.u32 $0xFFFFFFF0, v4  }
0x8e: {  	v3 =	vor.u32 v3, v4  }
0x8f: {  	v4 =	vperm.xlane v3, v0;
	_ =	sdelay $0x1  }
0x90: {  	v3 =	vperm.xlane v3, v2;
	v4 =	vadd.s32 v1, v4;
	_ =	sdelay $0x1  }
0x91: {  	v3 =	vadd.s32 v1, v3;
	_ =	sdelay $0x2  }
0x92: {  	[tilespmem:s10], [sflag:$0x1] =	stream.indirect_vreg.gather [hbm4b:s1+s25], $0x80, v4, vm0, $0xb8;
	[tilespmem:$0x10100] =	vst v63  }
0x93: {  	_ = 	snop  }
0x94: {  	[tilespmem:s2], [sflag:$0x1] =	stream.indirect_vreg.gather [hbm4b:s1+s25], $0x80, v3, vm0, $0xb8;
	[tilespmem:$0x10100] =	vst v63  }
0x95: {  	v3 =	vld [tilespmem:$0xB0];
	_ =	sdelay $0x4  }
0x96: {  	v4 =	vshll.u32 v3, $0x1  }
0x97: {  	v3 =	vand.u32 $0x7, v3;
	v4 =	vand.u32 $0xFFFFFFF0, v4  }
0x98: {  	v3 =	vor.u32 v3, v4  }
0x99: {  	v4 =	vperm.xlane v3, v0;
	_ =	sdelay $0x1  }
0x9a: {  	v3 =	vperm.xlane v3, v2;
	v4 =	vadd.s32 v1, v4;
	_ =	sdelay $0x1  }
0x9b: {  	v3 =	vadd.s32 v1, v3;
	_ =	sdelay $0x2  }
0x9c: {  	[tilespmem:s4], [sflag:$0x1] =	stream.indirect_vreg.gather [hbm4b:s1+s25], $0x80, v4, vm0, $0xb8;
	[tilespmem:$0x10100] =	vst v63  }
0x9d: {  	_ = 	snop  }
0x9e: {  	[tilespmem:s12], [sflag:$0x1] =	stream.indirect_vreg.gather [hbm4b:s1+s25], $0x80, v3, vm0, $0xb8;
	[tilespmem:$0x10100] =	vst v63  }
0x9f: {  	v3 =	vld [tilespmem:$0xC0];
	_ =	sdelay $0x4  }
0xa0: {  	v4 =	vshll.u32 v3, $0x1  }
0xa1: {  	v3 =	vand.u32 $0x7, v3;
	v4 =	vand.u32 $0xFFFFFFF0, v4  }
0xa2: {  	v3 =	vor.u32 v3, v4  }
0xa3: {  	v4 =	vperm.xlane v3, v0;
	_ =	sdelay $0x1  }
0xa4: {  	v3 =	vperm.xlane v3, v2;
	v4 =	vadd.s32 v1, v4;
	_ =	sdelay $0x1  }
0xa5: {  	v3 =	vadd.s32 v1, v3;
	_ =	sdelay $0x2  }
0xa6: {  	[tilespmem:s14], [sflag:$0x1] =	stream.indirect_vreg.gather [hbm4b:s1+s25], $0x80, v4, vm0, $0xb8;
	[tilespmem:$0x10100] =	vst v63  }
0xa7: {  	_ = 	snop  }
0xa8: {  	[tilespmem:s15], [sflag:$0x1] =	stream.indirect_vreg.gather [hbm4b:s1+s25], $0x80, v3, vm0, $0xb8;
	[tilespmem:$0x10100] =	vst v63  }
0xa9: {  	v3 =	vld [tilespmem:$0xD0];
	_ =	sdelay $0x4  }
0xaa: {  	v4 =	vshll.u32 v3, $0x1  }
0xab: {  	v3 =	vand.u32 $0x7, v3;
	v4 =	vand.u32 $0xFFFFFFF0, v4  }
0xac: {  	v3 =	vor.u32 v3, v4  }
0xad: {  	v4 =	vperm.xlane v3, v0;
	_ =	sdelay $0x1  }
0xae: {  	v3 =	vperm.xlane v3, v2;
	v4 =	vadd.s32 v1, v4;
	_ =	sdelay $0x1  }
0xaf: {  	v3 =	vadd.s32 v1, v3;
	_ =	sdelay $0x2  }
0xb0: {  	[tilespmem:s16], [sflag:$0x1] =	stream.indirect_vreg.gather [hbm4b:s1+s25], $0x80, v4, vm0, $0xb8;
	[tilespmem:$0x10100] =	vst v63  }
0xb1: {  	_ = 	snop  }
0xb2: {  	[tilespmem:s17], [sflag:$0x1] =	stream.indirect_vreg.gather [hbm4b:s1+s25], $0x80, v3, vm0, $0xb8;
	[tilespmem:$0x10100] =	vst v63  }
0xb3: {  	v3 =	vld [tilespmem:$0xE0];
	_ =	sdelay $0x4  }
0xb4: {  	v4 =	vshll.u32 v3, $0x1  }
0xb5: {  	v3 =	vand.u32 $0x7, v3;
	v4 =	vand.u32 $0xFFFFFFF0, v4  }
0xb6: {  	v3 =	vor.u32 v3, v4  }
0xb7: {  	v4 =	vperm.xlane v3, v0;
	_ =	sdelay $0x1  }
0xb8: {  	v3 =	vperm.xlane v3, v2;
	v4 =	vadd.s32 v1, v4;
	_ =	sdelay $0x1  }
0xb9: {  	v3 =	vadd.s32 v1, v3;
	_ =	sdelay $0x2  }
0xba: {  	[tilespmem:s18], [sflag:$0x1] =	stream.indirect_vreg.gather [hbm4b:s1+s25], $0x80, v4, vm0, $0xb8;
	[tilespmem:$0x10100] =	vst v63  }
0xbb: {  	_ = 	snop  }
0xbc: {  	[tilespmem:s19], [sflag:$0x1] =	stream.indirect_vreg.gather [hbm4b:s1+s25], $0x80, v3, vm0, $0xb8;
	[tilespmem:$0x10100] =	vst v63  }
0xbd: {  	v3 =	vld [tilespmem:$0xF0];
	_ =	sdelay $0x4  }
0xbe: {  	v4 =	vshll.u32 v3, $0x1  }
0xbf: {  	v3 =	vand.u32 $0x7, v3;
	v4 =	vand.u32 $0xFFFFFFF0, v4  }
0xc0: {  	v3 =	vor.u32 v3, v4  }
0xc1: {  	v4 =	vperm.xlane v3, v0;
	_ =	sdelay $0x1  }
0xc2: {  	v3 =	vperm.xlane v3, v2;
	v4 =	vadd.s32 v1, v4;
	_ =	sdelay $0x1  }
0xc3: {  	v3 =	vadd.s32 v1, v3;
	_ =	sdelay $0x2  }
0xc4: {  	[tilespmem:s20], [sflag:$0x1] =	stream.indirect_vreg.gather [hbm4b:s1+s25], $0x80, v4, vm0, $0xb8;
	[tilespmem:$0x10100] =	vst v63  }
0xc5: {  	_ = 	snop  }
0xc6: {  	[tilespmem:s21], [sflag:$0x1] =	stream.indirect_vreg.gather [hbm4b:s1+s25], $0x80, v3, vm0, $0xb8;
	[tilespmem:$0x10100] =	vst v63  }
0xc7: {  	_ =	swait.ge [sflag:s22], $0x8000  }
0xc8: {  	[sflag:s22] =	ssyncset.done $0x0  }
0xc9: {  	[sflag:s22] =	ssyncadd.s32 $0xFFFF8000  }
0xca: {  	_ =	swait.ge [sflag:s22], $0x8000  }
0xcb: {  	s26 =	sand.u32 $0x7800, s25;
	s25 =	sand.u32 $0x380, s25;
	[sflag:s22] =	ssyncset.done $0x0  }
0xcc: {  	s25 =	sor.u32 s25, s26;
	[sflag:s22] =	ssyncadd.s32 $0xFFFF8000  }
0xcd: {  	v3 =	vld [tilespmem:s25+$0x8570]  }
0xce: {  	v4 =	vld [tilespmem:s25+$0x8100]  }
0xcf: {  	v5 =	vld [tilespmem:s25+$0x8110]  }
0xd0: {  	v6 =	vld [tilespmem:s25+$0x8120]  }
0xd1: {  	v7 =	vld [tilespmem:s25+$0x8130]  }
0xd2: {  	v8 =	vld [tilespmem:s25+$0x8140]  }
0xd3: {  	v9 =	vld [tilespmem:s25+$0x8150]  }
0xd4: {  	v10 =	vld [tilespmem:s25+$0x8160]  }
0xd5: {  	v11 =	vld [tilespmem:s25+$0x8170]  }
0xd6: {  	v12 =	vld [tilespmem:s25+$0x8500]  }
0xd7: {  	v13 =	vld [tilespmem:s25+$0x8510]  }
0xd8: {  	v14 =	vld [tilespmem:s25+$0x8520]  }
0xd9: {  	v15 =	vld [tilespmem:s25+$0x8530]  }
0xda: {  	v16 =	vld [tilespmem:s25+$0x8540]  }
0xdb: {  	v17 =	vld [tilespmem:s25+$0x8550]  }
0xdc: {  	[tilespmem:s25+$0x570] =	vst.add.f32.msk $0xffff, v3  }
0xdd: {  	v3 =	vld [tilespmem:s25+$0x8560]  }
0xde: {  	[tilespmem:s25+$0x100] =	vst.add.f32.msk $0xffff, v4  }
0xdf: {  	[tilespmem:s25+$0x110] =	vst.add.f32.msk $0xffff, v5  }
0xe0: {  	[tilespmem:s25+$0x120] =	vst.add.f32.msk $0xffff, v6  }
0xe1: {  	[tilespmem:s25+$0x130] =	vst.add.f32.msk $0xffff, v7  }
0xe2: {  	[tilespmem:s25+$0x140] =	vst.add.f32.msk $0xffff, v8  }
0xe3: {  	[tilespmem:s25+$0x150] =	vst.add.f32.msk $0xffff, v9  }
0xe4: {  	[tilespmem:s25+$0x160] =	vst.add.f32.msk $0xffff, v10  }
0xe5: {  	[tilespmem:s25+$0x170] =	vst.add.f32.msk $0xffff, v11  }
0xe6: {  	[tilespmem:s25+$0x500] =	vst.add.f32.msk $0xffff, v12  }
0xe7: {  	[tilespmem:s25+$0x510] =	vst.add.f32.msk $0xffff, v13  }
0xe8: {  	[tilespmem:s25+$0x520] =	vst.add.f32.msk $0xffff, v14  }
0xe9: {  	[tilespmem:s25+$0x530] =	vst.add.f32.msk $0xffff, v15  }
0xea: {  	s28 =	simm.s32 $0x100;
	s26 =	simm.s32 $0x80;
	[tilespmem:s25+$0x540] =	vst.add.f32.msk $0xffff, v16  }
0xeb: {  	s29 =	sand.u32 $0x7800, s28;
	s28 =	simm.s32 $0x200;
	s30 =	sand.u32 $0x380, s26;
	[tilespmem:s25+$0x550] =	vst.add.f32.msk $0xffff, v17  }
.LBB2_3:
0xec: {  	p0 =	sne.s32 s28, $0x7F00;
	[tilespmem:s25+$0x560] =	vst.add.f32.msk $0xffff, v3;
	s25 =	sor.u32 s30, s29  }
0xed: {  	v3 =	vld [tilespmem:s25+$0x8570]  }
0xee: {  	v4 =	vld [tilespmem:s25+$0x8100]  }
0xef: {  	v5 =	vld [tilespmem:s25+$0x8110]  }
0xf0: {  	v6 =	vld [tilespmem:s25+$0x8120]  }
0xf1: {  	v7 =	vld [tilespmem:s25+$0x8130]  }
0xf2: {  	[tilespmem:s25+$0x570] =	vst.add.f32.msk $0xffff, v3  }
0xf3: {  	v8 =	vld [tilespmem:s25+$0x8140]  }
0xf4: {  	v9 =	vld [tilespmem:s25+$0x8150]  }
0xf5: {  	v10 =	vld [tilespmem:s25+$0x8160]  }
0xf6: {  	v11 =	vld [tilespmem:s25+$0x8170]  }
0xf7: {  	v12 =	vld [tilespmem:s25+$0x8500]  }
0xf8: {  	v13 =	vld [tilespmem:s25+$0x8510]  }
0xf9: {  	v14 =	vld [tilespmem:s25+$0x8520]  }
0xfa: {  	v15 =	vld [tilespmem:s25+$0x8530]  }
0xfb: {  	v16 =	vld [tilespmem:s25+$0x8540]  }
0xfc: {  	v17 =	vld [tilespmem:s25+$0x8550]  }
0xfd: {  	v3 =	vld [tilespmem:s25+$0x8560]  }
0xfe: {  	[tilespmem:s25+$0x100] =	vst.add.f32.msk $0xffff, v4  }
0xff: {  	[tilespmem:s25+$0x110] =	vst.add.f32.msk $0xffff, v5  }
0x100: {  	[tilespmem:s25+$0x120] =	vst.add.f32.msk $0xffff, v6  }
0x101: {  	[tilespmem:s25+$0x130] =	vst.add.f32.msk $0xffff, v7  }
0x102: {  	[tilespmem:s25+$0x140] =	vst.add.f32.msk $0xffff, v8  }
0x103: {  	[tilespmem:s25+$0x150] =	vst.add.f32.msk $0xffff, v9  }
0x104: {  	[tilespmem:s25+$0x160] =	vst.add.f32.msk $0xffff, v10  }
0x105: {  	[tilespmem:s25+$0x170] =	vst.add.f32.msk $0xffff, v11  }
0x106: {  	[tilespmem:s25+$0x500] =	vst.add.f32.msk $0xffff, v12  }
.Ltmp0:
0x107: {  	[tilespmem:s25+$0x510] =	vst.add.f32.msk $0xffff, v13;
	(pc) =	sbr.rel @p0 .LBB2_3-.Ltmp0, $4  }
0x108: {  	[tilespmem:s25+$0x520] =	vst.add.f32.msk $0xffff, v14  }
0x109: {  	[tilespmem:s25+$0x530] =	vst.add.f32.msk $0xffff, v15  }
0x10a: {  	s26 =	sadd.s32 $0x80, s26;
	[tilespmem:s25+$0x540] =	vst.add.f32.msk $0xffff, v16  }
0x10b: {  	s29 =	sand.u32 $0x7800, s28;
	s28 =	sadd.s32 $0x100, s28;
	s30 =	sand.u32 $0x380, s26;
	[tilespmem:s25+$0x550] =	vst.add.f32.msk $0xffff, v17  }
0x10c: {  	s26 =	sor.u32 s30, s29;
	[tilespmem:s25+$0x560] =	vst.add.f32.msk $0xffff, v3  }
0x10d: {  	v3 =	vld [tilespmem:s26+$0x8570]  }
0x10e: {  	v4 =	vld [tilespmem:s26+$0x8100]  }
0x10f: {  	v5 =	vld [tilespmem:s26+$0x8110]  }
0x110: {  	v6 =	vld [tilespmem:s26+$0x8120]  }
0x111: {  	v7 =	vld [tilespmem:s26+$0x8130]  }
0x112: {  	v8 =	vld [tilespmem:s26+$0x8150]  }
0x113: {  	v9 =	vld [tilespmem:s26+$0x8160]  }
0x114: {  	v10 =	vld [tilespmem:s26+$0x8170]  }
0x115: {  	v11 =	vld [tilespmem:s26+$0x8500]  }
0x116: {  	v12 =	vld [tilespmem:s26+$0x8510]  }
0x117: {  	v13 =	vld [tilespmem:s26+$0x8520]  }
0x118: {  	v14 =	vld [tilespmem:s26+$0x8530]  }
0x119: {  	v15 =	vld [tilespmem:s26+$0x8540]  }
0x11a: {  	v16 =	vld [tilespmem:s26+$0x8550]  }
0x11b: {  	v17 =	vld [tilespmem:s26+$0x8560]  }
0x11c: {  	[tilespmem:s26+$0x570] =	vst.add.f32.msk $0xffff, v3  }
0x11d: {  	v3 =	vld [tilespmem:s26+$0x8140]  }
0x11e: {  	[tilespmem:s26+$0x100] =	vst.add.f32.msk $0xffff, v4  }
0x11f: {  	[tilespmem:s26+$0x110] =	vst.add.f32.msk $0xffff, v5  }
0x120: {  	[tilespmem:s26+$0x120] =	vst.add.f32.msk $0xffff, v6  }
0x121: {  	[tilespmem:s26+$0x130] =	vst.add.f32.msk $0xffff, v7  }
0x122: {  	[tilespmem:s26+$0x150] =	vst.add.f32.msk $0xffff, v8  }
0x123: {  	[tilespmem:s26+$0x160] =	vst.add.f32.msk $0xffff, v9  }
0x124: {  	[tilespmem:s26+$0x170] =	vst.add.f32.msk $0xffff, v10  }
0x125: {  	[tilespmem:s26+$0x500] =	vst.add.f32.msk $0xffff, v11  }
0x126: {  	[tilespmem:s26+$0x510] =	vst.add.f32.msk $0xffff, v12  }
0x127: {  	[tilespmem:s26+$0x520] =	vst.add.f32.msk $0xffff, v13  }
0x128: {  	[tilespmem:s26+$0x530] =	vst.add.f32.msk $0xffff, v14  }
0x129: {  	[tilespmem:s26+$0x540] =	vst.add.f32.msk $0xffff, v15  }
0x12a: {  	s23 =	sadd.s32 $0x1, s23;
	[tilespmem:s26+$0x550] =	vst.add.f32.msk $0xffff, v16  }
0x12b: {  	s24 =	sshll.u32 s24, $0xC;
	p0 =	sne.s32 s23, s8;
	[tilespmem:s26+$0x560] =	vst.add.f32.msk $0xffff, v17  }
.Ltmp1:
0x12c: {  	s30 =	simm.s32 $0x0;
	s24 =	sadd.s32 s7, s24;
	[tilespmem:s26+$0x140] =	vst.add.f32.msk $0xffff, v3;
	(pc) =	sbr.rel @p0 .LBB2_2-.Ltmp1, $4  }
0x12d: {  	[hbm4b:s24+s30] =	stream.linear.scatter [tilespmem:s13], [sflag:$0x2], $0x8000, $0x38;
	[tilespmem:$0x10100] =	vst v63  }
0x12e: {  	_ =	swait.ge [sflag:s11], $0x8000  }
0x12f: {  	[sflag:s11] =	ssyncset.done $0x0  }
0x130: {  	[sflag:s11] =	ssyncadd.s32 $0xFFFF8000  }
0x131: {  	s24 =	rddreg [dreg:$0x5]  }
0x132: {  	s23 =	rddreg [dreg:$0x4];
	s24 =	sadd.s32 $0x1, s24  }
0x133: {  	p0 =	sne.s32 s24, s23  }
.Ltmp2:
0x134: {  	_ = 	snop;
	(pc) =	sbr.rel @p0 .LBB2_1-.Ltmp2, $1  }
0x135: {  	_ =	sdelay $0x3  }
0x136: {  	_ =	sfence.sel $0x180000  }
0x137: {  	[bflag:$0x0] =	sbarrier.arrive $0xFFFF  }
0x138: {  	_ =	strace $0x9000004A  }
0x139: {  	s0 =	stileid.u32;
	[bflag:$0x2] =	sbarrier.arrive $0xFFFF  }
0x13a: {  	p0 =	sne.s32 s0, $0x0;
	s0 =	rddreg [dreg:$0x3]  }
0x13b: {  	s0 =	sadd.s32 @!p0 $0x100000, s0  }
0x13c: {  	[sflag:s0] =	ssyncadd.tile.s32 @!p0 $0x1;
	_ =	shalt  }
.Lfunc_end2:
_tile_overlayer_lowered:
.L_overlay_start_2:
0x13d: {  	(tag) =	ssettag $0x2  }
0x13e: {  	s0 =	rddreg [dreg:$0x0];
	s2 =	stileid.u32  }
0x13f: {  	s1 =	rddreg [dreg:$0x1];
	p0 =	sne.s32 s2, $0x0  }
0x140: {  	s3 =	rddreg [dreg:$0x2];
	[bflag:$0x3] =	sbarrier.arrive $0xFFFF;
	s2 =	simm.s32 @!p0 $0x1C02  }
0x141: {  	[timem:s3], [sflag:s2] =	dma.local @!p0 [hbm:s0], s1  }
0x142: {  	s0 =	simm.s32 @!p0 $0x2  }
0x143: {  	_ =	swait.ge @!p0 [sflag:s0], s1  }
0x144: {  	s1 =	ssub.s32 @!p0 $0x0, s1;
	[sflag:s0] =	ssyncset.done @!p0 $0x0  }
0x145: {  	[sflag:s0] =	ssyncadd.s32 @!p0 s1  }
0x146: {  	[bflag:$0x3] =	sbarrier.arrive $0xFFFF  }
0x147: {  	_ =	shalt  }

</sc_bundles>
